<compile_context>
chip_gen: v7x
topology: tpu7x:2x2x1
jax: 0.10.2.dev20260603
libtpu: 0.0.44.dev20260713+nightly
codegen_flags: <defaults>
</compile_context>

<pallas_src>
import functools

import jax
import jax.numpy as jnp
from jax import lax
from jax.experimental import pallas as pl
from jax.experimental.pallas import tpu as pltpu
from jax.experimental.pallas import tpu_sc as plsc

N = 10000
D = 256
E = 160000
EPS = 1e-5

NCORES = 2
NSUB = 16
HALF = D // 2

CHUNK = 80
NCH = (E // NSUB) // CHUNK

NPAD = 10240
ROWS_PER_SUB = NPAD // NSUB

_SC_PARAMS = pltpu.CompilerParams(use_tc_tiling_on_sc=False)


def _make_agg_kernel():
    mesh = plsc.VectorSubcoreMesh(core_axis_name="c", subcore_axis_name="s")

    scratch_types = [
        pltpu.VMEM((NCH, CHUNK), jnp.int32),
        pltpu.VMEM((NCH, CHUNK), jnp.int32),
        pltpu.VMEM((CHUNK, HALF), jnp.float32),
        pltpu.VMEM((CHUNK, HALF), jnp.float32),
        pltpu.VMEM_SHARED((NPAD, HALF), jnp.float32),
        pltpu.SemaphoreType.DMA,
        pltpu.SemaphoreType.DMA,
    ]

    def body(x2_hbm, idx_hbm, dst_hbm, agg_hbm, idx_v, dst_v, rows_a,
             rows_b, agg_sp, sem_a, sem_b):
        cid = lax.axis_index("c")
        sid = lax.axis_index("s")
        base = sid * ROWS_PER_SUB

        pltpu.sync_copy(idx_hbm.at[sid], idx_v)
        pltpu.sync_copy(dst_hbm.at[sid], dst_v)

        xh = x2_hbm.at[cid]

        pltpu.async_copy(xh.at[idx_v.at[0]], rows_a, sem_a)

        zero16 = jnp.zeros((16,), jnp.float32)

        @pl.loop(0, CHUNK)
        def _(r):
            for j in range(HALF // 16):
                rows_b[r, pl.ds(j * 16, 16)] = zero16

        for off in range(0, ROWS_PER_SUB - CHUNK + 1, CHUNK):
            pltpu.sync_copy(rows_b, agg_sp.at[pl.ds(base + off, CHUNK)])
        rem = ROWS_PER_SUB % CHUNK
        if rem:
            pltpu.sync_copy(rows_b.at[pl.ds(0, rem)],
                            agg_sp.at[pl.ds(base + ROWS_PER_SUB - rem, rem)])

        plsc.subcore_barrier()

        @pl.loop(0, NCH - 1, step=2)
        def _(k):
            pltpu.async_copy(xh.at[idx_v.at[k + 1]], rows_b, sem_b)
            pltpu.make_async_copy(xh.at[idx_v.at[k]], rows_a, sem_a).wait()
            pltpu.sync_copy(rows_a, agg_sp.at[dst_v.at[k]], add=True)

            pltpu.async_copy(xh.at[idx_v.at[k + 2]], rows_a, sem_a)
            pltpu.make_async_copy(xh.at[idx_v.at[k + 1]], rows_b,
                                  sem_b).wait()
            pltpu.sync_copy(rows_b, agg_sp.at[dst_v.at[k + 1]], add=True)

        pltpu.make_async_copy(xh.at[idx_v.at[NCH - 1]], rows_a,
                              sem_a).wait()
        pltpu.sync_copy(rows_a, agg_sp.at[dst_v.at[NCH - 1]], add=True)

        plsc.subcore_barrier()

        pltpu.sync_copy(agg_sp.at[pl.ds(base, ROWS_PER_SUB)],
                        agg_hbm.at[cid, pl.ds(base, ROWS_PER_SUB)])

    return pl.kernel(
        body,
        out_type=jax.ShapeDtypeStruct((NCORES, NPAD, HALF), jnp.float32),
        mesh=mesh, scratch_types=scratch_types, compiler_params=_SC_PARAMS)


CNT_CHUNK = 100
CNT_NCH = (E // NSUB) // CNT_CHUNK


def _make_cnt_kernel():
    mesh = plsc.VectorSubcoreMesh(core_axis_name="c", subcore_axis_name="s")
    split = CNT_NCH // NCORES

    scratch_types = [
        pltpu.VMEM((CNT_NCH, CNT_CHUNK), jnp.int32),
        pltpu.VMEM((CNT_CHUNK, 16), jnp.float32),
        pltpu.VMEM((ROWS_PER_SUB, 16), jnp.float32),
        pltpu.VMEM_SHARED((NPAD, 16), jnp.float32),
        pltpu.SemaphoreType.DMA,
    ]

    def body(dst_hbm, cnt_hbm, dst_v, ones_v, zcnt_v, cnt_sp, sem):
        cid = lax.axis_index("c")
        sid = lax.axis_index("s")
        base = sid * ROWS_PER_SUB

        pltpu.sync_copy(dst_hbm.at[sid], dst_v)

        zero16 = jnp.zeros((16,), jnp.float32)
        one16 = jnp.ones((16,), jnp.float32)

        @pl.loop(0, CNT_CHUNK)
        def _(r):
            ones_v[r, pl.ds(0, 16)] = one16

        @pl.loop(0, ROWS_PER_SUB)
        def _(r):
            zcnt_v[r, pl.ds(0, 16)] = zero16

        pltpu.sync_copy(zcnt_v, cnt_sp.at[pl.ds(base, ROWS_PER_SUB)])
        plsc.subcore_barrier()

        lo = cid * split
        hi = lo + jnp.where(cid == 0, split, CNT_NCH - split)

        @pl.loop(lo, hi)
        def _(k):
            pltpu.sync_copy(ones_v, cnt_sp.at[dst_v.at[k]], add=True)

        plsc.subcore_barrier()
        pltpu.sync_copy(cnt_sp.at[pl.ds(base, ROWS_PER_SUB)],
                        cnt_hbm.at[cid, pl.ds(base, ROWS_PER_SUB)])

    return pl.kernel(
        body,
        out_type=jax.ShapeDtypeStruct((NCORES, NPAD, 16), jnp.float32),
        mesh=mesh, scratch_types=scratch_types, compiler_params=_SC_PARAMS)


_agg = _make_agg_kernel()
_cnt = _make_cnt_kernel()


BN = 1000


def _tc_body(last, h_ref, a_ref, c_ref, wl_ref, bl_ref, wr_ref, g_ref, b_ref,
             o_ref):
    cnt = c_ref[0, :, :1] + c_ref[1, :, :1]
    r = 1.0 / jnp.maximum(cnt, 1.0)
    m0 = a_ref[0] * r
    m1 = a_ref[1] * r
    acc = jnp.dot(m0, wl_ref[:HALF, :], preferred_element_type=jnp.float32)
    acc += jnp.dot(m1, wl_ref[HALF:, :], preferred_element_type=jnp.float32)
    acc += jnp.dot(h_ref[0], wr_ref[:HALF, :],
                   preferred_element_type=jnp.float32)
    acc += jnp.dot(h_ref[1], wr_ref[HALF:, :],
                   preferred_element_type=jnp.float32)
    acc += bl_ref[...]
    if not last:
        mu = jnp.mean(acc, axis=-1, keepdims=True)
        xc = acc - mu
        var = jnp.mean(xc * xc, axis=-1, keepdims=True)
        acc = xc * lax.rsqrt(var + EPS) * g_ref[...] + b_ref[...]
        acc = jnp.maximum(acc, 0.0)
    if last:
        o_ref[...] = acc
    else:
        o_ref[0] = acc[:, :HALF]
        o_ref[1] = acc[:, HALF:]


def _tc_layer(h, agg, cnt, Wl, bl, Wr, g, b, last):
    grid = N // BN
    body = functools.partial(_tc_body, last)
    if last:
        out_spec = pl.BlockSpec((BN, D), lambda i: (i, 0))
        out_shape = jax.ShapeDtypeStruct((N, D), jnp.float32)
    else:
        out_spec = pl.BlockSpec((NCORES, BN, HALF), lambda i: (0, i, 0))
        out_shape = jax.ShapeDtypeStruct((NCORES, N, HALF), jnp.float32)
    return pl.pallas_call(
        body,
        grid=(grid,),
        in_specs=[
            pl.BlockSpec((NCORES, BN, HALF), lambda i: (0, i, 0)),
            pl.BlockSpec((NCORES, BN, HALF), lambda i: (0, i, 0)),
            pl.BlockSpec((NCORES, BN, 16), lambda i: (0, i, 0)),
            pl.BlockSpec((D, D), lambda i: (0, 0)),
            pl.BlockSpec((1, D), lambda i: (0, 0)),
            pl.BlockSpec((D, D), lambda i: (0, 0)),
            pl.BlockSpec((1, D), lambda i: (0, 0)),
            pl.BlockSpec((1, D), lambda i: (0, 0)),
        ],
        out_specs=out_spec,
        out_shape=out_shape,
    )(h, agg, cnt, Wl, bl, Wr, g, b)


def kernel(x, edge_index, Wl0, bl0, Wr0, Wl1, bl1, Wr1, Wl2, bl2, Wr2,
           g0, b0, g1, b1):
    src = edge_index[0].astype(jnp.int32)
    dst = edge_index[1].astype(jnp.int32)

    idx = src.reshape(NSUB, NCH, CHUNK)
    dstr = dst.reshape(NSUB, NCH, CHUNK)
    dstc = dst.reshape(NSUB, CNT_NCH, CNT_CHUNK)
    x2 = jnp.stack([x[:, :HALF], x[:, HALF:]])

    one_col = jnp.ones((1, D), jnp.float32)
    bl0r, bl1r, bl2r = bl0[None, :], bl1[None, :], bl2[None, :]
    g0r, b0r = g0[None, :], b0[None, :]
    g1r, b1r = g1[None, :], b1[None, :]

    cnt = _cnt(dstc)
    agg1 = _agg(x2, idx, dstr)
    h1 = _tc_layer(x2, agg1, cnt, Wl0, bl0r, Wr0, g0r, b0r, last=False)
    agg2 = _agg(h1, idx, dstr)
    h2 = _tc_layer(h1, agg2, cnt, Wl1, bl1r, Wr1, g1r, b1r, last=False)
    agg3 = _agg(h2, idx, dstr)
    out = _tc_layer(h2, agg3, cnt, Wl2, bl2r, Wr2, one_col, one_col, last=True)
    return out

# --- scband reference (transcript-rebuilt; emitter-appended) ---
"""Pipeline reference for scband-gnnencoder-25975962206659 (READ-ONLY COPY).

The authoritative reference and input builder live on the scoring server;
editing this copy changes nothing except your own understanding.
"""

import jax, jax.numpy as jnp
import numpy as np

N, D, E = 10000, 256, 160000
EPS = 1e-5


def sage_conv(x, src, dst, Wl, bl, Wr):
    # PyG SAGEConv with mean aggregation:
    # out_i = lin_l(mean_{j->i} x_j) + lin_r(x_i)
    msg = jnp.take(x, src, axis=0)
    agg = jax.ops.segment_sum(msg, dst, num_segments=x.shape[0])
    cnt = jax.ops.segment_sum(jnp.ones((src.shape[0],), x.dtype), dst, num_segments=x.shape[0])
    mean = agg / jnp.maximum(cnt, 1.0)[:, None]
    return mean @ Wl + bl + x @ Wr


def layer_norm(h, g, b):
    mu = jnp.mean(h, axis=-1, keepdims=True)
    var = jnp.var(h, axis=-1, keepdims=True)
    return (h - mu) / jnp.sqrt(var + EPS) * g + b


def setup_inputs(seed: int = 0) -> dict:
    key = jax.random.key(seed)
    ks = jax.random.split(key, 16)
    x = jax.random.normal(ks[0], (N, D), dtype=jnp.float32)
    edge_index = jax.random.randint(ks[1], (2, E), 0, N, dtype=jnp.int32)

    def lin(k, din, dout):
        return jax.random.normal(k, (din, dout), dtype=jnp.float32) / jnp.sqrt(din)

    inp = {"x": x, "edge_index": edge_index}
    for i in range(3):
        inp[f"Wl{i}"] = lin(ks[2 + 3 * i], D, D)
        inp[f"bl{i}"] = jnp.zeros((D,), jnp.float32)
        inp[f"Wr{i}"] = lin(ks[3 + 3 * i], D, D)
    for i in range(2):
        inp[f"g{i}"] = jnp.ones((D,), jnp.float32)
        inp[f"b{i}"] = jnp.zeros((D,), jnp.float32)
    return inp


def reference(x, edge_index, Wl0, bl0, Wr0, Wl1, bl1, Wr1, Wl2, bl2, Wr2, g0, b0, g1, b1):
    # dropout is identity in eval mode
    src, dst = edge_index[0], edge_index[1]
    h = sage_conv(x, src, dst, Wl0, bl0, Wr0)
    h = jax.nn.relu(layer_norm(h, g0, b0))
    h = sage_conv(h, src, dst, Wl1, bl1, Wr1)
    h = jax.nn.relu(layer_norm(h, g1, b1))
    h = sage_conv(h, src, dst, Wl2, bl2, Wr2)
    return h

if __name__ == "__main__":
    import jax
    _d = setup_inputs()
    print(jax.jit(kernel)(*tuple(_d.values())))

</pallas_src>

<mosaic_0001>
#map = affine_map<(d0, d1) -> (0, 0, 0)>
module attributes {stable_mosaic.version = 14 : i64} {
  func.func @body(%arg0: i32, %arg1: i32, %arg2: memref<2x10000x128xf32, #tpu.memory_space<hbm>>, %arg3: memref<16x125x80xi32, #tpu.memory_space<hbm>>, %arg4: memref<16x125x80xi32, #tpu.memory_space<hbm>>, %arg5: memref<2x10240x128xf32, #tpu.memory_space<hbm>>, %arg6: memref<125x80xi32, #tpu.memory_space<vmem>>, %arg7: memref<125x80xi32, #tpu.memory_space<vmem>>, %arg8: memref<80x128xf32, #tpu.memory_space<vmem>>, %arg9: memref<80x128xf32, #tpu.memory_space<vmem>>, %arg10: memref<10240x128xf32, #tpu.memory_space<vmem_shared>>, %arg11: memref<!tpu.dma_semaphore, #tpu.memory_space<semaphore_mem>>, %arg12: memref<!tpu.dma_semaphore, #tpu.memory_space<semaphore_mem>>) attributes {dimension_semantics = [#tpu.dimension_semantics<core_parallel>, #tpu.dimension_semantics<subcore_parallel>], iteration_bounds = array<i64: 2, 16>, scalar_prefetch = 0 : i64, scratch_operands = 7 : i64, tpu.core_type = #tpu.core_type<sc_vector_subcore>, window_params = [{transform_indices = #map}, {transform_indices = #map}, {transform_indices = #map}, {transform_indices = #map}]} {
    %mul3A = arith.constant 640 : i32
    %mul3A_0 = arith.muli %arg1, %mul3A : i32
    "tpu.region"() ({
      %run_scoped3A_47 = tpu.sem_alloc : memref<!tpu.dma_semaphore, #tpu.memory_space<semaphore_mem>>
      %dma_start3A_48 = arith.constant 0 : i32
      %dma_start3A_49 = arith.constant 0 : i32
      %dma_start3A_50 = tpu.memref_slice %arg3[%arg1, %dma_start3A_48, %dma_start3A_49] : memref<16x125x80xi32, #tpu.memory_space<hbm>> -> memref<1x125x80xi32, #tpu.memory_space<hbm>>
      %dma_start3A_51 = tpu.memref_squeeze %dma_start3A_50 : memref<1x125x80xi32, #tpu.memory_space<hbm>> -> memref<125x80xi32, #tpu.memory_space<hbm>>
      %dma_start3A_52 = arith.constant 0 : i32
      %dma_start3A_53 = arith.constant 0 : i32
      %dma_start3A_54 = tpu.memref_slice %arg3[%arg1, %dma_start3A_52, %dma_start3A_53] : memref<16x125x80xi32, #tpu.memory_space<hbm>> -> memref<1x125x80xi32, #tpu.memory_space<hbm>>
      %dma_start3A_55 = tpu.memref_squeeze %dma_start3A_54 : memref<1x125x80xi32, #tpu.memory_space<hbm>> -> memref<125x80xi32, #tpu.memory_space<hbm>>
      tpu.enqueue_dma source(%dma_start3A_55 : memref<125x80xi32, #tpu.memory_space<hbm>>) target(%arg6 : memref<125x80xi32, #tpu.memory_space<vmem>>) target_semaphore(%run_scoped3A_47 : memref<!tpu.dma_semaphore, #tpu.memory_space<semaphore_mem>>)
      %dma_wait3A_56 = arith.constant 0 : i32
      %dma_wait3A_57 = arith.constant 0 : i32
      %dma_wait3A_58 = tpu.memref_slice %arg3[%arg1, %dma_wait3A_56, %dma_wait3A_57] : memref<16x125x80xi32, #tpu.memory_space<hbm>> -> memref<1x125x80xi32, #tpu.memory_space<hbm>>
      %dma_wait3A_59 = tpu.memref_squeeze %dma_wait3A_58 : memref<1x125x80xi32, #tpu.memory_space<hbm>> -> memref<125x80xi32, #tpu.memory_space<hbm>>
      %dma_wait3A_60 = arith.constant 0 : i32
      %dma_wait3A_61 = arith.constant 0 : i32
      %dma_wait3A_62 = tpu.memref_slice %arg3[%arg1, %dma_wait3A_60, %dma_wait3A_61] : memref<16x125x80xi32, #tpu.memory_space<hbm>> -> memref<1x125x80xi32, #tpu.memory_space<hbm>>
      %dma_wait3A_63 = tpu.memref_squeeze %dma_wait3A_62 : memref<1x125x80xi32, #tpu.memory_space<hbm>> -> memref<125x80xi32, #tpu.memory_space<hbm>>
      tpu.wait_dma2 semaphore(%run_scoped3A_47 : memref<!tpu.dma_semaphore, #tpu.memory_space<semaphore_mem>>) src(%dma_wait3A_63 : memref<125x80xi32, #tpu.memory_space<hbm>>) dst(%arg6 : memref<125x80xi32, #tpu.memory_space<vmem>>)
      tpu.yield
    }) : () -> ()
    "tpu.region"() ({
      %run_scoped3A_47 = tpu.sem_alloc : memref<!tpu.dma_semaphore, #tpu.memory_space<semaphore_mem>>
      %dma_start3A_48 = arith.constant 0 : i32
      %dma_start3A_49 = arith.constant 0 : i32
      %dma_start3A_50 = tpu.memref_slice %arg4[%arg1, %dma_start3A_48, %dma_start3A_49] : memref<16x125x80xi32, #tpu.memory_space<hbm>> -> memref<1x125x80xi32, #tpu.memory_space<hbm>>
      %dma_start3A_51 = tpu.memref_squeeze %dma_start3A_50 : memref<1x125x80xi32, #tpu.memory_space<hbm>> -> memref<125x80xi32, #tpu.memory_space<hbm>>
      %dma_start3A_52 = arith.constant 0 : i32
      %dma_start3A_53 = arith.constant 0 : i32
      %dma_start3A_54 = tpu.memref_slice %arg4[%arg1, %dma_start3A_52, %dma_start3A_53] : memref<16x125x80xi32, #tpu.memory_space<hbm>> -> memref<1x125x80xi32, #tpu.memory_space<hbm>>
      %dma_start3A_55 = tpu.memref_squeeze %dma_start3A_54 : memref<1x125x80xi32, #tpu.memory_space<hbm>> -> memref<125x80xi32, #tpu.memory_space<hbm>>
      tpu.enqueue_dma source(%dma_start3A_55 : memref<125x80xi32, #tpu.memory_space<hbm>>) target(%arg7 : memref<125x80xi32, #tpu.memory_space<vmem>>) target_semaphore(%run_scoped3A_47 : memref<!tpu.dma_semaphore, #tpu.memory_space<semaphore_mem>>)
      %dma_wait3A_56 = arith.constant 0 : i32
      %dma_wait3A_57 = arith.constant 0 : i32
      %dma_wait3A_58 = tpu.memref_slice %arg4[%arg1, %dma_wait3A_56, %dma_wait3A_57] : memref<16x125x80xi32, #tpu.memory_space<hbm>> -> memref<1x125x80xi32, #tpu.memory_space<hbm>>
      %dma_wait3A_59 = tpu.memref_squeeze %dma_wait3A_58 : memref<1x125x80xi32, #tpu.memory_space<hbm>> -> memref<125x80xi32, #tpu.memory_space<hbm>>
      %dma_wait3A_60 = arith.constant 0 : i32
      %dma_wait3A_61 = arith.constant 0 : i32
      %dma_wait3A_62 = tpu.memref_slice %arg4[%arg1, %dma_wait3A_60, %dma_wait3A_61] : memref<16x125x80xi32, #tpu.memory_space<hbm>> -> memref<1x125x80xi32, #tpu.memory_space<hbm>>
      %dma_wait3A_63 = tpu.memref_squeeze %dma_wait3A_62 : memref<1x125x80xi32, #tpu.memory_space<hbm>> -> memref<125x80xi32, #tpu.memory_space<hbm>>
      tpu.wait_dma2 semaphore(%run_scoped3A_47 : memref<!tpu.dma_semaphore, #tpu.memory_space<semaphore_mem>>) src(%dma_wait3A_63 : memref<125x80xi32, #tpu.memory_space<hbm>>) dst(%arg7 : memref<125x80xi32, #tpu.memory_space<vmem>>)
      tpu.yield
    }) : () -> ()
    %dma_start3A = arith.constant 0 : i32
    %dma_start3A_1 = arith.constant 0 : i32
    %dma_start3A_2 = tpu.memref_slice %arg6[%dma_start3A, %dma_start3A_1] : memref<125x80xi32, #tpu.memory_space<vmem>> -> memref<1x80xi32, #tpu.memory_space<vmem>>
    %dma_start3A_3 = tpu.memref_squeeze %dma_start3A_2 : memref<1x80xi32, #tpu.memory_space<vmem>> -> memref<80xi32, #tpu.memory_space<vmem>>
    %dma_start3A_4 = arith.constant 0 : i32
    %dma_start3A_5 = arith.constant 0 : i32
    %dma_start3A_6 = tpu.memref_slice %arg2[%arg0, %dma_start3A_4, %dma_start3A_5] : memref<2x10000x128xf32, #tpu.memory_space<hbm>> -> memref<1x10000x128xf32, #tpu.memory_space<hbm>>
    %dma_start3A_7 = tpu.memref_squeeze %dma_start3A_6 : memref<1x10000x128xf32, #tpu.memory_space<hbm>> -> memref<10000x128xf32, #tpu.memory_space<hbm>>
    %dma_start3A_8 = arith.constant 0 : i32
    %dma_start3A_9 = arith.constant 0 : i32
    %dma_start3A_10 = tpu.memref_slice %dma_start3A_7[%dma_start3A_8, %dma_start3A_9] : memref<10000x128xf32, #tpu.memory_space<hbm>> -> memref<10000x128xf32, #tpu.memory_space<hbm>>
    tpu.enqueue_indirect_dma source(%dma_start3A_10 : memref<10000x128xf32, #tpu.memory_space<hbm>>) target(%arg8 : memref<80x128xf32, #tpu.memory_space<vmem>>) offsets(%dma_start3A_3 : memref<80xi32, #tpu.memory_space<vmem>>) semaphore(%arg11 : memref<!tpu.dma_semaphore, #tpu.memory_space<semaphore_mem>>)
    %broadcast_in_dim3A = arith.constant 0.000000e+00 : f32
    %broadcast_in_dim3A_11 = vector.broadcast %broadcast_in_dim3A : f32 to vector<16xf32>
    %scan3A = arith.constant 0 : i32
    %scan3A_12 = arith.constant 80 : i32
    %scan3A_13 = arith.addi %scan3A, %scan3A_12 : i32
    %scan3A_14 = arith.constant 1 : i32
    scf.for %scan3A_47 = %scan3A to %scan3A_13 step %scan3A_14  : i32 {
      %mul3A_48 = arith.constant 1 : i32
      %mul3A_49 = arith.muli %scan3A_47, %mul3A_48 : i32
      %add3A_50 = arith.constant 0 : i32
      %add3A_51 = arith.addi %add3A_50, %mul3A_49 : i32
      %swap3A = arith.index_cast %add3A_51 : i32 to index
      %swap3A_52 = arith.constant 0 : index
      %swap3A_53 = tpu.vector_load %arg9[%swap3A, %swap3A_52] {strides = array<i32>} : memref<80x128xf32, #tpu.memory_space<vmem>>, vector<1x16xf32>,
      %swap3A_54 = vector.shape_cast %swap3A_53 : vector<1x16xf32> to vector<16xf32>
      %swap3A_55 = vector.shape_cast %broadcast_in_dim3A_11 : vector<16xf32> to vector<1x16xf32>
      tpu.vector_store %arg9[%swap3A, %swap3A_52], %swap3A_55 {strides = array<i32>} : memref<80x128xf32, #tpu.memory_space<vmem>>, vector<1x16xf32>,
      %swap3A_56 = arith.index_cast %add3A_51 : i32 to index
      %swap3A_57 = arith.constant 16 : index
      %swap3A_58 = tpu.vector_load %arg9[%swap3A_56, %swap3A_57] {strides = array<i32>} : memref<80x128xf32, #tpu.memory_space<vmem>>, vector<1x16xf32>,
      %swap3A_59 = vector.shape_cast %swap3A_58 : vector<1x16xf32> to vector<16xf32>
      %swap3A_60 = vector.shape_cast %broadcast_in_dim3A_11 : vector<16xf32> to vector<1x16xf32>
      tpu.vector_store %arg9[%swap3A_56, %swap3A_57], %swap3A_60 {strides = array<i32>} : memref<80x128xf32, #tpu.memory_space<vmem>>, vector<1x16xf32>,
      %swap3A_61 = arith.index_cast %add3A_51 : i32 to index
      %swap3A_62 = arith.constant 32 : index
      %swap3A_63 = tpu.vector_load %arg9[%swap3A_61, %swap3A_62] {strides = array<i32>} : memref<80x128xf32, #tpu.memory_space<vmem>>, vector<1x16xf32>,
      %swap3A_64 = vector.shape_cast %swap3A_63 : vector<1x16xf32> to vector<16xf32>
      %swap3A_65 = vector.shape_cast %broadcast_in_dim3A_11 : vector<16xf32> to vector<1x16xf32>
      tpu.vector_store %arg9[%swap3A_61, %swap3A_62], %swap3A_65 {strides = array<i32>} : memref<80x128xf32, #tpu.memory_space<vmem>>, vector<1x16xf32>,
      %swap3A_66 = arith.index_cast %add3A_51 : i32 to index
      %swap3A_67 = arith.constant 48 : index
      %swap3A_68 = tpu.vector_load %arg9[%swap3A_66, %swap3A_67] {strides = array<i32>} : memref<80x128xf32, #tpu.memory_space<vmem>>, vector<1x16xf32>,
      %swap3A_69 = vector.shape_cast %swap3A_68 : vector<1x16xf32> to vector<16xf32>
      %swap3A_70 = vector.shape_cast %broadcast_in_dim3A_11 : vector<16xf32> to vector<1x16xf32>
      tpu.vector_store %arg9[%swap3A_66, %swap3A_67], %swap3A_70 {strides = array<i32>} : memref<80x128xf32, #tpu.memory_space<vmem>>, vector<1x16xf32>,
      %swap3A_71 = arith.index_cast %add3A_51 : i32 to index
      %swap3A_72 = arith.constant 64 : index
      %swap3A_73 = tpu.vector_load %arg9[%swap3A_71, %swap3A_72] {strides = array<i32>} : memref<80x128xf32, #tpu.memory_space<vmem>>, vector<1x16xf32>,
      %swap3A_74 = vector.shape_cast %swap3A_73 : vector<1x16xf32> to vector<16xf32>
      %swap3A_75 = vector.shape_cast %broadcast_in_dim3A_11 : vector<16xf32> to vector<1x16xf32>
      tpu.vector_store %arg9[%swap3A_71, %swap3A_72], %swap3A_75 {strides = array<i32>} : memref<80x128xf32, #tpu.memory_space<vmem>>, vector<1x16xf32>,
      %swap3A_76 = arith.index_cast %add3A_51 : i32 to index
      %swap3A_77 = arith.constant 80 : index
      %swap3A_78 = tpu.vector_load %arg9[%swap3A_76, %swap3A_77] {strides = array<i32>} : memref<80x128xf32, #tpu.memory_space<vmem>>, vector<1x16xf32>,
      %swap3A_79 = vector.shape_cast %swap3A_78 : vector<1x16xf32> to vector<16xf32>
      %swap3A_80 = vector.shape_cast %broadcast_in_dim3A_11 : vector<16xf32> to vector<1x16xf32>
      tpu.vector_store %arg9[%swap3A_76, %swap3A_77], %swap3A_80 {strides = array<i32>} : memref<80x128xf32, #tpu.memory_space<vmem>>, vector<1x16xf32>,
      %swap3A_81 = arith.index_cast %add3A_51 : i32 to index
      %swap3A_82 = arith.constant 96 : index
      %swap3A_83 = tpu.vector_load %arg9[%swap3A_81, %swap3A_82] {strides = array<i32>} : memref<80x128xf32, #tpu.memory_space<vmem>>, vector<1x16xf32>,
      %swap3A_84 = vector.shape_cast %swap3A_83 : vector<1x16xf32> to vector<16xf32>
      %swap3A_85 = vector.shape_cast %broadcast_in_dim3A_11 : vector<16xf32> to vector<1x16xf32>
      tpu.vector_store %arg9[%swap3A_81, %swap3A_82], %swap3A_85 {strides = array<i32>} : memref<80x128xf32, #tpu.memory_space<vmem>>, vector<1x16xf32>,
      %swap3A_86 = arith.index_cast %add3A_51 : i32 to index
      %swap3A_87 = arith.constant 112 : index
      %swap3A_88 = tpu.vector_load %arg9[%swap3A_86, %swap3A_87] {strides = array<i32>} : memref<80x128xf32, #tpu.memory_space<vmem>>, vector<1x16xf32>,
      %swap3A_89 = vector.shape_cast %swap3A_88 : vector<1x16xf32> to vector<16xf32>
      %swap3A_90 = vector.shape_cast %broadcast_in_dim3A_11 : vector<16xf32> to vector<1x16xf32>
      tpu.vector_store %arg9[%swap3A_86, %swap3A_87], %swap3A_90 {strides = array<i32>} : memref<80x128xf32, #tpu.memory_space<vmem>>, vector<1x16xf32>,
    }
    %scan3A_15 = arith.constant 80 : i32
    %add3A = arith.constant 0 : i32
    %add3A_16 = arith.addi %mul3A_0, %add3A : i32
    "tpu.region"() ({
      %run_scoped3A_47 = tpu.sem_alloc : memref<!tpu.dma_semaphore, #tpu.memory_space<semaphore_mem>>
      %dma_start3A_48 = arith.constant 0 : i32
      %dma_start3A_49 = tpu.memref_slice %arg10[%add3A_16, %dma_start3A_48] : memref<10240x128xf32, #tpu.memory_space<vmem_shared>> -> memref<80x128xf32, #tpu.memory_space<vmem_shared>>
      %dma_start3A_50 = arith.constant 0 : i32
      %dma_start3A_51 = tpu.memref_slice %arg10[%add3A_16, %dma_start3A_50] : memref<10240x128xf32, #tpu.memory_space<vmem_shared>> -> memref<80x128xf32, #tpu.memory_space<vmem_shared>>
      tpu.enqueue_dma source(%arg9 : memref<80x128xf32, #tpu.memory_space<vmem>>) target(%dma_start3A_51 : memref<80x128xf32, #tpu.memory_space<vmem_shared>>) target_semaphore(%run_scoped3A_47 : memref<!tpu.dma_semaphore, #tpu.memory_space<semaphore_mem>>)
      %dma_wait3A_52 = arith.constant 0 : i32
      %dma_wait3A_53 = tpu.memref_slice %arg10[%add3A_16, %dma_wait3A_52] : memref<10240x128xf32, #tpu.memory_space<vmem_shared>> -> memref<80x128xf32, #tpu.memory_space<vmem_shared>>
      %dma_wait3A_54 = arith.constant 0 : i32
      %dma_wait3A_55 = tpu.memref_slice %arg10[%add3A_16, %dma_wait3A_54] : memref<10240x128xf32, #tpu.memory_space<vmem_shared>> -> memref<80x128xf32, #tpu.memory_space<vmem_shared>>
      tpu.wait_dma2 semaphore(%run_scoped3A_47 : memref<!tpu.dma_semaphore, #tpu.memory_space<semaphore_mem>>) src(%arg9 : memref<80x128xf32, #tpu.memory_space<vmem>>) dst(%dma_wait3A_55 : memref<80x128xf32, #tpu.memory_space<vmem_shared>>)
      tpu.yield
    }) : () -> ()
    %add3A_17 = arith.constant 80 : i32
    %add3A_18 = arith.addi %mul3A_0, %add3A_17 : i32
    "tpu.region"() ({
      %run_scoped3A_47 = tpu.sem_alloc : memref<!tpu.dma_semaphore, #tpu.memory_space<semaphore_mem>>
      %dma_start3A_48 = arith.constant 0 : i32
      %dma_start3A_49 = tpu.memref_slice %arg10[%add3A_18, %dma_start3A_48] : memref<10240x128xf32, #tpu.memory_space<vmem_shared>> -> memref<80x128xf32, #tpu.memory_space<vmem_shared>>
      %dma_start3A_50 = arith.constant 0 : i32
      %dma_start3A_51 = tpu.memref_slice %arg10[%add3A_18, %dma_start3A_50] : memref<10240x128xf32, #tpu.memory_space<vmem_shared>> -> memref<80x128xf32, #tpu.memory_space<vmem_shared>>
      tpu.enqueue_dma source(%arg9 : memref<80x128xf32, #tpu.memory_space<vmem>>) target(%dma_start3A_51 : memref<80x128xf32, #tpu.memory_space<vmem_shared>>) target_semaphore(%run_scoped3A_47 : memref<!tpu.dma_semaphore, #tpu.memory_space<semaphore_mem>>)
      %dma_wait3A_52 = arith.constant 0 : i32
      %dma_wait3A_53 = tpu.memref_slice %arg10[%add3A_18, %dma_wait3A_52] : memref<10240x128xf32, #tpu.memory_space<vmem_shared>> -> memref<80x128xf32, #tpu.memory_space<vmem_shared>>
      %dma_wait3A_54 = arith.constant 0 : i32
      %dma_wait3A_55 = tpu.memref_slice %arg10[%add3A_18, %dma_wait3A_54] : memref<10240x128xf32, #tpu.memory_space<vmem_shared>> -> memref<80x128xf32, #tpu.memory_space<vmem_shared>>
      tpu.wait_dma2 semaphore(%run_scoped3A_47 : memref<!tpu.dma_semaphore, #tpu.memory_space<semaphore_mem>>) src(%arg9 : memref<80x128xf32, #tpu.memory_space<vmem>>) dst(%dma_wait3A_55 : memref<80x128xf32, #tpu.memory_space<vmem_shared>>)
      tpu.yield
    }) : () -> ()
    %add3A_19 = arith.constant 160 : i32
    %add3A_20 = arith.addi %mul3A_0, %add3A_19 : i32
    "tpu.region"() ({
      %run_scoped3A_47 = tpu.sem_alloc : memref<!tpu.dma_semaphore, #tpu.memory_space<semaphore_mem>>
      %dma_start3A_48 = arith.constant 0 : i32
      %dma_start3A_49 = tpu.memref_slice %arg10[%add3A_20, %dma_start3A_48] : memref<10240x128xf32, #tpu.memory_space<vmem_shared>> -> memref<80x128xf32, #tpu.memory_space<vmem_shared>>
      %dma_start3A_50 = arith.constant 0 : i32
      %dma_start3A_51 = tpu.memref_slice %arg10[%add3A_20, %dma_start3A_50] : memref<10240x128xf32, #tpu.memory_space<vmem_shared>> -> memref<80x128xf32, #tpu.memory_space<vmem_shared>>
      tpu.enqueue_dma source(%arg9 : memref<80x128xf32, #tpu.memory_space<vmem>>) target(%dma_start3A_51 : memref<80x128xf32, #tpu.memory_space<vmem_shared>>) target_semaphore(%run_scoped3A_47 : memref<!tpu.dma_semaphore, #tpu.memory_space<semaphore_mem>>)
      %dma_wait3A_52 = arith.constant 0 : i32
      %dma_wait3A_53 = tpu.memref_slice %arg10[%add3A_20, %dma_wait3A_52] : memref<10240x128xf32, #tpu.memory_space<vmem_shared>> -> memref<80x128xf32, #tpu.memory_space<vmem_shared>>
      %dma_wait3A_54 = arith.constant 0 : i32
      %dma_wait3A_55 = tpu.memref_slice %arg10[%add3A_20, %dma_wait3A_54] : memref<10240x128xf32, #tpu.memory_space<vmem_shared>> -> memref<80x128xf32, #tpu.memory_space<vmem_shared>>
      tpu.wait_dma2 semaphore(%run_scoped3A_47 : memref<!tpu.dma_semaphore, #tpu.memory_space<semaphore_mem>>) src(%arg9 : memref<80x128xf32, #tpu.memory_space<vmem>>) dst(%dma_wait3A_55 : memref<80x128xf32, #tpu.memory_space<vmem_shared>>)
      tpu.yield
    }) : () -> ()
    %add3A_21 = arith.constant 240 : i32
    %add3A_22 = arith.addi %mul3A_0, %add3A_21 : i32
    "tpu.region"() ({
      %run_scoped3A_47 = tpu.sem_alloc : memref<!tpu.dma_semaphore, #tpu.memory_space<semaphore_mem>>
      %dma_start3A_48 = arith.constant 0 : i32
      %dma_start3A_49 = tpu.memref_slice %arg10[%add3A_22, %dma_start3A_48] : memref<10240x128xf32, #tpu.memory_space<vmem_shared>> -> memref<80x128xf32, #tpu.memory_space<vmem_shared>>
      %dma_start3A_50 = arith.constant 0 : i32
      %dma_start3A_51 = tpu.memref_slice %arg10[%add3A_22, %dma_start3A_50] : memref<10240x128xf32, #tpu.memory_space<vmem_shared>> -> memref<80x128xf32, #tpu.memory_space<vmem_shared>>
      tpu.enqueue_dma source(%arg9 : memref<80x128xf32, #tpu.memory_space<vmem>>) target(%dma_start3A_51 : memref<80x128xf32, #tpu.memory_space<vmem_shared>>) target_semaphore(%run_scoped3A_47 : memref<!tpu.dma_semaphore, #tpu.memory_space<semaphore_mem>>)
      %dma_wait3A_52 = arith.constant 0 : i32
      %dma_wait3A_53 = tpu.memref_slice %arg10[%add3A_22, %dma_wait3A_52] : memref<10240x128xf32, #tpu.memory_space<vmem_shared>> -> memref<80x128xf32, #tpu.memory_space<vmem_shared>>
      %dma_wait3A_54 = arith.constant 0 : i32
      %dma_wait3A_55 = tpu.memref_slice %arg10[%add3A_22, %dma_wait3A_54] : memref<10240x128xf32, #tpu.memory_space<vmem_shared>> -> memref<80x128xf32, #tpu.memory_space<vmem_shared>>
      tpu.wait_dma2 semaphore(%run_scoped3A_47 : memref<!tpu.dma_semaphore, #tpu.memory_space<semaphore_mem>>) src(%arg9 : memref<80x128xf32, #tpu.memory_space<vmem>>) dst(%dma_wait3A_55 : memref<80x128xf32, #tpu.memory_space<vmem_shared>>)
      tpu.yield
    }) : () -> ()
    %add3A_23 = arith.constant 320 : i32
    %add3A_24 = arith.addi %mul3A_0, %add3A_23 : i32
    "tpu.region"() ({
      %run_scoped3A_47 = tpu.sem_alloc : memref<!tpu.dma_semaphore, #tpu.memory_space<semaphore_mem>>
      %dma_start3A_48 = arith.constant 0 : i32
      %dma_start3A_49 = tpu.memref_slice %arg10[%add3A_24, %dma_start3A_48] : memref<10240x128xf32, #tpu.memory_space<vmem_shared>> -> memref<80x128xf32, #tpu.memory_space<vmem_shared>>
      %dma_start3A_50 = arith.constant 0 : i32
      %dma_start3A_51 = tpu.memref_slice %arg10[%add3A_24, %dma_start3A_50] : memref<10240x128xf32, #tpu.memory_space<vmem_shared>> -> memref<80x128xf32, #tpu.memory_space<vmem_shared>>
      tpu.enqueue_dma source(%arg9 : memref<80x128xf32, #tpu.memory_space<vmem>>) target(%dma_start3A_51 : memref<80x128xf32, #tpu.memory_space<vmem_shared>>) target_semaphore(%run_scoped3A_47 : memref<!tpu.dma_semaphore, #tpu.memory_space<semaphore_mem>>)
      %dma_wait3A_52 = arith.constant 0 : i32
      %dma_wait3A_53 = tpu.memref_slice %arg10[%add3A_24, %dma_wait3A_52] : memref<10240x128xf32, #tpu.memory_space<vmem_shared>> -> memref<80x128xf32, #tpu.memory_space<vmem_shared>>
      %dma_wait3A_54 = arith.constant 0 : i32
      %dma_wait3A_55 = tpu.memref_slice %arg10[%add3A_24, %dma_wait3A_54] : memref<10240x128xf32, #tpu.memory_space<vmem_shared>> -> memref<80x128xf32, #tpu.memory_space<vmem_shared>>
      tpu.wait_dma2 semaphore(%run_scoped3A_47 : memref<!tpu.dma_semaphore, #tpu.memory_space<semaphore_mem>>) src(%arg9 : memref<80x128xf32, #tpu.memory_space<vmem>>) dst(%dma_wait3A_55 : memref<80x128xf32, #tpu.memory_space<vmem_shared>>)
      tpu.yield
    }) : () -> ()
    %add3A_25 = arith.constant 400 : i32
    %add3A_26 = arith.addi %mul3A_0, %add3A_25 : i32
    "tpu.region"() ({
      %run_scoped3A_47 = tpu.sem_alloc : memref<!tpu.dma_semaphore, #tpu.memory_space<semaphore_mem>>
      %dma_start3A_48 = arith.constant 0 : i32
      %dma_start3A_49 = tpu.memref_slice %arg10[%add3A_26, %dma_start3A_48] : memref<10240x128xf32, #tpu.memory_space<vmem_shared>> -> memref<80x128xf32, #tpu.memory_space<vmem_shared>>
      %dma_start3A_50 = arith.constant 0 : i32
      %dma_start3A_51 = tpu.memref_slice %arg10[%add3A_26, %dma_start3A_50] : memref<10240x128xf32, #tpu.memory_space<vmem_shared>> -> memref<80x128xf32, #tpu.memory_space<vmem_shared>>
      tpu.enqueue_dma source(%arg9 : memref<80x128xf32, #tpu.memory_space<vmem>>) target(%dma_start3A_51 : memref<80x128xf32, #tpu.memory_space<vmem_shared>>) target_semaphore(%run_scoped3A_47 : memref<!tpu.dma_semaphore, #tpu.memory_space<semaphore_mem>>)
      %dma_wait3A_52 = arith.constant 0 : i32
      %dma_wait3A_53 = tpu.memref_slice %arg10[%add3A_26, %dma_wait3A_52] : memref<10240x128xf32, #tpu.memory_space<vmem_shared>> -> memref<80x128xf32, #tpu.memory_space<vmem_shared>>
      %dma_wait3A_54 = arith.constant 0 : i32
      %dma_wait3A_55 = tpu.memref_slice %arg10[%add3A_26, %dma_wait3A_54] : memref<10240x128xf32, #tpu.memory_space<vmem_shared>> -> memref<80x128xf32, #tpu.memory_space<vmem_shared>>
      tpu.wait_dma2 semaphore(%run_scoped3A_47 : memref<!tpu.dma_semaphore, #tpu.memory_space<semaphore_mem>>) src(%arg9 : memref<80x128xf32, #tpu.memory_space<vmem>>) dst(%dma_wait3A_55 : memref<80x128xf32, #tpu.memory_space<vmem_shared>>)
      tpu.yield
    }) : () -> ()
    %add3A_27 = arith.constant 480 : i32
    %add3A_28 = arith.addi %mul3A_0, %add3A_27 : i32
    "tpu.region"() ({
      %run_scoped3A_47 = tpu.sem_alloc : memref<!tpu.dma_semaphore, #tpu.memory_space<semaphore_mem>>
      %dma_start3A_48 = arith.constant 0 : i32
      %dma_start3A_49 = tpu.memref_slice %arg10[%add3A_28, %dma_start3A_48] : memref<10240x128xf32, #tpu.memory_space<vmem_shared>> -> memref<80x128xf32, #tpu.memory_space<vmem_shared>>
      %dma_start3A_50 = arith.constant 0 : i32
      %dma_start3A_51 = tpu.memref_slice %arg10[%add3A_28, %dma_start3A_50] : memref<10240x128xf32, #tpu.memory_space<vmem_shared>> -> memref<80x128xf32, #tpu.memory_space<vmem_shared>>
      tpu.enqueue_dma source(%arg9 : memref<80x128xf32, #tpu.memory_space<vmem>>) target(%dma_start3A_51 : memref<80x128xf32, #tpu.memory_space<vmem_shared>>) target_semaphore(%run_scoped3A_47 : memref<!tpu.dma_semaphore, #tpu.memory_space<semaphore_mem>>)
      %dma_wait3A_52 = arith.constant 0 : i32
      %dma_wait3A_53 = tpu.memref_slice %arg10[%add3A_28, %dma_wait3A_52] : memref<10240x128xf32, #tpu.memory_space<vmem_shared>> -> memref<80x128xf32, #tpu.memory_space<vmem_shared>>
      %dma_wait3A_54 = arith.constant 0 : i32
      %dma_wait3A_55 = tpu.memref_slice %arg10[%add3A_28, %dma_wait3A_54] : memref<10240x128xf32, #tpu.memory_space<vmem_shared>> -> memref<80x128xf32, #tpu.memory_space<vmem_shared>>
      tpu.wait_dma2 semaphore(%run_scoped3A_47 : memref<!tpu.dma_semaphore, #tpu.memory_space<semaphore_mem>>) src(%arg9 : memref<80x128xf32, #tpu.memory_space<vmem>>) dst(%dma_wait3A_55 : memref<80x128xf32, #tpu.memory_space<vmem_shared>>)
      tpu.yield
    }) : () -> ()
    %add3A_29 = arith.constant 560 : i32
    %add3A_30 = arith.addi %mul3A_0, %add3A_29 : i32
    "tpu.region"() ({
      %run_scoped3A_47 = tpu.sem_alloc : memref<!tpu.dma_semaphore, #tpu.memory_space<semaphore_mem>>
      %dma_start3A_48 = arith.constant 0 : i32
      %dma_start3A_49 = tpu.memref_slice %arg10[%add3A_30, %dma_start3A_48] : memref<10240x128xf32, #tpu.memory_space<vmem_shared>> -> memref<80x128xf32, #tpu.memory_space<vmem_shared>>
      %dma_start3A_50 = arith.constant 0 : i32
      %dma_start3A_51 = tpu.memref_slice %arg10[%add3A_30, %dma_start3A_50] : memref<10240x128xf32, #tpu.memory_space<vmem_shared>> -> memref<80x128xf32, #tpu.memory_space<vmem_shared>>
      tpu.enqueue_dma source(%arg9 : memref<80x128xf32, #tpu.memory_space<vmem>>) target(%dma_start3A_51 : memref<80x128xf32, #tpu.memory_space<vmem_shared>>) target_semaphore(%run_scoped3A_47 : memref<!tpu.dma_semaphore, #tpu.memory_space<semaphore_mem>>)
      %dma_wait3A_52 = arith.constant 0 : i32
      %dma_wait3A_53 = tpu.memref_slice %arg10[%add3A_30, %dma_wait3A_52] : memref<10240x128xf32, #tpu.memory_space<vmem_shared>> -> memref<80x128xf32, #tpu.memory_space<vmem_shared>>
      %dma_wait3A_54 = arith.constant 0 : i32
      %dma_wait3A_55 = tpu.memref_slice %arg10[%add3A_30, %dma_wait3A_54] : memref<10240x128xf32, #tpu.memory_space<vmem_shared>> -> memref<80x128xf32, #tpu.memory_space<vmem_shared>>
      tpu.wait_dma2 semaphore(%run_scoped3A_47 : memref<!tpu.dma_semaphore, #tpu.memory_space<semaphore_mem>>) src(%arg9 : memref<80x128xf32, #tpu.memory_space<vmem>>) dst(%dma_wait3A_55 : memref<80x128xf32, #tpu.memory_space<vmem_shared>>)
      tpu.yield
    }) : () -> ()
    %barrier3A = arith.constant 0 : index
    tpu.barrier barrier_id(%barrier3A)
    %scan3A_31 = arith.constant 0 : i32
    %scan3A_32 = arith.constant 62 : i32
    %scan3A_33 = arith.addi %scan3A_31, %scan3A_32 : i32
    %scan3A_34 = arith.constant 1 : i32
    scf.for %scan3A_47 = %scan3A_31 to %scan3A_33 step %scan3A_34  : i32 {
      %mul3A_48 = arith.constant 2 : i32
      %mul3A_49 = arith.muli %scan3A_47, %mul3A_48 : i32
      %add3A_50 = arith.constant 0 : i32
      %add3A_51 = arith.addi %add3A_50, %mul3A_49 : i32
      %add3A_52 = arith.constant 1 : i32
      %add3A_53 = arith.addi %add3A_51, %add3A_52 : i32
      %dma_start3A_54 = arith.constant 0 : i32
      %dma_start3A_55 = tpu.memref_slice %arg6[%add3A_53, %dma_start3A_54] : memref<125x80xi32, #tpu.memory_space<vmem>> -> memref<1x80xi32, #tpu.memory_space<vmem>>
      %dma_start3A_56 = tpu.memref_squeeze %dma_start3A_55 : memref<1x80xi32, #tpu.memory_space<vmem>> -> memref<80xi32, #tpu.memory_space<vmem>>
      %dma_start3A_57 = arith.constant 0 : i32
      %dma_start3A_58 = arith.constant 0 : i32
      %dma_start3A_59 = tpu.memref_slice %arg2[%arg0, %dma_start3A_57, %dma_start3A_58] : memref<2x10000x128xf32, #tpu.memory_space<hbm>> -> memref<1x10000x128xf32, #tpu.memory_space<hbm>>
      %dma_start3A_60 = tpu.memref_squeeze %dma_start3A_59 : memref<1x10000x128xf32, #tpu.memory_space<hbm>> -> memref<10000x128xf32, #tpu.memory_space<hbm>>
      %dma_start3A_61 = arith.constant 0 : i32
      %dma_start3A_62 = arith.constant 0 : i32
      %dma_start3A_63 = tpu.memref_slice %dma_start3A_60[%dma_start3A_61, %dma_start3A_62] : memref<10000x128xf32, #tpu.memory_space<hbm>> -> memref<10000x128xf32, #tpu.memory_space<hbm>>
      tpu.enqueue_indirect_dma source(%dma_start3A_63 : memref<10000x128xf32, #tpu.memory_space<hbm>>) target(%arg9 : memref<80x128xf32, #tpu.memory_space<vmem>>) offsets(%dma_start3A_56 : memref<80xi32, #tpu.memory_space<vmem>>) semaphore(%arg12 : memref<!tpu.dma_semaphore, #tpu.memory_space<semaphore_mem>>)
      %dma_wait3A_64 = arith.constant 0 : i32
      %dma_wait3A_65 = tpu.memref_slice %arg6[%add3A_51, %dma_wait3A_64] : memref<125x80xi32, #tpu.memory_space<vmem>> -> memref<1x80xi32, #tpu.memory_space<vmem>>
      %dma_wait3A_66 = tpu.memref_squeeze %dma_wait3A_65 : memref<1x80xi32, #tpu.memory_space<vmem>> -> memref<80xi32, #tpu.memory_space<vmem>>
      %dma_wait3A_67 = arith.constant 0 : i32
      %dma_wait3A_68 = arith.constant 0 : i32
      %dma_wait3A_69 = tpu.memref_slice %arg2[%arg0, %dma_wait3A_67, %dma_wait3A_68] : memref<2x10000x128xf32, #tpu.memory_space<hbm>> -> memref<1x10000x128xf32, #tpu.memory_space<hbm>>
      %dma_wait3A_70 = tpu.memref_squeeze %dma_wait3A_69 : memref<1x10000x128xf32, #tpu.memory_space<hbm>> -> memref<10000x128xf32, #tpu.memory_space<hbm>>
      %dma_wait3A_71 = arith.constant 0 : i32
      %dma_wait3A_72 = arith.constant 0 : i32
      %dma_wait3A_73 = tpu.memref_slice %dma_wait3A_70[%dma_wait3A_71, %dma_wait3A_72] : memref<10000x128xf32, #tpu.memory_space<hbm>> -> memref<10000x128xf32, #tpu.memory_space<hbm>>
      tpu.wait_indirect_dma semaphore(%arg11 : memref<!tpu.dma_semaphore, #tpu.memory_space<semaphore_mem>>) src(%dma_wait3A_73 : memref<10000x128xf32, #tpu.memory_space<hbm>>) dst(%arg8 : memref<80x128xf32, #tpu.memory_space<vmem>>)
      "tpu.region"() ({
        %run_scoped3A_100 = tpu.sem_alloc : memref<!tpu.dma_semaphore, #tpu.memory_space<semaphore_mem>>
        %dma_start3A_101 = arith.constant 0 : i32
        %dma_start3A_102 = tpu.memref_slice %arg7[%add3A_51, %dma_start3A_101] : memref<125x80xi32, #tpu.memory_space<vmem>> -> memref<1x80xi32, #tpu.memory_space<vmem>>
        %dma_start3A_103 = tpu.memref_squeeze %dma_start3A_102 : memref<1x80xi32, #tpu.memory_space<vmem>> -> memref<80xi32, #tpu.memory_space<vmem>>
        %dma_start3A_104 = arith.constant 0 : i32
        %dma_start3A_105 = arith.constant 0 : i32
        %dma_start3A_106 = tpu.memref_slice %arg10[%dma_start3A_104, %dma_start3A_105] : memref<10240x128xf32, #tpu.memory_space<vmem_shared>> -> memref<10240x128xf32, #tpu.memory_space<vmem_shared>>
        tpu.enqueue_indirect_dma source(%arg8 : memref<80x128xf32, #tpu.memory_space<vmem>>) target(%dma_start3A_106 : memref<10240x128xf32, #tpu.memory_space<vmem_shared>>) offsets(%dma_start3A_103 : memref<80xi32, #tpu.memory_space<vmem>>) semaphore(%run_scoped3A_100 : memref<!tpu.dma_semaphore, #tpu.memory_space<semaphore_mem>>) {add = true}
        %dma_wait3A_107 = arith.constant 0 : i32
        %dma_wait3A_108 = tpu.memref_slice %arg7[%add3A_51, %dma_wait3A_107] : memref<125x80xi32, #tpu.memory_space<vmem>> -> memref<1x80xi32, #tpu.memory_space<vmem>>
        %dma_wait3A_109 = tpu.memref_squeeze %dma_wait3A_108 : memref<1x80xi32, #tpu.memory_space<vmem>> -> memref<80xi32, #tpu.memory_space<vmem>>
        %dma_wait3A_110 = arith.constant 0 : i32
        %dma_wait3A_111 = arith.constant 0 : i32
        %dma_wait3A_112 = tpu.memref_slice %arg10[%dma_wait3A_110, %dma_wait3A_111] : memref<10240x128xf32, #tpu.memory_space<vmem_shared>> -> memref<10240x128xf32, #tpu.memory_space<vmem_shared>>
        tpu.wait_indirect_dma semaphore(%run_scoped3A_100 : memref<!tpu.dma_semaphore, #tpu.memory_space<semaphore_mem>>) src(%arg8 : memref<80x128xf32, #tpu.memory_space<vmem>>) dst(%dma_wait3A_112 : memref<10240x128xf32, #tpu.memory_space<vmem_shared>>)
        tpu.yield
      }) : () -> ()
      %add3A_74 = arith.constant 2 : i32
      %add3A_75 = arith.addi %add3A_51, %add3A_74 : i32
      %dma_start3A_76 = arith.constant 0 : i32
      %dma_start3A_77 = tpu.memref_slice %arg6[%add3A_75, %dma_start3A_76] : memref<125x80xi32, #tpu.memory_space<vmem>> -> memref<1x80xi32, #tpu.memory_space<vmem>>
      %dma_start3A_78 = tpu.memref_squeeze %dma_start3A_77 : memref<1x80xi32, #tpu.memory_space<vmem>> -> memref<80xi32, #tpu.memory_space<vmem>>
      %dma_start3A_79 = arith.constant 0 : i32
      %dma_start3A_80 = arith.constant 0 : i32
      %dma_start3A_81 = tpu.memref_slice %arg2[%arg0, %dma_start3A_79, %dma_start3A_80] : memref<2x10000x128xf32, #tpu.memory_space<hbm>> -> memref<1x10000x128xf32, #tpu.memory_space<hbm>>
      %dma_start3A_82 = tpu.memref_squeeze %dma_start3A_81 : memref<1x10000x128xf32, #tpu.memory_space<hbm>> -> memref<10000x128xf32, #tpu.memory_space<hbm>>
      %dma_start3A_83 = arith.constant 0 : i32
      %dma_start3A_84 = arith.constant 0 : i32
      %dma_start3A_85 = tpu.memref_slice %dma_start3A_82[%dma_start3A_83, %dma_start3A_84] : memref<10000x128xf32, #tpu.memory_space<hbm>> -> memref<10000x128xf32, #tpu.memory_space<hbm>>
      tpu.enqueue_indirect_dma source(%dma_start3A_85 : memref<10000x128xf32, #tpu.memory_space<hbm>>) target(%arg8 : memref<80x128xf32, #tpu.memory_space<vmem>>) offsets(%dma_start3A_78 : memref<80xi32, #tpu.memory_space<vmem>>) semaphore(%arg11 : memref<!tpu.dma_semaphore, #tpu.memory_space<semaphore_mem>>)
      %add3A_86 = arith.constant 1 : i32
      %add3A_87 = arith.addi %add3A_51, %add3A_86 : i32
      %dma_wait3A_88 = arith.constant 0 : i32
      %dma_wait3A_89 = tpu.memref_slice %arg6[%add3A_87, %dma_wait3A_88] : memref<125x80xi32, #tpu.memory_space<vmem>> -> memref<1x80xi32, #tpu.memory_space<vmem>>
      %dma_wait3A_90 = tpu.memref_squeeze %dma_wait3A_89 : memref<1x80xi32, #tpu.memory_space<vmem>> -> memref<80xi32, #tpu.memory_space<vmem>>
      %dma_wait3A_91 = arith.constant 0 : i32
      %dma_wait3A_92 = arith.constant 0 : i32
      %dma_wait3A_93 = tpu.memref_slice %arg2[%arg0, %dma_wait3A_91, %dma_wait3A_92] : memref<2x10000x128xf32, #tpu.memory_space<hbm>> -> memref<1x10000x128xf32, #tpu.memory_space<hbm>>
      %dma_wait3A_94 = tpu.memref_squeeze %dma_wait3A_93 : memref<1x10000x128xf32, #tpu.memory_space<hbm>> -> memref<10000x128xf32, #tpu.memory_space<hbm>>
      %dma_wait3A_95 = arith.constant 0 : i32
      %dma_wait3A_96 = arith.constant 0 : i32
      %dma_wait3A_97 = tpu.memref_slice %dma_wait3A_94[%dma_wait3A_95, %dma_wait3A_96] : memref<10000x128xf32, #tpu.memory_space<hbm>> -> memref<10000x128xf32, #tpu.memory_space<hbm>>
      tpu.wait_indirect_dma semaphore(%arg12 : memref<!tpu.dma_semaphore, #tpu.memory_space<semaphore_mem>>) src(%dma_wait3A_97 : memref<10000x128xf32, #tpu.memory_space<hbm>>) dst(%arg9 : memref<80x128xf32, #tpu.memory_space<vmem>>)
      %add3A_98 = arith.constant 1 : i32
      %add3A_99 = arith.addi %add3A_51, %add3A_98 : i32
      "tpu.region"() ({
        %run_scoped3A_100 = tpu.sem_alloc : memref<!tpu.dma_semaphore, #tpu.memory_space<semaphore_mem>>
        %dma_start3A_101 = arith.constant 0 : i32
        %dma_start3A_102 = tpu.memref_slice %arg7[%add3A_99, %dma_start3A_101] : memref<125x80xi32, #tpu.memory_space<vmem>> -> memref<1x80xi32, #tpu.memory_space<vmem>>
        %dma_start3A_103 = tpu.memref_squeeze %dma_start3A_102 : memref<1x80xi32, #tpu.memory_space<vmem>> -> memref<80xi32, #tpu.memory_space<vmem>>
        %dma_start3A_104 = arith.constant 0 : i32
        %dma_start3A_105 = arith.constant 0 : i32
        %dma_start3A_106 = tpu.memref_slice %arg10[%dma_start3A_104, %dma_start3A_105] : memref<10240x128xf32, #tpu.memory_space<vmem_shared>> -> memref<10240x128xf32, #tpu.memory_space<vmem_shared>>
        tpu.enqueue_indirect_dma source(%arg9 : memref<80x128xf32, #tpu.memory_space<vmem>>) target(%dma_start3A_106 : memref<10240x128xf32, #tpu.memory_space<vmem_shared>>) offsets(%dma_start3A_103 : memref<80xi32, #tpu.memory_space<vmem>>) semaphore(%run_scoped3A_100 : memref<!tpu.dma_semaphore, #tpu.memory_space<semaphore_mem>>) {add = true}
        %dma_wait3A_107 = arith.constant 0 : i32
        %dma_wait3A_108 = tpu.memref_slice %arg7[%add3A_99, %dma_wait3A_107] : memref<125x80xi32, #tpu.memory_space<vmem>> -> memref<1x80xi32, #tpu.memory_space<vmem>>
        %dma_wait3A_109 = tpu.memref_squeeze %dma_wait3A_108 : memref<1x80xi32, #tpu.memory_space<vmem>> -> memref<80xi32, #tpu.memory_space<vmem>>
        %dma_wait3A_110 = arith.constant 0 : i32
        %dma_wait3A_111 = arith.constant 0 : i32
        %dma_wait3A_112 = tpu.memref_slice %arg10[%dma_wait3A_110, %dma_wait3A_111] : memref<10240x128xf32, #tpu.memory_space<vmem_shared>> -> memref<10240x128xf32, #tpu.memory_space<vmem_shared>>
        tpu.wait_indirect_dma semaphore(%run_scoped3A_100 : memref<!tpu.dma_semaphore, #tpu.memory_space<semaphore_mem>>) src(%arg9 : memref<80x128xf32, #tpu.memory_space<vmem>>) dst(%dma_wait3A_112 : memref<10240x128xf32, #tpu.memory_space<vmem_shared>>)
        tpu.yield
      }) : () -> ()
    }
    %scan3A_35 = arith.constant 62 : i32
    %dma_wait3A = arith.constant 124 : i32
    %dma_wait3A_36 = arith.constant 0 : i32
    %dma_wait3A_37 = tpu.memref_slice %arg6[%dma_wait3A, %dma_wait3A_36] : memref<125x80xi32, #tpu.memory_space<vmem>> -> memref<1x80xi32, #tpu.memory_space<vmem>>
    %dma_wait3A_38 = tpu.memref_squeeze %dma_wait3A_37 : memref<1x80xi32, #tpu.memory_space<vmem>> -> memref<80xi32, #tpu.memory_space<vmem>>
    %dma_wait3A_39 = arith.constant 0 : i32
    %dma_wait3A_40 = arith.constant 0 : i32
    %dma_wait3A_41 = tpu.memref_slice %arg2[%arg0, %dma_wait3A_39, %dma_wait3A_40] : memref<2x10000x128xf32, #tpu.memory_space<hbm>> -> memref<1x10000x128xf32, #tpu.memory_space<hbm>>
    %dma_wait3A_42 = tpu.memref_squeeze %dma_wait3A_41 : memref<1x10000x128xf32, #tpu.memory_space<hbm>> -> memref<10000x128xf32, #tpu.memory_space<hbm>>
    %dma_wait3A_43 = arith.constant 0 : i32
    %dma_wait3A_44 = arith.constant 0 : i32
    %dma_wait3A_45 = tpu.memref_slice %dma_wait3A_42[%dma_wait3A_43, %dma_wait3A_44] : memref<10000x128xf32, #tpu.memory_space<hbm>> -> memref<10000x128xf32, #tpu.memory_space<hbm>>
    tpu.wait_indirect_dma semaphore(%arg11 : memref<!tpu.dma_semaphore, #tpu.memory_space<semaphore_mem>>) src(%dma_wait3A_45 : memref<10000x128xf32, #tpu.memory_space<hbm>>) dst(%arg8 : memref<80x128xf32, #tpu.memory_space<vmem>>)
    %run_scoped3A = arith.constant 124 : i32
    "tpu.region"() ({
      %run_scoped3A_47 = tpu.sem_alloc : memref<!tpu.dma_semaphore, #tpu.memory_space<semaphore_mem>>
      %dma_start3A_48 = arith.constant 0 : i32
      %dma_start3A_49 = tpu.memref_slice %arg7[%run_scoped3A, %dma_start3A_48] : memref<125x80xi32, #tpu.memory_space<vmem>> -> memref<1x80xi32, #tpu.memory_space<vmem>>
      %dma_start3A_50 = tpu.memref_squeeze %dma_start3A_49 : memref<1x80xi32, #tpu.memory_space<vmem>> -> memref<80xi32, #tpu.memory_space<vmem>>
      %dma_start3A_51 = arith.constant 0 : i32
      %dma_start3A_52 = arith.constant 0 : i32
      %dma_start3A_53 = tpu.memref_slice %arg10[%dma_start3A_51, %dma_start3A_52] : memref<10240x128xf32, #tpu.memory_space<vmem_shared>> -> memref<10240x128xf32, #tpu.memory_space<vmem_shared>>
      tpu.enqueue_indirect_dma source(%arg8 : memref<80x128xf32, #tpu.memory_space<vmem>>) target(%dma_start3A_53 : memref<10240x128xf32, #tpu.memory_space<vmem_shared>>) offsets(%dma_start3A_50 : memref<80xi32, #tpu.memory_space<vmem>>) semaphore(%run_scoped3A_47 : memref<!tpu.dma_semaphore, #tpu.memory_space<semaphore_mem>>) {add = true}
      %dma_wait3A_54 = arith.constant 0 : i32
      %dma_wait3A_55 = tpu.memref_slice %arg7[%run_scoped3A, %dma_wait3A_54] : memref<125x80xi32, #tpu.memory_space<vmem>> -> memref<1x80xi32, #tpu.memory_space<vmem>>
      %dma_wait3A_56 = tpu.memref_squeeze %dma_wait3A_55 : memref<1x80xi32, #tpu.memory_space<vmem>> -> memref<80xi32, #tpu.memory_space<vmem>>
      %dma_wait3A_57 = arith.constant 0 : i32
      %dma_wait3A_58 = arith.constant 0 : i32
      %dma_wait3A_59 = tpu.memref_slice %arg10[%dma_wait3A_57, %dma_wait3A_58] : memref<10240x128xf32, #tpu.memory_space<vmem_shared>> -> memref<10240x128xf32, #tpu.memory_space<vmem_shared>>
      tpu.wait_indirect_dma semaphore(%run_scoped3A_47 : memref<!tpu.dma_semaphore, #tpu.memory_space<semaphore_mem>>) src(%arg8 : memref<80x128xf32, #tpu.memory_space<vmem>>) dst(%dma_wait3A_59 : memref<10240x128xf32, #tpu.memory_space<vmem_shared>>)
      tpu.yield
    }) : () -> ()
    %barrier3A_46 = arith.constant 0 : index
    tpu.barrier barrier_id(%barrier3A_46)
    "tpu.region"() ({
      %run_scoped3A_47 = tpu.sem_alloc : memref<!tpu.dma_semaphore, #tpu.memory_space<semaphore_mem>>
      %dma_start3A_48 = arith.constant 0 : i32
      %dma_start3A_49 = tpu.memref_slice %arg5[%arg0, %mul3A_0, %dma_start3A_48] : memref<2x10240x128xf32, #tpu.memory_space<hbm>> -> memref<1x640x128xf32, #tpu.memory_space<hbm>>
      %dma_start3A_50 = tpu.memref_squeeze %dma_start3A_49 : memref<1x640x128xf32, #tpu.memory_space<hbm>> -> memref<640x128xf32, #tpu.memory_space<hbm>>
      %dma_start3A_51 = arith.constant 0 : i32
      %dma_start3A_52 = tpu.memref_slice %arg10[%mul3A_0, %dma_start3A_51] : memref<10240x128xf32, #tpu.memory_space<vmem_shared>> -> memref<640x128xf32, #tpu.memory_space<vmem_shared>>
      tpu.enqueue_dma source(%dma_start3A_52 : memref<640x128xf32, #tpu.memory_space<vmem_shared>>) target(%dma_start3A_50 : memref<640x128xf32, #tpu.memory_space<hbm>>) target_semaphore(%run_scoped3A_47 : memref<!tpu.dma_semaphore, #tpu.memory_space<semaphore_mem>>)
      %dma_wait3A_53 = arith.constant 0 : i32
      %dma_wait3A_54 = tpu.memref_slice %arg5[%arg0, %mul3A_0, %dma_wait3A_53] : memref<2x10240x128xf32, #tpu.memory_space<hbm>> -> memref<1x640x128xf32, #tpu.memory_space<hbm>>
      %dma_wait3A_55 = tpu.memref_squeeze %dma_wait3A_54 : memref<1x640x128xf32, #tpu.memory_space<hbm>> -> memref<640x128xf32, #tpu.memory_space<hbm>>
      %dma_wait3A_56 = arith.constant 0 : i32
      %dma_wait3A_57 = tpu.memref_slice %arg10[%mul3A_0, %dma_wait3A_56] : memref<10240x128xf32, #tpu.memory_space<vmem_shared>> -> memref<640x128xf32, #tpu.memory_space<vmem_shared>>
      tpu.wait_dma2 semaphore(%run_scoped3A_47 : memref<!tpu.dma_semaphore, #tpu.memory_space<semaphore_mem>>) src(%dma_wait3A_57 : memref<640x128xf32, #tpu.memory_space<vmem_shared>>) dst(%dma_wait3A_55 : memref<640x128xf32, #tpu.memory_space<hbm>>)
      tpu.yield
    }) : () -> ()
    return
  }
}

#map = affine_map<(d0, d1) -> (0, 0, 0)>
module attributes {stable_mosaic.version = 14 : i64} {
  func.func @body(%arg0: i32, %arg1: i32, %arg2: memref<16x100x100xi32, #tpu.memory_space<hbm>>, %arg3: memref<2x10240x16xf32, #tpu.memory_space<hbm>>, %arg4: memref<100x100xi32, #tpu.memory_space<vmem>>, %arg5: memref<100x16xf32, #tpu.memory_space<vmem>>, %arg6: memref<640x16xf32, #tpu.memory_space<vmem>>, %arg7: memref<10240x16xf32, #tpu.memory_space<vmem_shared>>, %arg8: memref<!tpu.dma_semaphore, #tpu.memory_space<semaphore_mem>>) attributes {dimension_semantics = [#tpu.dimension_semantics<core_parallel>, #tpu.dimension_semantics<subcore_parallel>], iteration_bounds = array<i64: 2, 16>, scalar_prefetch = 0 : i64, scratch_operands = 5 : i64, tpu.core_type = #tpu.core_type<sc_vector_subcore>, window_params = [{transform_indices = #map}, {transform_indices = #map}]} {
    %mul3A = arith.constant 640 : i32
    %mul3A_0 = arith.muli %arg1, %mul3A : i32
    "tpu.region"() ({
      %run_scoped3A = tpu.sem_alloc : memref<!tpu.dma_semaphore, #tpu.memory_space<semaphore_mem>>
      %dma_start3A = arith.constant 0 : i32
      %dma_start3A_32 = arith.constant 0 : i32
      %dma_start3A_33 = tpu.memref_slice %arg2[%arg1, %dma_start3A, %dma_start3A_32] : memref<16x100x100xi32, #tpu.memory_space<hbm>> -> memref<1x100x100xi32, #tpu.memory_space<hbm>>
      %dma_start3A_34 = tpu.memref_squeeze %dma_start3A_33 : memref<1x100x100xi32, #tpu.memory_space<hbm>> -> memref<100x100xi32, #tpu.memory_space<hbm>>
      %dma_start3A_35 = arith.constant 0 : i32
      %dma_start3A_36 = arith.constant 0 : i32
      %dma_start3A_37 = tpu.memref_slice %arg2[%arg1, %dma_start3A_35, %dma_start3A_36] : memref<16x100x100xi32, #tpu.memory_space<hbm>> -> memref<1x100x100xi32, #tpu.memory_space<hbm>>
      %dma_start3A_38 = tpu.memref_squeeze %dma_start3A_37 : memref<1x100x100xi32, #tpu.memory_space<hbm>> -> memref<100x100xi32, #tpu.memory_space<hbm>>
      tpu.enqueue_dma source(%dma_start3A_38 : memref<100x100xi32, #tpu.memory_space<hbm>>) target(%arg4 : memref<100x100xi32, #tpu.memory_space<vmem>>) target_semaphore(%run_scoped3A : memref<!tpu.dma_semaphore, #tpu.memory_space<semaphore_mem>>)
      %dma_wait3A = arith.constant 0 : i32
      %dma_wait3A_39 = arith.constant 0 : i32
      %dma_wait3A_40 = tpu.memref_slice %arg2[%arg1, %dma_wait3A, %dma_wait3A_39] : memref<16x100x100xi32, #tpu.memory_space<hbm>> -> memref<1x100x100xi32, #tpu.memory_space<hbm>>
      %dma_wait3A_41 = tpu.memref_squeeze %dma_wait3A_40 : memref<1x100x100xi32, #tpu.memory_space<hbm>> -> memref<100x100xi32, #tpu.memory_space<hbm>>
      %dma_wait3A_42 = arith.constant 0 : i32
      %dma_wait3A_43 = arith.constant 0 : i32
      %dma_wait3A_44 = tpu.memref_slice %arg2[%arg1, %dma_wait3A_42, %dma_wait3A_43] : memref<16x100x100xi32, #tpu.memory_space<hbm>> -> memref<1x100x100xi32, #tpu.memory_space<hbm>>
      %dma_wait3A_45 = tpu.memref_squeeze %dma_wait3A_44 : memref<1x100x100xi32, #tpu.memory_space<hbm>> -> memref<100x100xi32, #tpu.memory_space<hbm>>
      tpu.wait_dma2 semaphore(%run_scoped3A : memref<!tpu.dma_semaphore, #tpu.memory_space<semaphore_mem>>) src(%dma_wait3A_45 : memref<100x100xi32, #tpu.memory_space<hbm>>) dst(%arg4 : memref<100x100xi32, #tpu.memory_space<vmem>>)
      tpu.yield
    }) : () -> ()
    %broadcast_in_dim3A = arith.constant 0.000000e+00 : f32
    %broadcast_in_dim3A_1 = vector.broadcast %broadcast_in_dim3A : f32 to vector<16xf32>
    %broadcast_in_dim3A_2 = arith.constant 1.000000e+00 : f32
    %broadcast_in_dim3A_3 = vector.broadcast %broadcast_in_dim3A_2 : f32 to vector<16xf32>
    %scan3A = arith.constant 0 : i32
    %scan3A_4 = arith.constant 100 : i32
    %scan3A_5 = arith.addi %scan3A, %scan3A_4 : i32
    %scan3A_6 = arith.constant 1 : i32
    scf.for %scan3A_32 = %scan3A to %scan3A_5 step %scan3A_6  : i32 {
      %mul3A_33 = arith.constant 1 : i32
      %mul3A_34 = arith.muli %scan3A_32, %mul3A_33 : i32
      %add3A_35 = arith.constant 0 : i32
      %add3A_36 = arith.addi %add3A_35, %mul3A_34 : i32
      %swap3A = arith.index_cast %add3A_36 : i32 to index
      %swap3A_37 = arith.constant 0 : index
      %swap3A_38 = tpu.vector_load %arg5[%swap3A, %swap3A_37] {strides = array<i32>} : memref<100x16xf32, #tpu.memory_space<vmem>>, vector<1x16xf32>,
      %swap3A_39 = vector.shape_cast %swap3A_38 : vector<1x16xf32> to vector<16xf32>
      %swap3A_40 = vector.shape_cast %broadcast_in_dim3A_3 : vector<16xf32> to vector<1x16xf32>
      tpu.vector_store %arg5[%swap3A, %swap3A_37], %swap3A_40 {strides = array<i32>} : memref<100x16xf32, #tpu.memory_space<vmem>>, vector<1x16xf32>,
    }
    %scan3A_7 = arith.constant 100 : i32
    %scan3A_8 = arith.constant 0 : i32
    %scan3A_9 = arith.constant 640 : i32
    %scan3A_10 = arith.addi %scan3A_8, %scan3A_9 : i32
    %scan3A_11 = arith.constant 1 : i32
    scf.for %scan3A_32 = %scan3A_8 to %scan3A_10 step %scan3A_11  : i32 {
      %mul3A_33 = arith.constant 1 : i32
      %mul3A_34 = arith.muli %scan3A_32, %mul3A_33 : i32
      %add3A_35 = arith.constant 0 : i32
      %add3A_36 = arith.addi %add3A_35, %mul3A_34 : i32
      %swap3A = arith.index_cast %add3A_36 : i32 to index
      %swap3A_37 = arith.constant 0 : index
      %swap3A_38 = tpu.vector_load %arg6[%swap3A, %swap3A_37] {strides = array<i32>} : memref<640x16xf32, #tpu.memory_space<vmem>>, vector<1x16xf32>,
      %swap3A_39 = vector.shape_cast %swap3A_38 : vector<1x16xf32> to vector<16xf32>
      %swap3A_40 = vector.shape_cast %broadcast_in_dim3A_1 : vector<16xf32> to vector<1x16xf32>
      tpu.vector_store %arg6[%swap3A, %swap3A_37], %swap3A_40 {strides = array<i32>} : memref<640x16xf32, #tpu.memory_space<vmem>>, vector<1x16xf32>,
    }
    %scan3A_12 = arith.constant 640 : i32
    "tpu.region"() ({
      %run_scoped3A = tpu.sem_alloc : memref<!tpu.dma_semaphore, #tpu.memory_space<semaphore_mem>>
      %dma_start3A = arith.constant 0 : i32
      %dma_start3A_32 = tpu.memref_slice %arg7[%mul3A_0, %dma_start3A] : memref<10240x16xf32, #tpu.memory_space<vmem_shared>> -> memref<640x16xf32, #tpu.memory_space<vmem_shared>>
      %dma_start3A_33 = arith.constant 0 : i32
      %dma_start3A_34 = tpu.memref_slice %arg7[%mul3A_0, %dma_start3A_33] : memref<10240x16xf32, #tpu.memory_space<vmem_shared>> -> memref<640x16xf32, #tpu.memory_space<vmem_shared>>
      tpu.enqueue_dma source(%arg6 : memref<640x16xf32, #tpu.memory_space<vmem>>) target(%dma_start3A_34 : memref<640x16xf32, #tpu.memory_space<vmem_shared>>) target_semaphore(%run_scoped3A : memref<!tpu.dma_semaphore, #tpu.memory_space<semaphore_mem>>)
      %dma_wait3A = arith.constant 0 : i32
      %dma_wait3A_35 = tpu.memref_slice %arg7[%mul3A_0, %dma_wait3A] : memref<10240x16xf32, #tpu.memory_space<vmem_shared>> -> memref<640x16xf32, #tpu.memory_space<vmem_shared>>
      %dma_wait3A_36 = arith.constant 0 : i32
      %dma_wait3A_37 = tpu.memref_slice %arg7[%mul3A_0, %dma_wait3A_36] : memref<10240x16xf32, #tpu.memory_space<vmem_shared>> -> memref<640x16xf32, #tpu.memory_space<vmem_shared>>
      tpu.wait_dma2 semaphore(%run_scoped3A : memref<!tpu.dma_semaphore, #tpu.memory_space<semaphore_mem>>) src(%arg6 : memref<640x16xf32, #tpu.memory_space<vmem>>) dst(%dma_wait3A_37 : memref<640x16xf32, #tpu.memory_space<vmem_shared>>)
      tpu.yield
    }) : () -> ()
    %barrier3A = arith.constant 0 : index
    tpu.barrier barrier_id(%barrier3A)
    %mul3A_13 = arith.constant 50 : i32
    %mul3A_14 = arith.muli %arg0, %mul3A_13 : i32
    %eq3A = arith.constant 0 : i32
    %eq3A_15 = arith.cmpi eq, %arg0, %eq3A : i32
    %jit3A = arith.constant 50 : i32
    %jit3A_16 = arith.constant 50 : i32
    %select_n3A = arith.select %eq3A_15, %jit3A, %jit3A_16 : i32
    %add3A = arith.addi %mul3A_14, %select_n3A : i32
    %sub3A = arith.subi %add3A, %mul3A_14 : i32
    %sub3A_17 = arith.constant 1 : i32
    %sub3A_18 = arith.constant 1 : i32
    %sub3A_19 = arith.subi %sub3A_17, %sub3A_18 : i32
    %add3A_20 = arith.addi %sub3A, %sub3A_19 : i32
    %div3A = arith.constant 1 : i32
    %div3A_21 = arith.divsi %add3A_20, %div3A : i32
    %while3A = arith.constant 1 : i32
    %while3A_22 = arith.constant 0 : i32
    %while3A_23 = arith.subi %div3A_21, %while3A_22 : i32
    %while3A_24 = arith.addi %while3A_22, %while3A_23 : i32
    %while3A_25 = arith.constant 1 : i32
    %while3A_26 = arith.divsi %while3A_23, %while3A_25 : i32
    %while3A_27 = arith.muli %while3A_26, %while3A_25 : i32
    %while3A_28 = arith.addi %while3A_22, %while3A_27 : i32
    %while3A_29 = arith.constant 1 : i32
    scf.for %while3A_32 = %while3A_22 to %while3A_28 step %while3A_29  : i32 {
      %mul3A_33 = arith.muli %while3A_32, %while3A : i32
      %add3A_34 = arith.addi %mul3A_14, %mul3A_33 : i32
      "tpu.region"() ({
        %run_scoped3A = tpu.sem_alloc : memref<!tpu.dma_semaphore, #tpu.memory_space<semaphore_mem>>
        %dma_start3A = arith.constant 0 : i32
        %dma_start3A_35 = tpu.memref_slice %arg4[%add3A_34, %dma_start3A] : memref<100x100xi32, #tpu.memory_space<vmem>> -> memref<1x100xi32, #tpu.memory_space<vmem>>
        %dma_start3A_36 = tpu.memref_squeeze %dma_start3A_35 : memref<1x100xi32, #tpu.memory_space<vmem>> -> memref<100xi32, #tpu.memory_space<vmem>>
        %dma_start3A_37 = arith.constant 0 : i32
        %dma_start3A_38 = arith.constant 0 : i32
        %dma_start3A_39 = tpu.memref_slice %arg7[%dma_start3A_37, %dma_start3A_38] : memref<10240x16xf32, #tpu.memory_space<vmem_shared>> -> memref<10240x16xf32, #tpu.memory_space<vmem_shared>>
        tpu.enqueue_indirect_dma source(%arg5 : memref<100x16xf32, #tpu.memory_space<vmem>>) target(%dma_start3A_39 : memref<10240x16xf32, #tpu.memory_space<vmem_shared>>) offsets(%dma_start3A_36 : memref<100xi32, #tpu.memory_space<vmem>>) semaphore(%run_scoped3A : memref<!tpu.dma_semaphore, #tpu.memory_space<semaphore_mem>>) {add = true}
        %dma_wait3A = arith.constant 0 : i32
        %dma_wait3A_40 = tpu.memref_slice %arg4[%add3A_34, %dma_wait3A] : memref<100x100xi32, #tpu.memory_space<vmem>> -> memref<1x100xi32, #tpu.memory_space<vmem>>
        %dma_wait3A_41 = tpu.memref_squeeze %dma_wait3A_40 : memref<1x100xi32, #tpu.memory_space<vmem>> -> memref<100xi32, #tpu.memory_space<vmem>>
        %dma_wait3A_42 = arith.constant 0 : i32
        %dma_wait3A_43 = arith.constant 0 : i32
        %dma_wait3A_44 = tpu.memref_slice %arg7[%dma_wait3A_42, %dma_wait3A_43] : memref<10240x16xf32, #tpu.memory_space<vmem_shared>> -> memref<10240x16xf32, #tpu.memory_space<vmem_shared>>
        tpu.wait_indirect_dma semaphore(%run_scoped3A : memref<!tpu.dma_semaphore, #tpu.memory_space<semaphore_mem>>) src(%arg5 : memref<100x16xf32, #tpu.memory_space<vmem>>) dst(%dma_wait3A_44 : memref<10240x16xf32, #tpu.memory_space<vmem_shared>>)
        tpu.yield
      }) : () -> ()
    }
    %while3A_30 = arith.constant 1 : i32
    scf.for %while3A_32 = %while3A_28 to %while3A_24 step %while3A_30  : i32 {
      %mul3A_33 = arith.muli %while3A_32, %while3A : i32
      %add3A_34 = arith.addi %mul3A_14, %mul3A_33 : i32
      "tpu.region"() ({
        %run_scoped3A = tpu.sem_alloc : memref<!tpu.dma_semaphore, #tpu.memory_space<semaphore_mem>>
        %dma_start3A = arith.constant 0 : i32
        %dma_start3A_35 = tpu.memref_slice %arg4[%add3A_34, %dma_start3A] : memref<100x100xi32, #tpu.memory_space<vmem>> -> memref<1x100xi32, #tpu.memory_space<vmem>>
        %dma_start3A_36 = tpu.memref_squeeze %dma_start3A_35 : memref<1x100xi32, #tpu.memory_space<vmem>> -> memref<100xi32, #tpu.memory_space<vmem>>
        %dma_start3A_37 = arith.constant 0 : i32
        %dma_start3A_38 = arith.constant 0 : i32
        %dma_start3A_39 = tpu.memref_slice %arg7[%dma_start3A_37, %dma_start3A_38] : memref<10240x16xf32, #tpu.memory_space<vmem_shared>> -> memref<10240x16xf32, #tpu.memory_space<vmem_shared>>
        tpu.enqueue_indirect_dma source(%arg5 : memref<100x16xf32, #tpu.memory_space<vmem>>) target(%dma_start3A_39 : memref<10240x16xf32, #tpu.memory_space<vmem_shared>>) offsets(%dma_start3A_36 : memref<100xi32, #tpu.memory_space<vmem>>) semaphore(%run_scoped3A : memref<!tpu.dma_semaphore, #tpu.memory_space<semaphore_mem>>) {add = true}
        %dma_wait3A = arith.constant 0 : i32
        %dma_wait3A_40 = tpu.memref_slice %arg4[%add3A_34, %dma_wait3A] : memref<100x100xi32, #tpu.memory_space<vmem>> -> memref<1x100xi32, #tpu.memory_space<vmem>>
        %dma_wait3A_41 = tpu.memref_squeeze %dma_wait3A_40 : memref<1x100xi32, #tpu.memory_space<vmem>> -> memref<100xi32, #tpu.memory_space<vmem>>
        %dma_wait3A_42 = arith.constant 0 : i32
        %dma_wait3A_43 = arith.constant 0 : i32
        %dma_wait3A_44 = tpu.memref_slice %arg7[%dma_wait3A_42, %dma_wait3A_43] : memref<10240x16xf32, #tpu.memory_space<vmem_shared>> -> memref<10240x16xf32, #tpu.memory_space<vmem_shared>>
        tpu.wait_indirect_dma semaphore(%run_scoped3A : memref<!tpu.dma_semaphore, #tpu.memory_space<semaphore_mem>>) src(%arg5 : memref<100x16xf32, #tpu.memory_space<vmem>>) dst(%dma_wait3A_44 : memref<10240x16xf32, #tpu.memory_space<vmem_shared>>)
        tpu.yield
      }) : () -> ()
    }
    %barrier3A_31 = arith.constant 0 : index
    tpu.barrier barrier_id(%barrier3A_31)
    "tpu.region"() ({
      %run_scoped3A = tpu.sem_alloc : memref<!tpu.dma_semaphore, #tpu.memory_space<semaphore_mem>>
      %dma_start3A = arith.constant 0 : i32
      %dma_start3A_32 = tpu.memref_slice %arg3[%arg0, %mul3A_0, %dma_start3A] : memref<2x10240x16xf32, #tpu.memory_space<hbm>> -> memref<1x640x16xf32, #tpu.memory_space<hbm>>
      %dma_start3A_33 = tpu.memref_squeeze %dma_start3A_32 : memref<1x640x16xf32, #tpu.memory_space<hbm>> -> memref<640x16xf32, #tpu.memory_space<hbm>>
      %dma_start3A_34 = arith.constant 0 : i32
      %dma_start3A_35 = tpu.memref_slice %arg7[%mul3A_0, %dma_start3A_34] : memref<10240x16xf32, #tpu.memory_space<vmem_shared>> -> memref<640x16xf32, #tpu.memory_space<vmem_shared>>
      tpu.enqueue_dma source(%dma_start3A_35 : memref<640x16xf32, #tpu.memory_space<vmem_shared>>) target(%dma_start3A_33 : memref<640x16xf32, #tpu.memory_space<hbm>>) target_semaphore(%run_scoped3A : memref<!tpu.dma_semaphore, #tpu.memory_space<semaphore_mem>>)
      %dma_wait3A = arith.constant 0 : i32
      %dma_wait3A_36 = tpu.memref_slice %arg3[%arg0, %mul3A_0, %dma_wait3A] : memref<2x10240x16xf32, #tpu.memory_space<hbm>> -> memref<1x640x16xf32, #tpu.memory_space<hbm>>
      %dma_wait3A_37 = tpu.memref_squeeze %dma_wait3A_36 : memref<1x640x16xf32, #tpu.memory_space<hbm>> -> memref<640x16xf32, #tpu.memory_space<hbm>>
      %dma_wait3A_38 = arith.constant 0 : i32
      %dma_wait3A_39 = tpu.memref_slice %arg7[%mul3A_0, %dma_wait3A_38] : memref<10240x16xf32, #tpu.memory_space<vmem_shared>> -> memref<640x16xf32, #tpu.memory_space<vmem_shared>>
      tpu.wait_dma2 semaphore(%run_scoped3A : memref<!tpu.dma_semaphore, #tpu.memory_space<semaphore_mem>>) src(%dma_wait3A_39 : memref<640x16xf32, #tpu.memory_space<vmem_shared>>) dst(%dma_wait3A_37 : memref<640x16xf32, #tpu.memory_space<hbm>>)
      tpu.yield
    }) : () -> ()
    return
  }
}

#map = affine_map<(d0, d1) -> (0, 0, 0)>
module attributes {stable_mosaic.version = 14 : i64} {
  func.func @body(%arg0: i32, %arg1: i32, %arg2: memref<2x10000x128xf32, #tpu.memory_space<hbm>>, %arg3: memref<16x125x80xi32, #tpu.memory_space<hbm>>, %arg4: memref<16x125x80xi32, #tpu.memory_space<hbm>>, %arg5: memref<2x10240x128xf32, #tpu.memory_space<hbm>>, %arg6: memref<125x80xi32, #tpu.memory_space<vmem>>, %arg7: memref<125x80xi32, #tpu.memory_space<vmem>>, %arg8: memref<80x128xf32, #tpu.memory_space<vmem>>, %arg9: memref<80x128xf32, #tpu.memory_space<vmem>>, %arg10: memref<10240x128xf32, #tpu.memory_space<vmem_shared>>, %arg11: memref<!tpu.dma_semaphore, #tpu.memory_space<semaphore_mem>>, %arg12: memref<!tpu.dma_semaphore, #tpu.memory_space<semaphore_mem>>) attributes {dimension_semantics = [#tpu.dimension_semantics<core_parallel>, #tpu.dimension_semantics<subcore_parallel>], iteration_bounds = array<i64: 2, 16>, scalar_prefetch = 0 : i64, scratch_operands = 7 : i64, tpu.core_type = #tpu.core_type<sc_vector_subcore>, window_params = [{transform_indices = #map}, {transform_indices = #map}, {transform_indices = #map}, {transform_indices = #map}]} {
    %mul3A = arith.constant 640 : i32
    %mul3A_0 = arith.muli %arg1, %mul3A : i32
    "tpu.region"() ({
      %run_scoped3A_47 = tpu.sem_alloc : memref<!tpu.dma_semaphore, #tpu.memory_space<semaphore_mem>>
      %dma_start3A_48 = arith.constant 0 : i32
      %dma_start3A_49 = arith.constant 0 : i32
      %dma_start3A_50 = tpu.memref_slice %arg3[%arg1, %dma_start3A_48, %dma_start3A_49] : memref<16x125x80xi32, #tpu.memory_space<hbm>> -> memref<1x125x80xi32, #tpu.memory_space<hbm>>
      %dma_start3A_51 = tpu.memref_squeeze %dma_start3A_50 : memref<1x125x80xi32, #tpu.memory_space<hbm>> -> memref<125x80xi32, #tpu.memory_space<hbm>>
      %dma_start3A_52 = arith.constant 0 : i32
      %dma_start3A_53 = arith.constant 0 : i32
      %dma_start3A_54 = tpu.memref_slice %arg3[%arg1, %dma_start3A_52, %dma_start3A_53] : memref<16x125x80xi32, #tpu.memory_space<hbm>> -> memref<1x125x80xi32, #tpu.memory_space<hbm>>
      %dma_start3A_55 = tpu.memref_squeeze %dma_start3A_54 : memref<1x125x80xi32, #tpu.memory_space<hbm>> -> memref<125x80xi32, #tpu.memory_space<hbm>>
      tpu.enqueue_dma source(%dma_start3A_55 : memref<125x80xi32, #tpu.memory_space<hbm>>) target(%arg6 : memref<125x80xi32, #tpu.memory_space<vmem>>) target_semaphore(%run_scoped3A_47 : memref<!tpu.dma_semaphore, #tpu.memory_space<semaphore_mem>>)
      %dma_wait3A_56 = arith.constant 0 : i32
      %dma_wait3A_57 = arith.constant 0 : i32
      %dma_wait3A_58 = tpu.memref_slice %arg3[%arg1, %dma_wait3A_56, %dma_wait3A_57] : memref<16x125x80xi32, #tpu.memory_space<hbm>> -> memref<1x125x80xi32, #tpu.memory_space<hbm>>
      %dma_wait3A_59 = tpu.memref_squeeze %dma_wait3A_58 : memref<1x125x80xi32, #tpu.memory_space<hbm>> -> memref<125x80xi32, #tpu.memory_space<hbm>>
      %dma_wait3A_60 = arith.constant 0 : i32
      %dma_wait3A_61 = arith.constant 0 : i32
      %dma_wait3A_62 = tpu.memref_slice %arg3[%arg1, %dma_wait3A_60, %dma_wait3A_61] : memref<16x125x80xi32, #tpu.memory_space<hbm>> -> memref<1x125x80xi32, #tpu.memory_space<hbm>>
      %dma_wait3A_63 = tpu.memref_squeeze %dma_wait3A_62 : memref<1x125x80xi32, #tpu.memory_space<hbm>> -> memref<125x80xi32, #tpu.memory_space<hbm>>
      tpu.wait_dma2 semaphore(%run_scoped3A_47 : memref<!tpu.dma_semaphore, #tpu.memory_space<semaphore_mem>>) src(%dma_wait3A_63 : memref<125x80xi32, #tpu.memory_space<hbm>>) dst(%arg6 : memref<125x80xi32, #tpu.memory_space<vmem>>)
      tpu.yield
    }) : () -> ()
    "tpu.region"() ({
      %run_scoped3A_47 = tpu.sem_alloc : memref<!tpu.dma_semaphore, #tpu.memory_space<semaphore_mem>>
      %dma_start3A_48 = arith.constant 0 : i32
      %dma_start3A_49 = arith.constant 0 : i32
      %dma_start3A_50 = tpu.memref_slice %arg4[%arg1, %dma_start3A_48, %dma_start3A_49] : memref<16x125x80xi32, #tpu.memory_space<hbm>> -> memref<1x125x80xi32, #tpu.memory_space<hbm>>
      %dma_start3A_51 = tpu.memref_squeeze %dma_start3A_50 : memref<1x125x80xi32, #tpu.memory_space<hbm>> -> memref<125x80xi32, #tpu.memory_space<hbm>>
      %dma_start3A_52 = arith.constant 0 : i32
      %dma_start3A_53 = arith.constant 0 : i32
      %dma_start3A_54 = tpu.memref_slice %arg4[%arg1, %dma_start3A_52, %dma_start3A_53] : memref<16x125x80xi32, #tpu.memory_space<hbm>> -> memref<1x125x80xi32, #tpu.memory_space<hbm>>
      %dma_start3A_55 = tpu.memref_squeeze %dma_start3A_54 : memref<1x125x80xi32, #tpu.memory_space<hbm>> -> memref<125x80xi32, #tpu.memory_space<hbm>>
      tpu.enqueue_dma source(%dma_start3A_55 : memref<125x80xi32, #tpu.memory_space<hbm>>) target(%arg7 : memref<125x80xi32, #tpu.memory_space<vmem>>) target_semaphore(%run_scoped3A_47 : memref<!tpu.dma_semaphore, #tpu.memory_space<semaphore_mem>>)
      %dma_wait3A_56 = arith.constant 0 : i32
      %dma_wait3A_57 = arith.constant 0 : i32
      %dma_wait3A_58 = tpu.memref_slice %arg4[%arg1, %dma_wait3A_56, %dma_wait3A_57] : memref<16x125x80xi32, #tpu.memory_space<hbm>> -> memref<1x125x80xi32, #tpu.memory_space<hbm>>
      %dma_wait3A_59 = tpu.memref_squeeze %dma_wait3A_58 : memref<1x125x80xi32, #tpu.memory_space<hbm>> -> memref<125x80xi32, #tpu.memory_space<hbm>>
      %dma_wait3A_60 = arith.constant 0 : i32
      %dma_wait3A_61 = arith.constant 0 : i32
      %dma_wait3A_62 = tpu.memref_slice %arg4[%arg1, %dma_wait3A_60, %dma_wait3A_61] : memref<16x125x80xi32, #tpu.memory_space<hbm>> -> memref<1x125x80xi32, #tpu.memory_space<hbm>>
      %dma_wait3A_63 = tpu.memref_squeeze %dma_wait3A_62 : memref<1x125x80xi32, #tpu.memory_space<hbm>> -> memref<125x80xi32, #tpu.memory_space<hbm>>
      tpu.wait_dma2 semaphore(%run_scoped3A_47 : memref<!tpu.dma_semaphore, #tpu.memory_space<semaphore_mem>>) src(%dma_wait3A_63 : memref<125x80xi32, #tpu.memory_space<hbm>>) dst(%arg7 : memref<125x80xi32, #tpu.memory_space<vmem>>)
      tpu.yield
    }) : () -> ()
    %dma_start3A = arith.constant 0 : i32
    %dma_start3A_1 = arith.constant 0 : i32
    %dma_start3A_2 = tpu.memref_slice %arg6[%dma_start3A, %dma_start3A_1] : memref<125x80xi32, #tpu.memory_space<vmem>> -> memref<1x80xi32, #tpu.memory_space<vmem>>
    %dma_start3A_3 = tpu.memref_squeeze %dma_start3A_2 : memref<1x80xi32, #tpu.memory_space<vmem>> -> memref<80xi32, #tpu.memory_space<vmem>>
    %dma_start3A_4 = arith.constant 0 : i32
    %dma_start3A_5 = arith.constant 0 : i32
    %dma_start3A_6 = tpu.memref_slice %arg2[%arg0, %dma_start3A_4, %dma_start3A_5] : memref<2x10000x128xf32, #tpu.memory_space<hbm>> -> memref<1x10000x128xf32, #tpu.memory_space<hbm>>
    %dma_start3A_7 = tpu.memref_squeeze %dma_start3A_6 : memref<1x10000x128xf32, #tpu.memory_space<hbm>> -> memref<10000x128xf32, #tpu.memory_space<hbm>>
    %dma_start3A_8 = arith.constant 0 : i32
    %dma_start3A_9 = arith.constant 0 : i32
    %dma_start3A_10 = tpu.memref_slice %dma_start3A_7[%dma_start3A_8, %dma_start3A_9] : memref<10000x128xf32, #tpu.memory_space<hbm>> -> memref<10000x128xf32, #tpu.memory_space<hbm>>
    tpu.enqueue_indirect_dma source(%dma_start3A_10 : memref<10000x128xf32, #tpu.memory_space<hbm>>) target(%arg8 : memref<80x128xf32, #tpu.memory_space<vmem>>) offsets(%dma_start3A_3 : memref<80xi32, #tpu.memory_space<vmem>>) semaphore(%arg11 : memref<!tpu.dma_semaphore, #tpu.memory_space<semaphore_mem>>)
    %broadcast_in_dim3A = arith.constant 0.000000e+00 : f32
    %broadcast_in_dim3A_11 = vector.broadcast %broadcast_in_dim3A : f32 to vector<16xf32>
    %scan3A = arith.constant 0 : i32
    %scan3A_12 = arith.constant 80 : i32
    %scan3A_13 = arith.addi %scan3A, %scan3A_12 : i32
    %scan3A_14 = arith.constant 1 : i32
    scf.for %scan3A_47 = %scan3A to %scan3A_13 step %scan3A_14  : i32 {
      %mul3A_48 = arith.constant 1 : i32
      %mul3A_49 = arith.muli %scan3A_47, %mul3A_48 : i32
      %add3A_50 = arith.constant 0 : i32
      %add3A_51 = arith.addi %add3A_50, %mul3A_49 : i32
      %swap3A = arith.index_cast %add3A_51 : i32 to index
      %swap3A_52 = arith.constant 0 : index
      %swap3A_53 = tpu.vector_load %arg9[%swap3A, %swap3A_52] {strides = array<i32>} : memref<80x128xf32, #tpu.memory_space<vmem>>, vector<1x16xf32>,
      %swap3A_54 = vector.shape_cast %swap3A_53 : vector<1x16xf32> to vector<16xf32>
      %swap3A_55 = vector.shape_cast %broadcast_in_dim3A_11 : vector<16xf32> to vector<1x16xf32>
      tpu.vector_store %arg9[%swap3A, %swap3A_52], %swap3A_55 {strides = array<i32>} : memref<80x128xf32, #tpu.memory_space<vmem>>, vector<1x16xf32>,
      %swap3A_56 = arith.index_cast %add3A_51 : i32 to index
      %swap3A_57 = arith.constant 16 : index
      %swap3A_58 = tpu.vector_load %arg9[%swap3A_56, %swap3A_57] {strides = array<i32>} : memref<80x128xf32, #tpu.memory_space<vmem>>, vector<1x16xf32>,
      %swap3A_59 = vector.shape_cast %swap3A_58 : vector<1x16xf32> to vector<16xf32>
      %swap3A_60 = vector.shape_cast %broadcast_in_dim3A_11 : vector<16xf32> to vector<1x16xf32>
      tpu.vector_store %arg9[%swap3A_56, %swap3A_57], %swap3A_60 {strides = array<i32>} : memref<80x128xf32, #tpu.memory_space<vmem>>, vector<1x16xf32>,
      %swap3A_61 = arith.index_cast %add3A_51 : i32 to index
      %swap3A_62 = arith.constant 32 : index
      %swap3A_63 = tpu.vector_load %arg9[%swap3A_61, %swap3A_62] {strides = array<i32>} : memref<80x128xf32, #tpu.memory_space<vmem>>, vector<1x16xf32>,
      %swap3A_64 = vector.shape_cast %swap3A_63 : vector<1x16xf32> to vector<16xf32>
      %swap3A_65 = vector.shape_cast %broadcast_in_dim3A_11 : vector<16xf32> to vector<1x16xf32>
      tpu.vector_store %arg9[%swap3A_61, %swap3A_62], %swap3A_65 {strides = array<i32>} : memref<80x128xf32, #tpu.memory_space<vmem>>, vector<1x16xf32>,
      %swap3A_66 = arith.index_cast %add3A_51 : i32 to index
      %swap3A_67 = arith.constant 48 : index
      %swap3A_68 = tpu.vector_load %arg9[%swap3A_66, %swap3A_67] {strides = array<i32>} : memref<80x128xf32, #tpu.memory_space<vmem>>, vector<1x16xf32>,
      %swap3A_69 = vector.shape_cast %swap3A_68 : vector<1x16xf32> to vector<16xf32>
      %swap3A_70 = vector.shape_cast %broadcast_in_dim3A_11 : vector<16xf32> to vector<1x16xf32>
      tpu.vector_store %arg9[%swap3A_66, %swap3A_67], %swap3A_70 {strides = array<i32>} : memref<80x128xf32, #tpu.memory_space<vmem>>, vector<1x16xf32>,
      %swap3A_71 = arith.index_cast %add3A_51 : i32 to index
      %swap3A_72 = arith.constant 64 : index
      %swap3A_73 = tpu.vector_load %arg9[%swap3A_71, %swap3A_72] {strides = array<i32>} : memref<80x128xf32, #tpu.memory_space<vmem>>, vector<1x16xf32>,
      %swap3A_74 = vector.shape_cast %swap3A_73 : vector<1x16xf32> to vector<16xf32>
      %swap3A_75 = vector.shape_cast %broadcast_in_dim3A_11 : vector<16xf32> to vector<1x16xf32>
      tpu.vector_store %arg9[%swap3A_71, %swap3A_72], %swap3A_75 {strides = array<i32>} : memref<80x128xf32, #tpu.memory_space<vmem>>, vector<1x16xf32>,
      %swap3A_76 = arith.index_cast %add3A_51 : i32 to index
      %swap3A_77 = arith.constant 80 : index
      %swap3A_78 = tpu.vector_load %arg9[%swap3A_76, %swap3A_77] {strides = array<i32>} : memref<80x128xf32, #tpu.memory_space<vmem>>, vector<1x16xf32>,
      %swap3A_79 = vector.shape_cast %swap3A_78 : vector<1x16xf32> to vector<16xf32>
      %swap3A_80 = vector.shape_cast %broadcast_in_dim3A_11 : vector<16xf32> to vector<1x16xf32>
      tpu.vector_store %arg9[%swap3A_76, %swap3A_77], %swap3A_80 {strides = array<i32>} : memref<80x128xf32, #tpu.memory_space<vmem>>, vector<1x16xf32>,
      %swap3A_81 = arith.index_cast %add3A_51 : i32 to index
      %swap3A_82 = arith.constant 96 : index
      %swap3A_83 = tpu.vector_load %arg9[%swap3A_81, %swap3A_82] {strides = array<i32>} : memref<80x128xf32, #tpu.memory_space<vmem>>, vector<1x16xf32>,
      %swap3A_84 = vector.shape_cast %swap3A_83 : vector<1x16xf32> to vector<16xf32>
      %swap3A_85 = vector.shape_cast %broadcast_in_dim3A_11 : vector<16xf32> to vector<1x16xf32>
      tpu.vector_store %arg9[%swap3A_81, %swap3A_82], %swap3A_85 {strides = array<i32>} : memref<80x128xf32, #tpu.memory_space<vmem>>, vector<1x16xf32>,
      %swap3A_86 = arith.index_cast %add3A_51 : i32 to index
      %swap3A_87 = arith.constant 112 : index
      %swap3A_88 = tpu.vector_load %arg9[%swap3A_86, %swap3A_87] {strides = array<i32>} : memref<80x128xf32, #tpu.memory_space<vmem>>, vector<1x16xf32>,
      %swap3A_89 = vector.shape_cast %swap3A_88 : vector<1x16xf32> to vector<16xf32>
      %swap3A_90 = vector.shape_cast %broadcast_in_dim3A_11 : vector<16xf32> to vector<1x16xf32>
      tpu.vector_store %arg9[%swap3A_86, %swap3A_87], %swap3A_90 {strides = array<i32>} : memref<80x128xf32, #tpu.memory_space<vmem>>, vector<1x16xf32>,
    }
    %scan3A_15 = arith.constant 80 : i32
    %add3A = arith.constant 0 : i32
    %add3A_16 = arith.addi %mul3A_0, %add3A : i32
    "tpu.region"() ({
      %run_scoped3A_47 = tpu.sem_alloc : memref<!tpu.dma_semaphore, #tpu.memory_space<semaphore_mem>>
      %dma_start3A_48 = arith.constant 0 : i32
      %dma_start3A_49 = tpu.memref_slice %arg10[%add3A_16, %dma_start3A_48] : memref<10240x128xf32, #tpu.memory_space<vmem_shared>> -> memref<80x128xf32, #tpu.memory_space<vmem_shared>>
      %dma_start3A_50 = arith.constant 0 : i32
      %dma_start3A_51 = tpu.memref_slice %arg10[%add3A_16, %dma_start3A_50] : memref<10240x128xf32, #tpu.memory_space<vmem_shared>> -> memref<80x128xf32, #tpu.memory_space<vmem_shared>>
      tpu.enqueue_dma source(%arg9 : memref<80x128xf32, #tpu.memory_space<vmem>>) target(%dma_start3A_51 : memref<80x128xf32, #tpu.memory_space<vmem_shared>>) target_semaphore(%run_scoped3A_47 : memref<!tpu.dma_semaphore, #tpu.memory_space<semaphore_mem>>)
      %dma_wait3A_52 = arith.constant 0 : i32
      %dma_wait3A_53 = tpu.memref_slice %arg10[%add3A_16, %dma_wait3A_52] : memref<10240x128xf32, #tpu.memory_space<vmem_shared>> -> memref<80x128xf32, #tpu.memory_space<vmem_shared>>
      %dma_wait3A_54 = arith.constant 0 : i32
      %dma_wait3A_55 = tpu.memref_slice %arg10[%add3A_16, %dma_wait3A_54] : memref<10240x128xf32, #tpu.memory_space<vmem_shared>> -> memref<80x128xf32, #tpu.memory_space<vmem_shared>>
      tpu.wait_dma2 semaphore(%run_scoped3A_47 : memref<!tpu.dma_semaphore, #tpu.memory_space<semaphore_mem>>) src(%arg9 : memref<80x128xf32, #tpu.memory_space<vmem>>) dst(%dma_wait3A_55 : memref<80x128xf32, #tpu.memory_space<vmem_shared>>)
      tpu.yield
    }) : () -> ()
    %add3A_17 = arith.constant 80 : i32
    %add3A_18 = arith.addi %mul3A_0, %add3A_17 : i32
    "tpu.region"() ({
      %run_scoped3A_47 = tpu.sem_alloc : memref<!tpu.dma_semaphore, #tpu.memory_space<semaphore_mem>>
      %dma_start3A_48 = arith.constant 0 : i32
      %dma_start3A_49 = tpu.memref_slice %arg10[%add3A_18, %dma_start3A_48] : memref<10240x128xf32, #tpu.memory_space<vmem_shared>> -> memref<80x128xf32, #tpu.memory_space<vmem_shared>>
      %dma_start3A_50 = arith.constant 0 : i32
      %dma_start3A_51 = tpu.memref_slice %arg10[%add3A_18, %dma_start3A_50] : memref<10240x128xf32, #tpu.memory_space<vmem_shared>> -> memref<80x128xf32, #tpu.memory_space<vmem_shared>>
      tpu.enqueue_dma source(%arg9 : memref<80x128xf32, #tpu.memory_space<vmem>>) target(%dma_start3A_51 : memref<80x128xf32, #tpu.memory_space<vmem_shared>>) target_semaphore(%run_scoped3A_47 : memref<!tpu.dma_semaphore, #tpu.memory_space<semaphore_mem>>)
      %dma_wait3A_52 = arith.constant 0 : i32
      %dma_wait3A_53 = tpu.memref_slice %arg10[%add3A_18, %dma_wait3A_52] : memref<10240x128xf32, #tpu.memory_space<vmem_shared>> -> memref<80x128xf32, #tpu.memory_space<vmem_shared>>
      %dma_wait3A_54 = arith.constant 0 : i32
      %dma_wait3A_55 = tpu.memref_slice %arg10[%add3A_18, %dma_wait3A_54] : memref<10240x128xf32, #tpu.memory_space<vmem_shared>> -> memref<80x128xf32, #tpu.memory_space<vmem_shared>>
      tpu.wait_dma2 semaphore(%run_scoped3A_47 : memref<!tpu.dma_semaphore, #tpu.memory_space<semaphore_mem>>) src(%arg9 : memref<80x128xf32, #tpu.memory_space<vmem>>) dst(%dma_wait3A_55 : memref<80x128xf32, #tpu.memory_space<vmem_shared>>)
      tpu.yield
    }) : () -> ()
    %add3A_19 = arith.constant 160 : i32
    %add3A_20 = arith.addi %mul3A_0, %add3A_19 : i32
    "tpu.region"() ({
      %run_scoped3A_47 = tpu.sem_alloc : memref<!tpu.dma_semaphore, #tpu.memory_space<semaphore_mem>>
      %dma_start3A_48 = arith.constant 0 : i32
      %dma_start3A_49 = tpu.memref_slice %arg10[%add3A_20, %dma_start3A_48] : memref<10240x128xf32, #tpu.memory_space<vmem_shared>> -> memref<80x128xf32, #tpu.memory_space<vmem_shared>>
      %dma_start3A_50 = arith.constant 0 : i32
      %dma_start3A_51 = tpu.memref_slice %arg10[%add3A_20, %dma_start3A_50] : memref<10240x128xf32, #tpu.memory_space<vmem_shared>> -> memref<80x128xf32, #tpu.memory_space<vmem_shared>>
      tpu.enqueue_dma source(%arg9 : memref<80x128xf32, #tpu.memory_space<vmem>>) target(%dma_start3A_51 : memref<80x128xf32, #tpu.memory_space<vmem_shared>>) target_semaphore(%run_scoped3A_47 : memref<!tpu.dma_semaphore, #tpu.memory_space<semaphore_mem>>)
      %dma_wait3A_52 = arith.constant 0 : i32
      %dma_wait3A_53 = tpu.memref_slice %arg10[%add3A_20, %dma_wait3A_52] : memref<10240x128xf32, #tpu.memory_space<vmem_shared>> -> memref<80x128xf32, #tpu.memory_space<vmem_shared>>
      %dma_wait3A_54 = arith.constant 0 : i32
      %dma_wait3A_55 = tpu.memref_slice %arg10[%add3A_20, %dma_wait3A_54] : memref<10240x128xf32, #tpu.memory_space<vmem_shared>> -> memref<80x128xf32, #tpu.memory_space<vmem_shared>>
      tpu.wait_dma2 semaphore(%run_scoped3A_47 : memref<!tpu.dma_semaphore, #tpu.memory_space<semaphore_mem>>) src(%arg9 : memref<80x128xf32, #tpu.memory_space<vmem>>) dst(%dma_wait3A_55 : memref<80x128xf32, #tpu.memory_space<vmem_shared>>)
      tpu.yield
    }) : () -> ()
    %add3A_21 = arith.constant 240 : i32
    %add3A_22 = arith.addi %mul3A_0, %add3A_21 : i32
    "tpu.region"() ({
      %run_scoped3A_47 = tpu.sem_alloc : memref<!tpu.dma_semaphore, #tpu.memory_space<semaphore_mem>>
      %dma_start3A_48 = arith.constant 0 : i32
      %dma_start3A_49 = tpu.memref_slice %arg10[%add3A_22, %dma_start3A_48] : memref<10240x128xf32, #tpu.memory_space<vmem_shared>> -> memref<80x128xf32, #tpu.memory_space<vmem_shared>>
      %dma_start3A_50 = arith.constant 0 : i32
      %dma_start3A_51 = tpu.memref_slice %arg10[%add3A_22, %dma_start3A_50] : memref<10240x128xf32, #tpu.memory_space<vmem_shared>> -> memref<80x128xf32, #tpu.memory_space<vmem_shared>>
      tpu.enqueue_dma source(%arg9 : memref<80x128xf32, #tpu.memory_space<vmem>>) target(%dma_start3A_51 : memref<80x128xf32, #tpu.memory_space<vmem_shared>>) target_semaphore(%run_scoped3A_47 : memref<!tpu.dma_semaphore, #tpu.memory_space<semaphore_mem>>)
      %dma_wait3A_52 = arith.constant 0 : i32
      %dma_wait3A_53 = tpu.memref_slice %arg10[%add3A_22, %dma_wait3A_52] : memref<10240x128xf32, #tpu.memory_space<vmem_shared>> -> memref<80x128xf32, #tpu.memory_space<vmem_shared>>
      %dma_wait3A_54 = arith.constant 0 : i32
      %dma_wait3A_55 = tpu.memref_slice %arg10[%add3A_22, %dma_wait3A_54] : memref<10240x128xf32, #tpu.memory_space<vmem_shared>> -> memref<80x128xf32, #tpu.memory_space<vmem_shared>>
      tpu.wait_dma2 semaphore(%run_scoped3A_47 : memref<!tpu.dma_semaphore, #tpu.memory_space<semaphore_mem>>) src(%arg9 : memref<80x128xf32, #tpu.memory_space<vmem>>) dst(%dma_wait3A_55 : memref<80x128xf32, #tpu.memory_space<vmem_shared>>)
      tpu.yield
    }) : () -> ()
    %add3A_23 = arith.constant 320 : i32
    %add3A_24 = arith.addi %mul3A_0, %add3A_23 : i32
    "tpu.region"() ({
      %run_scoped3A_47 = tpu.sem_alloc : memref<!tpu.dma_semaphore, #tpu.memory_space<semaphore_mem>>
      %dma_start3A_48 = arith.constant 0 : i32
      %dma_start3A_49 = tpu.memref_slice %arg10[%add3A_24, %dma_start3A_48] : memref<10240x128xf32, #tpu.memory_space<vmem_shared>> -> memref<80x128xf32, #tpu.memory_space<vmem_shared>>
      %dma_start3A_50 = arith.constant 0 : i32
      %dma_start3A_51 = tpu.memref_slice %arg10[%add3A_24, %dma_start3A_50] : memref<10240x128xf32, #tpu.memory_space<vmem_shared>> -> memref<80x128xf32, #tpu.memory_space<vmem_shared>>
      tpu.enqueue_dma source(%arg9 : memref<80x128xf32, #tpu.memory_space<vmem>>) target(%dma_start3A_51 : memref<80x128xf32, #tpu.memory_space<vmem_shared>>) target_semaphore(%run_scoped3A_47 : memref<!tpu.dma_semaphore, #tpu.memory_space<semaphore_mem>>)
      %dma_wait3A_52 = arith.constant 0 : i32
      %dma_wait3A_53 = tpu.memref_slice %arg10[%add3A_24, %dma_wait3A_52] : memref<10240x128xf32, #tpu.memory_space<vmem_shared>> -> memref<80x128xf32, #tpu.memory_space<vmem_shared>>
      %dma_wait3A_54 = arith.constant 0 : i32
      %dma_wait3A_55 = tpu.memref_slice %arg10[%add3A_24, %dma_wait3A_54] : memref<10240x128xf32, #tpu.memory_space<vmem_shared>> -> memref<80x128xf32, #tpu.memory_space<vmem_shared>>
      tpu.wait_dma2 semaphore(%run_scoped3A_47 : memref<!tpu.dma_semaphore, #tpu.memory_space<semaphore_mem>>) src(%arg9 : memref<80x128xf32, #tpu.memory_space<vmem>>) dst(%dma_wait3A_55 : memref<80x128xf32, #tpu.memory_space<vmem_shared>>)
      tpu.yield
    }) : () -> ()
    %add3A_25 = arith.constant 400 : i32
    %add3A_26 = arith.addi %mul3A_0, %add3A_25 : i32
    "tpu.region"() ({
      %run_scoped3A_47 = tpu.sem_alloc : memref<!tpu.dma_semaphore, #tpu.memory_space<semaphore_mem>>
      %dma_start3A_48 = arith.constant 0 : i32
      %dma_start3A_49 = tpu.memref_slice %arg10[%add3A_26, %dma_start3A_48] : memref<10240x128xf32, #tpu.memory_space<vmem_shared>> -> memref<80x128xf32, #tpu.memory_space<vmem_shared>>
      %dma_start3A_50 = arith.constant 0 : i32
      %dma_start3A_51 = tpu.memref_slice %arg10[%add3A_26, %dma_start3A_50] : memref<10240x128xf32, #tpu.memory_space<vmem_shared>> -> memref<80x128xf32, #tpu.memory_space<vmem_shared>>
      tpu.enqueue_dma source(%arg9 : memref<80x128xf32, #tpu.memory_space<vmem>>) target(%dma_start3A_51 : memref<80x128xf32, #tpu.memory_space<vmem_shared>>) target_semaphore(%run_scoped3A_47 : memref<!tpu.dma_semaphore, #tpu.memory_space<semaphore_mem>>)
      %dma_wait3A_52 = arith.constant 0 : i32
      %dma_wait3A_53 = tpu.memref_slice %arg10[%add3A_26, %dma_wait3A_52] : memref<10240x128xf32, #tpu.memory_space<vmem_shared>> -> memref<80x128xf32, #tpu.memory_space<vmem_shared>>
      %dma_wait3A_54 = arith.constant 0 : i32
      %dma_wait3A_55 = tpu.memref_slice %arg10[%add3A_26, %dma_wait3A_54] : memref<10240x128xf32, #tpu.memory_space<vmem_shared>> -> memref<80x128xf32, #tpu.memory_space<vmem_shared>>
      tpu.wait_dma2 semaphore(%run_scoped3A_47 : memref<!tpu.dma_semaphore, #tpu.memory_space<semaphore_mem>>) src(%arg9 : memref<80x128xf32, #tpu.memory_space<vmem>>) dst(%dma_wait3A_55 : memref<80x128xf32, #tpu.memory_space<vmem_shared>>)
      tpu.yield
    }) : () -> ()
    %add3A_27 = arith.constant 480 : i32
    %add3A_28 = arith.addi %mul3A_0, %add3A_27 : i32
    "tpu.region"() ({
      %run_scoped3A_47 = tpu.sem_alloc : memref<!tpu.dma_semaphore, #tpu.memory_space<semaphore_mem>>
      %dma_start3A_48 = arith.constant 0 : i32
      %dma_start3A_49 = tpu.memref_slice %arg10[%add3A_28, %dma_start3A_48] : memref<10240x128xf32, #tpu.memory_space<vmem_shared>> -> memref<80x128xf32, #tpu.memory_space<vmem_shared>>
      %dma_start3A_50 = arith.constant 0 : i32
      %dma_start3A_51 = tpu.memref_slice %arg10[%add3A_28, %dma_start3A_50] : memref<10240x128xf32, #tpu.memory_space<vmem_shared>> -> memref<80x128xf32, #tpu.memory_space<vmem_shared>>
      tpu.enqueue_dma source(%arg9 : memref<80x128xf32, #tpu.memory_space<vmem>>) target(%dma_start3A_51 : memref<80x128xf32, #tpu.memory_space<vmem_shared>>) target_semaphore(%run_scoped3A_47 : memref<!tpu.dma_semaphore, #tpu.memory_space<semaphore_mem>>)
      %dma_wait3A_52 = arith.constant 0 : i32
      %dma_wait3A_53 = tpu.memref_slice %arg10[%add3A_28, %dma_wait3A_52] : memref<10240x128xf32, #tpu.memory_space<vmem_shared>> -> memref<80x128xf32, #tpu.memory_space<vmem_shared>>
      %dma_wait3A_54 = arith.constant 0 : i32
      %dma_wait3A_55 = tpu.memref_slice %arg10[%add3A_28, %dma_wait3A_54] : memref<10240x128xf32, #tpu.memory_space<vmem_shared>> -> memref<80x128xf32, #tpu.memory_space<vmem_shared>>
      tpu.wait_dma2 semaphore(%run_scoped3A_47 : memref<!tpu.dma_semaphore, #tpu.memory_space<semaphore_mem>>) src(%arg9 : memref<80x128xf32, #tpu.memory_space<vmem>>) dst(%dma_wait3A_55 : memref<80x128xf32, #tpu.memory_space<vmem_shared>>)
      tpu.yield
    }) : () -> ()
    %add3A_29 = arith.constant 560 : i32
    %add3A_30 = arith.addi %mul3A_0, %add3A_29 : i32
    "tpu.region"() ({
      %run_scoped3A_47 = tpu.sem_alloc : memref<!tpu.dma_semaphore, #tpu.memory_space<semaphore_mem>>
      %dma_start3A_48 = arith.constant 0 : i32
      %dma_start3A_49 = tpu.memref_slice %arg10[%add3A_30, %dma_start3A_48] : memref<10240x128xf32, #tpu.memory_space<vmem_shared>> -> memref<80x128xf32, #tpu.memory_space<vmem_shared>>
      %dma_start3A_50 = arith.constant 0 : i32
      %dma_start3A_51 = tpu.memref_slice %arg10[%add3A_30, %dma_start3A_50] : memref<10240x128xf32, #tpu.memory_space<vmem_shared>> -> memref<80x128xf32, #tpu.memory_space<vmem_shared>>
      tpu.enqueue_dma source(%arg9 : memref<80x128xf32, #tpu.memory_space<vmem>>) target(%dma_start3A_51 : memref<80x128xf32, #tpu.memory_space<vmem_shared>>) target_semaphore(%run_scoped3A_47 : memref<!tpu.dma_semaphore, #tpu.memory_space<semaphore_mem>>)
      %dma_wait3A_52 = arith.constant 0 : i32
      %dma_wait3A_53 = tpu.memref_slice %arg10[%add3A_30, %dma_wait3A_52] : memref<10240x128xf32, #tpu.memory_space<vmem_shared>> -> memref<80x128xf32, #tpu.memory_space<vmem_shared>>
      %dma_wait3A_54 = arith.constant 0 : i32
      %dma_wait3A_55 = tpu.memref_slice %arg10[%add3A_30, %dma_wait3A_54] : memref<10240x128xf32, #tpu.memory_space<vmem_shared>> -> memref<80x128xf32, #tpu.memory_space<vmem_shared>>
      tpu.wait_dma2 semaphore(%run_scoped3A_47 : memref<!tpu.dma_semaphore, #tpu.memory_space<semaphore_mem>>) src(%arg9 : memref<80x128xf32, #tpu.memory_space<vmem>>) dst(%dma_wait3A_55 : memref<80x128xf32, #tpu.memory_space<vmem_shared>>)
      tpu.yield
    }) : () -> ()
    %barrier3A = arith.constant 0 : index
    tpu.barrier barrier_id(%barrier3A)
    %scan3A_31 = arith.constant 0 : i32
    %scan3A_32 = arith.constant 62 : i32
    %scan3A_33 = arith.addi %scan3A_31, %scan3A_32 : i32
    %scan3A_34 = arith.constant 1 : i32
    scf.for %scan3A_47 = %scan3A_31 to %scan3A_33 step %scan3A_34  : i32 {
      %mul3A_48 = arith.constant 2 : i32
      %mul3A_49 = arith.muli %scan3A_47, %mul3A_48 : i32
      %add3A_50 = arith.constant 0 : i32
      %add3A_51 = arith.addi %add3A_50, %mul3A_49 : i32
      %add3A_52 = arith.constant 1 : i32
      %add3A_53 = arith.addi %add3A_51, %add3A_52 : i32
      %dma_start3A_54 = arith.constant 0 : i32
      %dma_start3A_55 = tpu.memref_slice %arg6[%add3A_53, %dma_start3A_54] : memref<125x80xi32, #tpu.memory_space<vmem>> -> memref<1x80xi32, #tpu.memory_space<vmem>>
      %dma_start3A_56 = tpu.memref_squeeze %dma_start3A_55 : memref<1x80xi32, #tpu.memory_space<vmem>> -> memref<80xi32, #tpu.memory_space<vmem>>
      %dma_start3A_57 = arith.constant 0 : i32
      %dma_start3A_58 = arith.constant 0 : i32
      %dma_start3A_59 = tpu.memref_slice %arg2[%arg0, %dma_start3A_57, %dma_start3A_58] : memref<2x10000x128xf32, #tpu.memory_space<hbm>> -> memref<1x10000x128xf32, #tpu.memory_space<hbm>>
      %dma_start3A_60 = tpu.memref_squeeze %dma_start3A_59 : memref<1x10000x128xf32, #tpu.memory_space<hbm>> -> memref<10000x128xf32, #tpu.memory_space<hbm>>
      %dma_start3A_61 = arith.constant 0 : i32
      %dma_start3A_62 = arith.constant 0 : i32
      %dma_start3A_63 = tpu.memref_slice %dma_start3A_60[%dma_start3A_61, %dma_start3A_62] : memref<10000x128xf32, #tpu.memory_space<hbm>> -> memref<10000x128xf32, #tpu.memory_space<hbm>>
      tpu.enqueue_indirect_dma source(%dma_start3A_63 : memref<10000x128xf32, #tpu.memory_space<hbm>>) target(%arg9 : memref<80x128xf32, #tpu.memory_space<vmem>>) offsets(%dma_start3A_56 : memref<80xi32, #tpu.memory_space<vmem>>) semaphore(%arg12 : memref<!tpu.dma_semaphore, #tpu.memory_space<semaphore_mem>>)
      %dma_wait3A_64 = arith.constant 0 : i32
      %dma_wait3A_65 = tpu.memref_slice %arg6[%add3A_51, %dma_wait3A_64] : memref<125x80xi32, #tpu.memory_space<vmem>> -> memref<1x80xi32, #tpu.memory_space<vmem>>
      %dma_wait3A_66 = tpu.memref_squeeze %dma_wait3A_65 : memref<1x80xi32, #tpu.memory_space<vmem>> -> memref<80xi32, #tpu.memory_space<vmem>>
      %dma_wait3A_67 = arith.constant 0 : i32
      %dma_wait3A_68 = arith.constant 0 : i32
      %dma_wait3A_69 = tpu.memref_slice %arg2[%arg0, %dma_wait3A_67, %dma_wait3A_68] : memref<2x10000x128xf32, #tpu.memory_space<hbm>> -> memref<1x10000x128xf32, #tpu.memory_space<hbm>>
      %dma_wait3A_70 = tpu.memref_squeeze %dma_wait3A_69 : memref<1x10000x128xf32, #tpu.memory_space<hbm>> -> memref<10000x128xf32, #tpu.memory_space<hbm>>
      %dma_wait3A_71 = arith.constant 0 : i32
      %dma_wait3A_72 = arith.constant 0 : i32
      %dma_wait3A_73 = tpu.memref_slice %dma_wait3A_70[%dma_wait3A_71, %dma_wait3A_72] : memref<10000x128xf32, #tpu.memory_space<hbm>> -> memref<10000x128xf32, #tpu.memory_space<hbm>>
      tpu.wait_indirect_dma semaphore(%arg11 : memref<!tpu.dma_semaphore, #tpu.memory_space<semaphore_mem>>) src(%dma_wait3A_73 : memref<10000x128xf32, #tpu.memory_space<hbm>>) dst(%arg8 : memref<80x128xf32, #tpu.memory_space<vmem>>)
      "tpu.region"() ({
        %run_scoped3A_100 = tpu.sem_alloc : memref<!tpu.dma_semaphore, #tpu.memory_space<semaphore_mem>>
        %dma_start3A_101 = arith.constant 0 : i32
        %dma_start3A_102 = tpu.memref_slice %arg7[%add3A_51, %dma_start3A_101] : memref<125x80xi32, #tpu.memory_space<vmem>> -> memref<1x80xi32, #tpu.memory_space<vmem>>
        %dma_start3A_103 = tpu.memref_squeeze %dma_start3A_102 : memref<1x80xi32, #tpu.memory_space<vmem>> -> memref<80xi32, #tpu.memory_space<vmem>>
        %dma_start3A_104 = arith.constant 0 : i32
        %dma_start3A_105 = arith.constant 0 : i32
        %dma_start3A_106 = tpu.memref_slice %arg10[%dma_start3A_104, %dma_start3A_105] : memref<10240x128xf32, #tpu.memory_space<vmem_shared>> -> memref<10240x128xf32, #tpu.memory_space<vmem_shared>>
        tpu.enqueue_indirect_dma source(%arg8 : memref<80x128xf32, #tpu.memory_space<vmem>>) target(%dma_start3A_106 : memref<10240x128xf32, #tpu.memory_space<vmem_shared>>) offsets(%dma_start3A_103 : memref<80xi32, #tpu.memory_space<vmem>>) semaphore(%run_scoped3A_100 : memref<!tpu.dma_semaphore, #tpu.memory_space<semaphore_mem>>) {add = true}
        %dma_wait3A_107 = arith.constant 0 : i32
        %dma_wait3A_108 = tpu.memref_slice %arg7[%add3A_51, %dma_wait3A_107] : memref<125x80xi32, #tpu.memory_space<vmem>> -> memref<1x80xi32, #tpu.memory_space<vmem>>
        %dma_wait3A_109 = tpu.memref_squeeze %dma_wait3A_108 : memref<1x80xi32, #tpu.memory_space<vmem>> -> memref<80xi32, #tpu.memory_space<vmem>>
        %dma_wait3A_110 = arith.constant 0 : i32
        %dma_wait3A_111 = arith.constant 0 : i32
        %dma_wait3A_112 = tpu.memref_slice %arg10[%dma_wait3A_110, %dma_wait3A_111] : memref<10240x128xf32, #tpu.memory_space<vmem_shared>> -> memref<10240x128xf32, #tpu.memory_space<vmem_shared>>
        tpu.wait_indirect_dma semaphore(%run_scoped3A_100 : memref<!tpu.dma_semaphore, #tpu.memory_space<semaphore_mem>>) src(%arg8 : memref<80x128xf32, #tpu.memory_space<vmem>>) dst(%dma_wait3A_112 : memref<10240x128xf32, #tpu.memory_space<vmem_shared>>)
        tpu.yield
      }) : () -> ()
      %add3A_74 = arith.constant 2 : i32
      %add3A_75 = arith.addi %add3A_51, %add3A_74 : i32
      %dma_start3A_76 = arith.constant 0 : i32
      %dma_start3A_77 = tpu.memref_slice %arg6[%add3A_75, %dma_start3A_76] : memref<125x80xi32, #tpu.memory_space<vmem>> -> memref<1x80xi32, #tpu.memory_space<vmem>>
      %dma_start3A_78 = tpu.memref_squeeze %dma_start3A_77 : memref<1x80xi32, #tpu.memory_space<vmem>> -> memref<80xi32, #tpu.memory_space<vmem>>
      %dma_start3A_79 = arith.constant 0 : i32
      %dma_start3A_80 = arith.constant 0 : i32
      %dma_start3A_81 = tpu.memref_slice %arg2[%arg0, %dma_start3A_79, %dma_start3A_80] : memref<2x10000x128xf32, #tpu.memory_space<hbm>> -> memref<1x10000x128xf32, #tpu.memory_space<hbm>>
      %dma_start3A_82 = tpu.memref_squeeze %dma_start3A_81 : memref<1x10000x128xf32, #tpu.memory_space<hbm>> -> memref<10000x128xf32, #tpu.memory_space<hbm>>
      %dma_start3A_83 = arith.constant 0 : i32
      %dma_start3A_84 = arith.constant 0 : i32
      %dma_start3A_85 = tpu.memref_slice %dma_start3A_82[%dma_start3A_83, %dma_start3A_84] : memref<10000x128xf32, #tpu.memory_space<hbm>> -> memref<10000x128xf32, #tpu.memory_space<hbm>>
      tpu.enqueue_indirect_dma source(%dma_start3A_85 : memref<10000x128xf32, #tpu.memory_space<hbm>>) target(%arg8 : memref<80x128xf32, #tpu.memory_space<vmem>>) offsets(%dma_start3A_78 : memref<80xi32, #tpu.memory_space<vmem>>) semaphore(%arg11 : memref<!tpu.dma_semaphore, #tpu.memory_space<semaphore_mem>>)
      %add3A_86 = arith.constant 1 : i32
      %add3A_87 = arith.addi %add3A_51, %add3A_86 : i32
      %dma_wait3A_88 = arith.constant 0 : i32
      %dma_wait3A_89 = tpu.memref_slice %arg6[%add3A_87, %dma_wait3A_88] : memref<125x80xi32, #tpu.memory_space<vmem>> -> memref<1x80xi32, #tpu.memory_space<vmem>>
      %dma_wait3A_90 = tpu.memref_squeeze %dma_wait3A_89 : memref<1x80xi32, #tpu.memory_space<vmem>> -> memref<80xi32, #tpu.memory_space<vmem>>
      %dma_wait3A_91 = arith.constant 0 : i32
      %dma_wait3A_92 = arith.constant 0 : i32
      %dma_wait3A_93 = tpu.memref_slice %arg2[%arg0, %dma_wait3A_91, %dma_wait3A_92] : memref<2x10000x128xf32, #tpu.memory_space<hbm>> -> memref<1x10000x128xf32, #tpu.memory_space<hbm>>
      %dma_wait3A_94 = tpu.memref_squeeze %dma_wait3A_93 : memref<1x10000x128xf32, #tpu.memory_space<hbm>> -> memref<10000x128xf32, #tpu.memory_space<hbm>>
      %dma_wait3A_95 = arith.constant 0 : i32
      %dma_wait3A_96 = arith.constant 0 : i32
      %dma_wait3A_97 = tpu.memref_slice %dma_wait3A_94[%dma_wait3A_95, %dma_wait3A_96] : memref<10000x128xf32, #tpu.memory_space<hbm>> -> memref<10000x128xf32, #tpu.memory_space<hbm>>
      tpu.wait_indirect_dma semaphore(%arg12 : memref<!tpu.dma_semaphore, #tpu.memory_space<semaphore_mem>>) src(%dma_wait3A_97 : memref<10000x128xf32, #tpu.memory_space<hbm>>) dst(%arg9 : memref<80x128xf32, #tpu.memory_space<vmem>>)
      %add3A_98 = arith.constant 1 : i32
      %add3A_99 = arith.addi %add3A_51, %add3A_98 : i32
      "tpu.region"() ({
        %run_scoped3A_100 = tpu.sem_alloc : memref<!tpu.dma_semaphore, #tpu.memory_space<semaphore_mem>>
        %dma_start3A_101 = arith.constant 0 : i32
        %dma_start3A_102 = tpu.memref_slice %arg7[%add3A_99, %dma_start3A_101] : memref<125x80xi32, #tpu.memory_space<vmem>> -> memref<1x80xi32, #tpu.memory_space<vmem>>
        %dma_start3A_103 = tpu.memref_squeeze %dma_start3A_102 : memref<1x80xi32, #tpu.memory_space<vmem>> -> memref<80xi32, #tpu.memory_space<vmem>>
        %dma_start3A_104 = arith.constant 0 : i32
        %dma_start3A_105 = arith.constant 0 : i32
        %dma_start3A_106 = tpu.memref_slice %arg10[%dma_start3A_104, %dma_start3A_105] : memref<10240x128xf32, #tpu.memory_space<vmem_shared>> -> memref<10240x128xf32, #tpu.memory_space<vmem_shared>>
        tpu.enqueue_indirect_dma source(%arg9 : memref<80x128xf32, #tpu.memory_space<vmem>>) target(%dma_start3A_106 : memref<10240x128xf32, #tpu.memory_space<vmem_shared>>) offsets(%dma_start3A_103 : memref<80xi32, #tpu.memory_space<vmem>>) semaphore(%run_scoped3A_100 : memref<!tpu.dma_semaphore, #tpu.memory_space<semaphore_mem>>) {add = true}
        %dma_wait3A_107 = arith.constant 0 : i32
        %dma_wait3A_108 = tpu.memref_slice %arg7[%add3A_99, %dma_wait3A_107] : memref<125x80xi32, #tpu.memory_space<vmem>> -> memref<1x80xi32, #tpu.memory_space<vmem>>
        %dma_wait3A_109 = tpu.memref_squeeze %dma_wait3A_108 : memref<1x80xi32, #tpu.memory_space<vmem>> -> memref<80xi32, #tpu.memory_space<vmem>>
        %dma_wait3A_110 = arith.constant 0 : i32
        %dma_wait3A_111 = arith.constant 0 : i32
        %dma_wait3A_112 = tpu.memref_slice %arg10[%dma_wait3A_110, %dma_wait3A_111] : memref<10240x128xf32, #tpu.memory_space<vmem_shared>> -> memref<10240x128xf32, #tpu.memory_space<vmem_shared>>
        tpu.wait_indirect_dma semaphore(%run_scoped3A_100 : memref<!tpu.dma_semaphore, #tpu.memory_space<semaphore_mem>>) src(%arg9 : memref<80x128xf32, #tpu.memory_space<vmem>>) dst(%dma_wait3A_112 : memref<10240x128xf32, #tpu.memory_space<vmem_shared>>)
        tpu.yield
      }) : () -> ()
    }
    %scan3A_35 = arith.constant 62 : i32
    %dma_wait3A = arith.constant 124 : i32
    %dma_wait3A_36 = arith.constant 0 : i32
    %dma_wait3A_37 = tpu.memref_slice %arg6[%dma_wait3A, %dma_wait3A_36] : memref<125x80xi32, #tpu.memory_space<vmem>> -> memref<1x80xi32, #tpu.memory_space<vmem>>
    %dma_wait3A_38 = tpu.memref_squeeze %dma_wait3A_37 : memref<1x80xi32, #tpu.memory_space<vmem>> -> memref<80xi32, #tpu.memory_space<vmem>>
    %dma_wait3A_39 = arith.constant 0 : i32
    %dma_wait3A_40 = arith.constant 0 : i32
    %dma_wait3A_41 = tpu.memref_slice %arg2[%arg0, %dma_wait3A_39, %dma_wait3A_40] : memref<2x10000x128xf32, #tpu.memory_space<hbm>> -> memref<1x10000x128xf32, #tpu.memory_space<hbm>>
    %dma_wait3A_42 = tpu.memref_squeeze %dma_wait3A_41 : memref<1x10000x128xf32, #tpu.memory_space<hbm>> -> memref<10000x128xf32, #tpu.memory_space<hbm>>
    %dma_wait3A_43 = arith.constant 0 : i32
    %dma_wait3A_44 = arith.constant 0 : i32
    %dma_wait3A_45 = tpu.memref_slice %dma_wait3A_42[%dma_wait3A_43, %dma_wait3A_44] : memref<10000x128xf32, #tpu.memory_space<hbm>> -> memref<10000x128xf32, #tpu.memory_space<hbm>>
    tpu.wait_indirect_dma semaphore(%arg11 : memref<!tpu.dma_semaphore, #tpu.memory_space<semaphore_mem>>) src(%dma_wait3A_45 : memref<10000x128xf32, #tpu.memory_space<hbm>>) dst(%arg8 : memref<80x128xf32, #tpu.memory_space<vmem>>)
    %run_scoped3A = arith.constant 124 : i32
    "tpu.region"() ({
      %run_scoped3A_47 = tpu.sem_alloc : memref<!tpu.dma_semaphore, #tpu.memory_space<semaphore_mem>>
      %dma_start3A_48 = arith.constant 0 : i32
      %dma_start3A_49 = tpu.memref_slice %arg7[%run_scoped3A, %dma_start3A_48] : memref<125x80xi32, #tpu.memory_space<vmem>> -> memref<1x80xi32, #tpu.memory_space<vmem>>
      %dma_start3A_50 = tpu.memref_squeeze %dma_start3A_49 : memref<1x80xi32, #tpu.memory_space<vmem>> -> memref<80xi32, #tpu.memory_space<vmem>>
      %dma_start3A_51 = arith.constant 0 : i32
      %dma_start3A_52 = arith.constant 0 : i32
      %dma_start3A_53 = tpu.memref_slice %arg10[%dma_start3A_51, %dma_start3A_52] : memref<10240x128xf32, #tpu.memory_space<vmem_shared>> -> memref<10240x128xf32, #tpu.memory_space<vmem_shared>>
      tpu.enqueue_indirect_dma source(%arg8 : memref<80x128xf32, #tpu.memory_space<vmem>>) target(%dma_start3A_53 : memref<10240x128xf32, #tpu.memory_space<vmem_shared>>) offsets(%dma_start3A_50 : memref<80xi32, #tpu.memory_space<vmem>>) semaphore(%run_scoped3A_47 : memref<!tpu.dma_semaphore, #tpu.memory_space<semaphore_mem>>) {add = true}
      %dma_wait3A_54 = arith.constant 0 : i32
      %dma_wait3A_55 = tpu.memref_slice %arg7[%run_scoped3A, %dma_wait3A_54] : memref<125x80xi32, #tpu.memory_space<vmem>> -> memref<1x80xi32, #tpu.memory_space<vmem>>
      %dma_wait3A_56 = tpu.memref_squeeze %dma_wait3A_55 : memref<1x80xi32, #tpu.memory_space<vmem>> -> memref<80xi32, #tpu.memory_space<vmem>>
      %dma_wait3A_57 = arith.constant 0 : i32
      %dma_wait3A_58 = arith.constant 0 : i32
      %dma_wait3A_59 = tpu.memref_slice %arg10[%dma_wait3A_57, %dma_wait3A_58] : memref<10240x128xf32, #tpu.memory_space<vmem_shared>> -> memref<10240x128xf32, #tpu.memory_space<vmem_shared>>
      tpu.wait_indirect_dma semaphore(%run_scoped3A_47 : memref<!tpu.dma_semaphore, #tpu.memory_space<semaphore_mem>>) src(%arg8 : memref<80x128xf32, #tpu.memory_space<vmem>>) dst(%dma_wait3A_59 : memref<10240x128xf32, #tpu.memory_space<vmem_shared>>)
      tpu.yield
    }) : () -> ()
    %barrier3A_46 = arith.constant 0 : index
    tpu.barrier barrier_id(%barrier3A_46)
    "tpu.region"() ({
      %run_scoped3A_47 = tpu.sem_alloc : memref<!tpu.dma_semaphore, #tpu.memory_space<semaphore_mem>>
      %dma_start3A_48 = arith.constant 0 : i32
      %dma_start3A_49 = tpu.memref_slice %arg5[%arg0, %mul3A_0, %dma_start3A_48] : memref<2x10240x128xf32, #tpu.memory_space<hbm>> -> memref<1x640x128xf32, #tpu.memory_space<hbm>>
      %dma_start3A_50 = tpu.memref_squeeze %dma_start3A_49 : memref<1x640x128xf32, #tpu.memory_space<hbm>> -> memref<640x128xf32, #tpu.memory_space<hbm>>
      %dma_start3A_51 = arith.constant 0 : i32
      %dma_start3A_52 = tpu.memref_slice %arg10[%mul3A_0, %dma_start3A_51] : memref<10240x128xf32, #tpu.memory_space<vmem_shared>> -> memref<640x128xf32, #tpu.memory_space<vmem_shared>>
      tpu.enqueue_dma source(%dma_start3A_52 : memref<640x128xf32, #tpu.memory_space<vmem_shared>>) target(%dma_start3A_50 : memref<640x128xf32, #tpu.memory_space<hbm>>) target_semaphore(%run_scoped3A_47 : memref<!tpu.dma_semaphore, #tpu.memory_space<semaphore_mem>>)
      %dma_wait3A_53 = arith.constant 0 : i32
      %dma_wait3A_54 = tpu.memref_slice %arg5[%arg0, %mul3A_0, %dma_wait3A_53] : memref<2x10240x128xf32, #tpu.memory_space<hbm>> -> memref<1x640x128xf32, #tpu.memory_space<hbm>>
      %dma_wait3A_55 = tpu.memref_squeeze %dma_wait3A_54 : memref<1x640x128xf32, #tpu.memory_space<hbm>> -> memref<640x128xf32, #tpu.memory_space<hbm>>
      %dma_wait3A_56 = arith.constant 0 : i32
      %dma_wait3A_57 = tpu.memref_slice %arg10[%mul3A_0, %dma_wait3A_56] : memref<10240x128xf32, #tpu.memory_space<vmem_shared>> -> memref<640x128xf32, #tpu.memory_space<vmem_shared>>
      tpu.wait_dma2 semaphore(%run_scoped3A_47 : memref<!tpu.dma_semaphore, #tpu.memory_space<semaphore_mem>>) src(%dma_wait3A_57 : memref<640x128xf32, #tpu.memory_space<vmem_shared>>) dst(%dma_wait3A_55 : memref<640x128xf32, #tpu.memory_space<hbm>>)
      tpu.yield
    }) : () -> ()
    return
  }
}

#map = affine_map<(d0, d1) -> (0, 0, 0)>
module attributes {stable_mosaic.version = 14 : i64} {
  func.func @body(%arg0: i32, %arg1: i32, %arg2: memref<2x10000x128xf32, #tpu.memory_space<hbm>>, %arg3: memref<16x125x80xi32, #tpu.memory_space<hbm>>, %arg4: memref<16x125x80xi32, #tpu.memory_space<hbm>>, %arg5: memref<2x10240x128xf32, #tpu.memory_space<hbm>>, %arg6: memref<125x80xi32, #tpu.memory_space<vmem>>, %arg7: memref<125x80xi32, #tpu.memory_space<vmem>>, %arg8: memref<80x128xf32, #tpu.memory_space<vmem>>, %arg9: memref<80x128xf32, #tpu.memory_space<vmem>>, %arg10: memref<10240x128xf32, #tpu.memory_space<vmem_shared>>, %arg11: memref<!tpu.dma_semaphore, #tpu.memory_space<semaphore_mem>>, %arg12: memref<!tpu.dma_semaphore, #tpu.memory_space<semaphore_mem>>) attributes {dimension_semantics = [#tpu.dimension_semantics<core_parallel>, #tpu.dimension_semantics<subcore_parallel>], iteration_bounds = array<i64: 2, 16>, scalar_prefetch = 0 : i64, scratch_operands = 7 : i64, tpu.core_type = #tpu.core_type<sc_vector_subcore>, window_params = [{transform_indices = #map}, {transform_indices = #map}, {transform_indices = #map}, {transform_indices = #map}]} {
    %mul3A = arith.constant 640 : i32
    %mul3A_0 = arith.muli %arg1, %mul3A : i32
    "tpu.region"() ({
      %run_scoped3A_47 = tpu.sem_alloc : memref<!tpu.dma_semaphore, #tpu.memory_space<semaphore_mem>>
      %dma_start3A_48 = arith.constant 0 : i32
      %dma_start3A_49 = arith.constant 0 : i32
      %dma_start3A_50 = tpu.memref_slice %arg3[%arg1, %dma_start3A_48, %dma_start3A_49] : memref<16x125x80xi32, #tpu.memory_space<hbm>> -> memref<1x125x80xi32, #tpu.memory_space<hbm>>
      %dma_start3A_51 = tpu.memref_squeeze %dma_start3A_50 : memref<1x125x80xi32, #tpu.memory_space<hbm>> -> memref<125x80xi32, #tpu.memory_space<hbm>>
      %dma_start3A_52 = arith.constant 0 : i32
      %dma_start3A_53 = arith.constant 0 : i32
      %dma_start3A_54 = tpu.memref_slice %arg3[%arg1, %dma_start3A_52, %dma_start3A_53] : memref<16x125x80xi32, #tpu.memory_space<hbm>> -> memref<1x125x80xi32, #tpu.memory_space<hbm>>
      %dma_start3A_55 = tpu.memref_squeeze %dma_start3A_54 : memref<1x125x80xi32, #tpu.memory_space<hbm>> -> memref<125x80xi32, #tpu.memory_space<hbm>>
      tpu.enqueue_dma source(%dma_start3A_55 : memref<125x80xi32, #tpu.memory_space<hbm>>) target(%arg6 : memref<125x80xi32, #tpu.memory_space<vmem>>) target_semaphore(%run_scoped3A_47 : memref<!tpu.dma_semaphore, #tpu.memory_space<semaphore_mem>>)
      %dma_wait3A_56 = arith.constant 0 : i32
      %dma_wait3A_57 = arith.constant 0 : i32
      %dma_wait3A_58 = tpu.memref_slice %arg3[%arg1, %dma_wait3A_56, %dma_wait3A_57] : memref<16x125x80xi32, #tpu.memory_space<hbm>> -> memref<1x125x80xi32, #tpu.memory_space<hbm>>
      %dma_wait3A_59 = tpu.memref_squeeze %dma_wait3A_58 : memref<1x125x80xi32, #tpu.memory_space<hbm>> -> memref<125x80xi32, #tpu.memory_space<hbm>>
      %dma_wait3A_60 = arith.constant 0 : i32
      %dma_wait3A_61 = arith.constant 0 : i32
      %dma_wait3A_62 = tpu.memref_slice %arg3[%arg1, %dma_wait3A_60, %dma_wait3A_61] : memref<16x125x80xi32, #tpu.memory_space<hbm>> -> memref<1x125x80xi32, #tpu.memory_space<hbm>>
      %dma_wait3A_63 = tpu.memref_squeeze %dma_wait3A_62 : memref<1x125x80xi32, #tpu.memory_space<hbm>> -> memref<125x80xi32, #tpu.memory_space<hbm>>
      tpu.wait_dma2 semaphore(%run_scoped3A_47 : memref<!tpu.dma_semaphore, #tpu.memory_space<semaphore_mem>>) src(%dma_wait3A_63 : memref<125x80xi32, #tpu.memory_space<hbm>>) dst(%arg6 : memref<125x80xi32, #tpu.memory_space<vmem>>)
      tpu.yield
    }) : () -> ()
    "tpu.region"() ({
      %run_scoped3A_47 = tpu.sem_alloc : memref<!tpu.dma_semaphore, #tpu.memory_space<semaphore_mem>>
      %dma_start3A_48 = arith.constant 0 : i32
      %dma_start3A_49 = arith.constant 0 : i32
      %dma_start3A_50 = tpu.memref_slice %arg4[%arg1, %dma_start3A_48, %dma_start3A_49] : memref<16x125x80xi32, #tpu.memory_space<hbm>> -> memref<1x125x80xi32, #tpu.memory_space<hbm>>
      %dma_start3A_51 = tpu.memref_squeeze %dma_start3A_50 : memref<1x125x80xi32, #tpu.memory_space<hbm>> -> memref<125x80xi32, #tpu.memory_space<hbm>>
      %dma_start3A_52 = arith.constant 0 : i32
      %dma_start3A_53 = arith.constant 0 : i32
      %dma_start3A_54 = tpu.memref_slice %arg4[%arg1, %dma_start3A_52, %dma_start3A_53] : memref<16x125x80xi32, #tpu.memory_space<hbm>> -> memref<1x125x80xi32, #tpu.memory_space<hbm>>
      %dma_start3A_55 = tpu.memref_squeeze %dma_start3A_54 : memref<1x125x80xi32, #tpu.memory_space<hbm>> -> memref<125x80xi32, #tpu.memory_space<hbm>>
      tpu.enqueue_dma source(%dma_start3A_55 : memref<125x80xi32, #tpu.memory_space<hbm>>) target(%arg7 : memref<125x80xi32, #tpu.memory_space<vmem>>) target_semaphore(%run_scoped3A_47 : memref<!tpu.dma_semaphore, #tpu.memory_space<semaphore_mem>>)
      %dma_wait3A_56 = arith.constant 0 : i32
      %dma_wait3A_57 = arith.constant 0 : i32
      %dma_wait3A_58 = tpu.memref_slice %arg4[%arg1, %dma_wait3A_56, %dma_wait3A_57] : memref<16x125x80xi32, #tpu.memory_space<hbm>> -> memref<1x125x80xi32, #tpu.memory_space<hbm>>
      %dma_wait3A_59 = tpu.memref_squeeze %dma_wait3A_58 : memref<1x125x80xi32, #tpu.memory_space<hbm>> -> memref<125x80xi32, #tpu.memory_space<hbm>>
      %dma_wait3A_60 = arith.constant 0 : i32
      %dma_wait3A_61 = arith.constant 0 : i32
      %dma_wait3A_62 = tpu.memref_slice %arg4[%arg1, %dma_wait3A_60, %dma_wait3A_61] : memref<16x125x80xi32, #tpu.memory_space<hbm>> -> memref<1x125x80xi32, #tpu.memory_space<hbm>>
      %dma_wait3A_63 = tpu.memref_squeeze %dma_wait3A_62 : memref<1x125x80xi32, #tpu.memory_space<hbm>> -> memref<125x80xi32, #tpu.memory_space<hbm>>
      tpu.wait_dma2 semaphore(%run_scoped3A_47 : memref<!tpu.dma_semaphore, #tpu.memory_space<semaphore_mem>>) src(%dma_wait3A_63 : memref<125x80xi32, #tpu.memory_space<hbm>>) dst(%arg7 : memref<125x80xi32, #tpu.memory_space<vmem>>)
      tpu.yield
    }) : () -> ()
    %dma_start3A = arith.constant 0 : i32
    %dma_start3A_1 = arith.constant 0 : i32
    %dma_start3A_2 = tpu.memref_slice %arg6[%dma_start3A, %dma_start3A_1] : memref<125x80xi32, #tpu.memory_space<vmem>> -> memref<1x80xi32, #tpu.memory_space<vmem>>
    %dma_start3A_3 = tpu.memref_squeeze %dma_start3A_2 : memref<1x80xi32, #tpu.memory_space<vmem>> -> memref<80xi32, #tpu.memory_space<vmem>>
    %dma_start3A_4 = arith.constant 0 : i32
    %dma_start3A_5 = arith.constant 0 : i32
    %dma_start3A_6 = tpu.memref_slice %arg2[%arg0, %dma_start3A_4, %dma_start3A_5] : memref<2x10000x128xf32, #tpu.memory_space<hbm>> -> memref<1x10000x128xf32, #tpu.memory_space<hbm>>
    %dma_start3A_7 = tpu.memref_squeeze %dma_start3A_6 : memref<1x10000x128xf32, #tpu.memory_space<hbm>> -> memref<10000x128xf32, #tpu.memory_space<hbm>>
    %dma_start3A_8 = arith.constant 0 : i32
    %dma_start3A_9 = arith.constant 0 : i32
    %dma_start3A_10 = tpu.memref_slice %dma_start3A_7[%dma_start3A_8, %dma_start3A_9] : memref<10000x128xf32, #tpu.memory_space<hbm>> -> memref<10000x128xf32, #tpu.memory_space<hbm>>
    tpu.enqueue_indirect_dma source(%dma_start3A_10 : memref<10000x128xf32, #tpu.memory_space<hbm>>) target(%arg8 : memref<80x128xf32, #tpu.memory_space<vmem>>) offsets(%dma_start3A_3 : memref<80xi32, #tpu.memory_space<vmem>>) semaphore(%arg11 : memref<!tpu.dma_semaphore, #tpu.memory_space<semaphore_mem>>)
    %broadcast_in_dim3A = arith.constant 0.000000e+00 : f32
    %broadcast_in_dim3A_11 = vector.broadcast %broadcast_in_dim3A : f32 to vector<16xf32>
    %scan3A = arith.constant 0 : i32
    %scan3A_12 = arith.constant 80 : i32
    %scan3A_13 = arith.addi %scan3A, %scan3A_12 : i32
    %scan3A_14 = arith.constant 1 : i32
    scf.for %scan3A_47 = %scan3A to %scan3A_13 step %scan3A_14  : i32 {
      %mul3A_48 = arith.constant 1 : i32
      %mul3A_49 = arith.muli %scan3A_47, %mul3A_48 : i32
      %add3A_50 = arith.constant 0 : i32
      %add3A_51 = arith.addi %add3A_50, %mul3A_49 : i32
      %swap3A = arith.index_cast %add3A_51 : i32 to index
      %swap3A_52 = arith.constant 0 : index
      %swap3A_53 = tpu.vector_load %arg9[%swap3A, %swap3A_52] {strides = array<i32>} : memref<80x128xf32, #tpu.memory_space<vmem>>, vector<1x16xf32>,
      %swap3A_54 = vector.shape_cast %swap3A_53 : vector<1x16xf32> to vector<16xf32>
      %swap3A_55 = vector.shape_cast %broadcast_in_dim3A_11 : vector<16xf32> to vector<1x16xf32>
      tpu.vector_store %arg9[%swap3A, %swap3A_52], %swap3A_55 {strides = array<i32>} : memref<80x128xf32, #tpu.memory_space<vmem>>, vector<1x16xf32>,
      %swap3A_56 = arith.index_cast %add3A_51 : i32 to index
      %swap3A_57 = arith.constant 16 : index
      %swap3A_58 = tpu.vector_load %arg9[%swap3A_56, %swap3A_57] {strides = array<i32>} : memref<80x128xf32, #tpu.memory_space<vmem>>, vector<1x16xf32>,
      %swap3A_59 = vector.shape_cast %swap3A_58 : vector<1x16xf32> to vector<16xf32>
      %swap3A_60 = vector.shape_cast %broadcast_in_dim3A_11 : vector<16xf32> to vector<1x16xf32>
      tpu.vector_store %arg9[%swap3A_56, %swap3A_57], %swap3A_60 {strides = array<i32>} : memref<80x128xf32, #tpu.memory_space<vmem>>, vector<1x16xf32>,
      %swap3A_61 = arith.index_cast %add3A_51 : i32 to index
      %swap3A_62 = arith.constant 32 : index
      %swap3A_63 = tpu.vector_load %arg9[%swap3A_61, %swap3A_62] {strides = array<i32>} : memref<80x128xf32, #tpu.memory_space<vmem>>, vector<1x16xf32>,
      %swap3A_64 = vector.shape_cast %swap3A_63 : vector<1x16xf32> to vector<16xf32>
      %swap3A_65 = vector.shape_cast %broadcast_in_dim3A_11 : vector<16xf32> to vector<1x16xf32>
      tpu.vector_store %arg9[%swap3A_61, %swap3A_62], %swap3A_65 {strides = array<i32>} : memref<80x128xf32, #tpu.memory_space<vmem>>, vector<1x16xf32>,
      %swap3A_66 = arith.index_cast %add3A_51 : i32 to index
      %swap3A_67 = arith.constant 48 : index
      %swap3A_68 = tpu.vector_load %arg9[%swap3A_66, %swap3A_67] {strides = array<i32>} : memref<80x128xf32, #tpu.memory_space<vmem>>, vector<1x16xf32>,
      %swap3A_69 = vector.shape_cast %swap3A_68 : vector<1x16xf32> to vector<16xf32>
      %swap3A_70 = vector.shape_cast %broadcast_in_dim3A_11 : vector<16xf32> to vector<1x16xf32>
      tpu.vector_store %arg9[%swap3A_66, %swap3A_67], %swap3A_70 {strides = array<i32>} : memref<80x128xf32, #tpu.memory_space<vmem>>, vector<1x16xf32>,
      %swap3A_71 = arith.index_cast %add3A_51 : i32 to index
      %swap3A_72 = arith.constant 64 : index
      %swap3A_73 = tpu.vector_load %arg9[%swap3A_71, %swap3A_72] {strides = array<i32>} : memref<80x128xf32, #tpu.memory_space<vmem>>, vector<1x16xf32>,
      %swap3A_74 = vector.shape_cast %swap3A_73 : vector<1x16xf32> to vector<16xf32>
      %swap3A_75 = vector.shape_cast %broadcast_in_dim3A_11 : vector<16xf32> to vector<1x16xf32>
      tpu.vector_store %arg9[%swap3A_71, %swap3A_72], %swap3A_75 {strides = array<i32>} : memref<80x128xf32, #tpu.memory_space<vmem>>, vector<1x16xf32>,
      %swap3A_76 = arith.index_cast %add3A_51 : i32 to index
      %swap3A_77 = arith.constant 80 : index
      %swap3A_78 = tpu.vector_load %arg9[%swap3A_76, %swap3A_77] {strides = array<i32>} : memref<80x128xf32, #tpu.memory_space<vmem>>, vector<1x16xf32>,
      %swap3A_79 = vector.shape_cast %swap3A_78 : vector<1x16xf32> to vector<16xf32>
      %swap3A_80 = vector.shape_cast %broadcast_in_dim3A_11 : vector<16xf32> to vector<1x16xf32>
      tpu.vector_store %arg9[%swap3A_76, %swap3A_77], %swap3A_80 {strides = array<i32>} : memref<80x128xf32, #tpu.memory_space<vmem>>, vector<1x16xf32>,
      %swap3A_81 = arith.index_cast %add3A_51 : i32 to index
      %swap3A_82 = arith.constant 96 : index
      %swap3A_83 = tpu.vector_load %arg9[%swap3A_81, %swap3A_82] {strides = array<i32>} : memref<80x128xf32, #tpu.memory_space<vmem>>, vector<1x16xf32>,
      %swap3A_84 = vector.shape_cast %swap3A_83 : vector<1x16xf32> to vector<16xf32>
      %swap3A_85 = vector.shape_cast %broadcast_in_dim3A_11 : vector<16xf32> to vector<1x16xf32>
      tpu.vector_store %arg9[%swap3A_81, %swap3A_82], %swap3A_85 {strides = array<i32>} : memref<80x128xf32, #tpu.memory_space<vmem>>, vector<1x16xf32>,
      %swap3A_86 = arith.index_cast %add3A_51 : i32 to index
      %swap3A_87 = arith.constant 112 : index
      %swap3A_88 = tpu.vector_load %arg9[%swap3A_86, %swap3A_87] {strides = array<i32>} : memref<80x128xf32, #tpu.memory_space<vmem>>, vector<1x16xf32>,
      %swap3A_89 = vector.shape_cast %swap3A_88 : vector<1x16xf32> to vector<16xf32>
      %swap3A_90 = vector.shape_cast %broadcast_in_dim3A_11 : vector<16xf32> to vector<1x16xf32>
      tpu.vector_store %arg9[%swap3A_86, %swap3A_87], %swap3A_90 {strides = array<i32>} : memref<80x128xf32, #tpu.memory_space<vmem>>, vector<1x16xf32>,
    }
    %scan3A_15 = arith.constant 80 : i32
    %add3A = arith.constant 0 : i32
    %add3A_16 = arith.addi %mul3A_0, %add3A : i32
    "tpu.region"() ({
      %run_scoped3A_47 = tpu.sem_alloc : memref<!tpu.dma_semaphore, #tpu.memory_space<semaphore_mem>>
      %dma_start3A_48 = arith.constant 0 : i32
      %dma_start3A_49 = tpu.memref_slice %arg10[%add3A_16, %dma_start3A_48] : memref<10240x128xf32, #tpu.memory_space<vmem_shared>> -> memref<80x128xf32, #tpu.memory_space<vmem_shared>>
      %dma_start3A_50 = arith.constant 0 : i32
      %dma_start3A_51 = tpu.memref_slice %arg10[%add3A_16, %dma_start3A_50] : memref<10240x128xf32, #tpu.memory_space<vmem_shared>> -> memref<80x128xf32, #tpu.memory_space<vmem_shared>>
      tpu.enqueue_dma source(%arg9 : memref<80x128xf32, #tpu.memory_space<vmem>>) target(%dma_start3A_51 : memref<80x128xf32, #tpu.memory_space<vmem_shared>>) target_semaphore(%run_scoped3A_47 : memref<!tpu.dma_semaphore, #tpu.memory_space<semaphore_mem>>)
      %dma_wait3A_52 = arith.constant 0 : i32
      %dma_wait3A_53 = tpu.memref_slice %arg10[%add3A_16, %dma_wait3A_52] : memref<10240x128xf32, #tpu.memory_space<vmem_shared>> -> memref<80x128xf32, #tpu.memory_space<vmem_shared>>
      %dma_wait3A_54 = arith.constant 0 : i32
      %dma_wait3A_55 = tpu.memref_slice %arg10[%add3A_16, %dma_wait3A_54] : memref<10240x128xf32, #tpu.memory_space<vmem_shared>> -> memref<80x128xf32, #tpu.memory_space<vmem_shared>>
      tpu.wait_dma2 semaphore(%run_scoped3A_47 : memref<!tpu.dma_semaphore, #tpu.memory_space<semaphore_mem>>) src(%arg9 : memref<80x128xf32, #tpu.memory_space<vmem>>) dst(%dma_wait3A_55 : memref<80x128xf32, #tpu.memory_space<vmem_shared>>)
      tpu.yield
    }) : () -> ()
    %add3A_17 = arith.constant 80 : i32
    %add3A_18 = arith.addi %mul3A_0, %add3A_17 : i32
    "tpu.region"() ({
      %run_scoped3A_47 = tpu.sem_alloc : memref<!tpu.dma_semaphore, #tpu.memory_space<semaphore_mem>>
      %dma_start3A_48 = arith.constant 0 : i32
      %dma_start3A_49 = tpu.memref_slice %arg10[%add3A_18, %dma_start3A_48] : memref<10240x128xf32, #tpu.memory_space<vmem_shared>> -> memref<80x128xf32, #tpu.memory_space<vmem_shared>>
      %dma_start3A_50 = arith.constant 0 : i32
      %dma_start3A_51 = tpu.memref_slice %arg10[%add3A_18, %dma_start3A_50] : memref<10240x128xf32, #tpu.memory_space<vmem_shared>> -> memref<80x128xf32, #tpu.memory_space<vmem_shared>>
      tpu.enqueue_dma source(%arg9 : memref<80x128xf32, #tpu.memory_space<vmem>>) target(%dma_start3A_51 : memref<80x128xf32, #tpu.memory_space<vmem_shared>>) target_semaphore(%run_scoped3A_47 : memref<!tpu.dma_semaphore, #tpu.memory_space<semaphore_mem>>)
      %dma_wait3A_52 = arith.constant 0 : i32
      %dma_wait3A_53 = tpu.memref_slice %arg10[%add3A_18, %dma_wait3A_52] : memref<10240x128xf32, #tpu.memory_space<vmem_shared>> -> memref<80x128xf32, #tpu.memory_space<vmem_shared>>
      %dma_wait3A_54 = arith.constant 0 : i32
      %dma_wait3A_55 = tpu.memref_slice %arg10[%add3A_18, %dma_wait3A_54] : memref<10240x128xf32, #tpu.memory_space<vmem_shared>> -> memref<80x128xf32, #tpu.memory_space<vmem_shared>>
      tpu.wait_dma2 semaphore(%run_scoped3A_47 : memref<!tpu.dma_semaphore, #tpu.memory_space<semaphore_mem>>) src(%arg9 : memref<80x128xf32, #tpu.memory_space<vmem>>) dst(%dma_wait3A_55 : memref<80x128xf32, #tpu.memory_space<vmem_shared>>)
      tpu.yield
    }) : () -> ()
    %add3A_19 = arith.constant 160 : i32
    %add3A_20 = arith.addi %mul3A_0, %add3A_19 : i32
    "tpu.region"() ({
      %run_scoped3A_47 = tpu.sem_alloc : memref<!tpu.dma_semaphore, #tpu.memory_space<semaphore_mem>>
      %dma_start3A_48 = arith.constant 0 : i32
      %dma_start3A_49 = tpu.memref_slice %arg10[%add3A_20, %dma_start3A_48] : memref<10240x128xf32, #tpu.memory_space<vmem_shared>> -> memref<80x128xf32, #tpu.memory_space<vmem_shared>>
      %dma_start3A_50 = arith.constant 0 : i32
      %dma_start3A_51 = tpu.memref_slice %arg10[%add3A_20, %dma_start3A_50] : memref<10240x128xf32, #tpu.memory_space<vmem_shared>> -> memref<80x128xf32, #tpu.memory_space<vmem_shared>>
      tpu.enqueue_dma source(%arg9 : memref<80x128xf32, #tpu.memory_space<vmem>>) target(%dma_start3A_51 : memref<80x128xf32, #tpu.memory_space<vmem_shared>>) target_semaphore(%run_scoped3A_47 : memref<!tpu.dma_semaphore, #tpu.memory_space<semaphore_mem>>)
      %dma_wait3A_52 = arith.constant 0 : i32
      %dma_wait3A_53 = tpu.memref_slice %arg10[%add3A_20, %dma_wait3A_52] : memref<10240x128xf32, #tpu.memory_space<vmem_shared>> -> memref<80x128xf32, #tpu.memory_space<vmem_shared>>
      %dma_wait3A_54 = arith.constant 0 : i32
      %dma_wait3A_55 = tpu.memref_slice %arg10[%add3A_20, %dma_wait3A_54] : memref<10240x128xf32, #tpu.memory_space<vmem_shared>> -> memref<80x128xf32, #tpu.memory_space<vmem_shared>>
      tpu.wait_dma2 semaphore(%run_scoped3A_47 : memref<!tpu.dma_semaphore, #tpu.memory_space<semaphore_mem>>) src(%arg9 : memref<80x128xf32, #tpu.memory_space<vmem>>) dst(%dma_wait3A_55 : memref<80x128xf32, #tpu.memory_space<vmem_shared>>)
      tpu.yield
    }) : () -> ()
    %add3A_21 = arith.constant 240 : i32
    %add3A_22 = arith.addi %mul3A_0, %add3A_21 : i32
    "tpu.region"() ({
      %run_scoped3A_47 = tpu.sem_alloc : memref<!tpu.dma_semaphore, #tpu.memory_space<semaphore_mem>>
      %dma_start3A_48 = arith.constant 0 : i32
      %dma_start3A_49 = tpu.memref_slice %arg10[%add3A_22, %dma_start3A_48] : memref<10240x128xf32, #tpu.memory_space<vmem_shared>> -> memref<80x128xf32, #tpu.memory_space<vmem_shared>>
      %dma_start3A_50 = arith.constant 0 : i32
      %dma_start3A_51 = tpu.memref_slice %arg10[%add3A_22, %dma_start3A_50] : memref<10240x128xf32, #tpu.memory_space<vmem_shared>> -> memref<80x128xf32, #tpu.memory_space<vmem_shared>>
      tpu.enqueue_dma source(%arg9 : memref<80x128xf32, #tpu.memory_space<vmem>>) target(%dma_start3A_51 : memref<80x128xf32, #tpu.memory_space<vmem_shared>>) target_semaphore(%run_scoped3A_47 : memref<!tpu.dma_semaphore, #tpu.memory_space<semaphore_mem>>)
      %dma_wait3A_52 = arith.constant 0 : i32
      %dma_wait3A_53 = tpu.memref_slice %arg10[%add3A_22, %dma_wait3A_52] : memref<10240x128xf32, #tpu.memory_space<vmem_shared>> -> memref<80x128xf32, #tpu.memory_space<vmem_shared>>
      %dma_wait3A_54 = arith.constant 0 : i32
      %dma_wait3A_55 = tpu.memref_slice %arg10[%add3A_22, %dma_wait3A_54] : memref<10240x128xf32, #tpu.memory_space<vmem_shared>> -> memref<80x128xf32, #tpu.memory_space<vmem_shared>>
      tpu.wait_dma2 semaphore(%run_scoped3A_47 : memref<!tpu.dma_semaphore, #tpu.memory_space<semaphore_mem>>) src(%arg9 : memref<80x128xf32, #tpu.memory_space<vmem>>) dst(%dma_wait3A_55 : memref<80x128xf32, #tpu.memory_space<vmem_shared>>)
      tpu.yield
    }) : () -> ()
    %add3A_23 = arith.constant 320 : i32
    %add3A_24 = arith.addi %mul3A_0, %add3A_23 : i32
    "tpu.region"() ({
      %run_scoped3A_47 = tpu.sem_alloc : memref<!tpu.dma_semaphore, #tpu.memory_space<semaphore_mem>>
      %dma_start3A_48 = arith.constant 0 : i32
      %dma_start3A_49 = tpu.memref_slice %arg10[%add3A_24, %dma_start3A_48] : memref<10240x128xf32, #tpu.memory_space<vmem_shared>> -> memref<80x128xf32, #tpu.memory_space<vmem_shared>>
      %dma_start3A_50 = arith.constant 0 : i32
      %dma_start3A_51 = tpu.memref_slice %arg10[%add3A_24, %dma_start3A_50] : memref<10240x128xf32, #tpu.memory_space<vmem_shared>> -> memref<80x128xf32, #tpu.memory_space<vmem_shared>>
      tpu.enqueue_dma source(%arg9 : memref<80x128xf32, #tpu.memory_space<vmem>>) target(%dma_start3A_51 : memref<80x128xf32, #tpu.memory_space<vmem_shared>>) target_semaphore(%run_scoped3A_47 : memref<!tpu.dma_semaphore, #tpu.memory_space<semaphore_mem>>)
      %dma_wait3A_52 = arith.constant 0 : i32
      %dma_wait3A_53 = tpu.memref_slice %arg10[%add3A_24, %dma_wait3A_52] : memref<10240x128xf32, #tpu.memory_space<vmem_shared>> -> memref<80x128xf32, #tpu.memory_space<vmem_shared>>
      %dma_wait3A_54 = arith.constant 0 : i32
      %dma_wait3A_55 = tpu.memref_slice %arg10[%add3A_24, %dma_wait3A_54] : memref<10240x128xf32, #tpu.memory_space<vmem_shared>> -> memref<80x128xf32, #tpu.memory_space<vmem_shared>>
      tpu.wait_dma2 semaphore(%run_scoped3A_47 : memref<!tpu.dma_semaphore, #tpu.memory_space<semaphore_mem>>) src(%arg9 : memref<80x128xf32, #tpu.memory_space<vmem>>) dst(%dma_wait3A_55 : memref<80x128xf32, #tpu.memory_space<vmem_shared>>)
      tpu.yield
    }) : () -> ()
    %add3A_25 = arith.constant 400 : i32
    %add3A_26 = arith.addi %mul3A_0, %add3A_25 : i32
    "tpu.region"() ({
      %run_scoped3A_47 = tpu.sem_alloc : memref<!tpu.dma_semaphore, #tpu.memory_space<semaphore_mem>>
      %dma_start3A_48 = arith.constant 0 : i32
      %dma_start3A_49 = tpu.memref_slice %arg10[%add3A_26, %dma_start3A_48] : memref<10240x128xf32, #tpu.memory_space<vmem_shared>> -> memref<80x128xf32, #tpu.memory_space<vmem_shared>>
      %dma_start3A_50 = arith.constant 0 : i32
      %dma_start3A_51 = tpu.memref_slice %arg10[%add3A_26, %dma_start3A_50] : memref<10240x128xf32, #tpu.memory_space<vmem_shared>> -> memref<80x128xf32, #tpu.memory_space<vmem_shared>>
      tpu.enqueue_dma source(%arg9 : memref<80x128xf32, #tpu.memory_space<vmem>>) target(%dma_start3A_51 : memref<80x128xf32, #tpu.memory_space<vmem_shared>>) target_semaphore(%run_scoped3A_47 : memref<!tpu.dma_semaphore, #tpu.memory_space<semaphore_mem>>)
      %dma_wait3A_52 = arith.constant 0 : i32
      %dma_wait3A_53 = tpu.memref_slice %arg10[%add3A_26, %dma_wait3A_52] : memref<10240x128xf32, #tpu.memory_space<vmem_shared>> -> memref<80x128xf32, #tpu.memory_space<vmem_shared>>
      %dma_wait3A_54 = arith.constant 0 : i32
      %dma_wait3A_55 = tpu.memref_slice %arg10[%add3A_26, %dma_wait3A_54] : memref<10240x128xf32, #tpu.memory_space<vmem_shared>> -> memref<80x128xf32, #tpu.memory_space<vmem_shared>>
      tpu.wait_dma2 semaphore(%run_scoped3A_47 : memref<!tpu.dma_semaphore, #tpu.memory_space<semaphore_mem>>) src(%arg9 : memref<80x128xf32, #tpu.memory_space<vmem>>) dst(%dma_wait3A_55 : memref<80x128xf32, #tpu.memory_space<vmem_shared>>)
      tpu.yield
    }) : () -> ()
    %add3A_27 = arith.constant 480 : i32
    %add3A_28 = arith.addi %mul3A_0, %add3A_27 : i32
    "tpu.region"() ({
      %run_scoped3A_47 = tpu.sem_alloc : memref<!tpu.dma_semaphore, #tpu.memory_space<semaphore_mem>>
      %dma_start3A_48 = arith.constant 0 : i32
      %dma_start3A_49 = tpu.memref_slice %arg10[%add3A_28, %dma_start3A_48] : memref<10240x128xf32, #tpu.memory_space<vmem_shared>> -> memref<80x128xf32, #tpu.memory_space<vmem_shared>>
      %dma_start3A_50 = arith.constant 0 : i32
      %dma_start3A_51 = tpu.memref_slice %arg10[%add3A_28, %dma_start3A_50] : memref<10240x128xf32, #tpu.memory_space<vmem_shared>> -> memref<80x128xf32, #tpu.memory_space<vmem_shared>>
      tpu.enqueue_dma source(%arg9 : memref<80x128xf32, #tpu.memory_space<vmem>>) target(%dma_start3A_51 : memref<80x128xf32, #tpu.memory_space<vmem_shared>>) target_semaphore(%run_scoped3A_47 : memref<!tpu.dma_semaphore, #tpu.memory_space<semaphore_mem>>)
      %dma_wait3A_52 = arith.constant 0 : i32
      %dma_wait3A_53 = tpu.memref_slice %arg10[%add3A_28, %dma_wait3A_52] : memref<10240x128xf32, #tpu.memory_space<vmem_shared>> -> memref<80x128xf32, #tpu.memory_space<vmem_shared>>
      %dma_wait3A_54 = arith.constant 0 : i32
      %dma_wait3A_55 = tpu.memref_slice %arg10[%add3A_28, %dma_wait3A_54] : memref<10240x128xf32, #tpu.memory_space<vmem_shared>> -> memref<80x128xf32, #tpu.memory_space<vmem_shared>>
      tpu.wait_dma2 semaphore(%run_scoped3A_47 : memref<!tpu.dma_semaphore, #tpu.memory_space<semaphore_mem>>) src(%arg9 : memref<80x128xf32, #tpu.memory_space<vmem>>) dst(%dma_wait3A_55 : memref<80x128xf32, #tpu.memory_space<vmem_shared>>)
      tpu.yield
    }) : () -> ()
    %add3A_29 = arith.constant 560 : i32
    %add3A_30 = arith.addi %mul3A_0, %add3A_29 : i32
    "tpu.region"() ({
      %run_scoped3A_47 = tpu.sem_alloc : memref<!tpu.dma_semaphore, #tpu.memory_space<semaphore_mem>>
      %dma_start3A_48 = arith.constant 0 : i32
      %dma_start3A_49 = tpu.memref_slice %arg10[%add3A_30, %dma_start3A_48] : memref<10240x128xf32, #tpu.memory_space<vmem_shared>> -> memref<80x128xf32, #tpu.memory_space<vmem_shared>>
      %dma_start3A_50 = arith.constant 0 : i32
      %dma_start3A_51 = tpu.memref_slice %arg10[%add3A_30, %dma_start3A_50] : memref<10240x128xf32, #tpu.memory_space<vmem_shared>> -> memref<80x128xf32, #tpu.memory_space<vmem_shared>>
      tpu.enqueue_dma source(%arg9 : memref<80x128xf32, #tpu.memory_space<vmem>>) target(%dma_start3A_51 : memref<80x128xf32, #tpu.memory_space<vmem_shared>>) target_semaphore(%run_scoped3A_47 : memref<!tpu.dma_semaphore, #tpu.memory_space<semaphore_mem>>)
      %dma_wait3A_52 = arith.constant 0 : i32
      %dma_wait3A_53 = tpu.memref_slice %arg10[%add3A_30, %dma_wait3A_52] : memref<10240x128xf32, #tpu.memory_space<vmem_shared>> -> memref<80x128xf32, #tpu.memory_space<vmem_shared>>
      %dma_wait3A_54 = arith.constant 0 : i32
      %dma_wait3A_55 = tpu.memref_slice %arg10[%add3A_30, %dma_wait3A_54] : memref<10240x128xf32, #tpu.memory_space<vmem_shared>> -> memref<80x128xf32, #tpu.memory_space<vmem_shared>>
      tpu.wait_dma2 semaphore(%run_scoped3A_47 : memref<!tpu.dma_semaphore, #tpu.memory_space<semaphore_mem>>) src(%arg9 : memref<80x128xf32, #tpu.memory_space<vmem>>) dst(%dma_wait3A_55 : memref<80x128xf32, #tpu.memory_space<vmem_shared>>)
      tpu.yield
    }) : () -> ()
    %barrier3A = arith.constant 0 : index
    tpu.barrier barrier_id(%barrier3A)
    %scan3A_31 = arith.constant 0 : i32
    %scan3A_32 = arith.constant 62 : i32
    %scan3A_33 = arith.addi %scan3A_31, %scan3A_32 : i32
    %scan3A_34 = arith.constant 1 : i32
    scf.for %scan3A_47 = %scan3A_31 to %scan3A_33 step %scan3A_34  : i32 {
      %mul3A_48 = arith.constant 2 : i32
      %mul3A_49 = arith.muli %scan3A_47, %mul3A_48 : i32
      %add3A_50 = arith.constant 0 : i32
      %add3A_51 = arith.addi %add3A_50, %mul3A_49 : i32
      %add3A_52 = arith.constant 1 : i32
      %add3A_53 = arith.addi %add3A_51, %add3A_52 : i32
      %dma_start3A_54 = arith.constant 0 : i32
      %dma_start3A_55 = tpu.memref_slice %arg6[%add3A_53, %dma_start3A_54] : memref<125x80xi32, #tpu.memory_space<vmem>> -> memref<1x80xi32, #tpu.memory_space<vmem>>
      %dma_start3A_56 = tpu.memref_squeeze %dma_start3A_55 : memref<1x80xi32, #tpu.memory_space<vmem>> -> memref<80xi32, #tpu.memory_space<vmem>>
      %dma_start3A_57 = arith.constant 0 : i32
      %dma_start3A_58 = arith.constant 0 : i32
      %dma_start3A_59 = tpu.memref_slice %arg2[%arg0, %dma_start3A_57, %dma_start3A_58] : memref<2x10000x128xf32, #tpu.memory_space<hbm>> -> memref<1x10000x128xf32, #tpu.memory_space<hbm>>
      %dma_start3A_60 = tpu.memref_squeeze %dma_start3A_59 : memref<1x10000x128xf32, #tpu.memory_space<hbm>> -> memref<10000x128xf32, #tpu.memory_space<hbm>>
      %dma_start3A_61 = arith.constant 0 : i32
      %dma_start3A_62 = arith.constant 0 : i32
      %dma_start3A_63 = tpu.memref_slice %dma_start3A_60[%dma_start3A_61, %dma_start3A_62] : memref<10000x128xf32, #tpu.memory_space<hbm>> -> memref<10000x128xf32, #tpu.memory_space<hbm>>
      tpu.enqueue_indirect_dma source(%dma_start3A_63 : memref<10000x128xf32, #tpu.memory_space<hbm>>) target(%arg9 : memref<80x128xf32, #tpu.memory_space<vmem>>) offsets(%dma_start3A_56 : memref<80xi32, #tpu.memory_space<vmem>>) semaphore(%arg12 : memref<!tpu.dma_semaphore, #tpu.memory_space<semaphore_mem>>)
      %dma_wait3A_64 = arith.constant 0 : i32
      %dma_wait3A_65 = tpu.memref_slice %arg6[%add3A_51, %dma_wait3A_64] : memref<125x80xi32, #tpu.memory_space<vmem>> -> memref<1x80xi32, #tpu.memory_space<vmem>>
      %dma_wait3A_66 = tpu.memref_squeeze %dma_wait3A_65 : memref<1x80xi32, #tpu.memory_space<vmem>> -> memref<80xi32, #tpu.memory_space<vmem>>
      %dma_wait3A_67 = arith.constant 0 : i32
      %dma_wait3A_68 = arith.constant 0 : i32
      %dma_wait3A_69 = tpu.memref_slice %arg2[%arg0, %dma_wait3A_67, %dma_wait3A_68] : memref<2x10000x128xf32, #tpu.memory_space<hbm>> -> memref<1x10000x128xf32, #tpu.memory_space<hbm>>
      %dma_wait3A_70 = tpu.memref_squeeze %dma_wait3A_69 : memref<1x10000x128xf32, #tpu.memory_space<hbm>> -> memref<10000x128xf32, #tpu.memory_space<hbm>>
      %dma_wait3A_71 = arith.constant 0 : i32
      %dma_wait3A_72 = arith.constant 0 : i32
      %dma_wait3A_73 = tpu.memref_slice %dma_wait3A_70[%dma_wait3A_71, %dma_wait3A_72] : memref<10000x128xf32, #tpu.memory_space<hbm>> -> memref<10000x128xf32, #tpu.memory_space<hbm>>
      tpu.wait_indirect_dma semaphore(%arg11 : memref<!tpu.dma_semaphore, #tpu.memory_space<semaphore_mem>>) src(%dma_wait3A_73 : memref<10000x128xf32, #tpu.memory_space<hbm>>) dst(%arg8 : memref<80x128xf32, #tpu.memory_space<vmem>>)
      "tpu.region"() ({
        %run_scoped3A_100 = tpu.sem_alloc : memref<!tpu.dma_semaphore, #tpu.memory_space<semaphore_mem>>
        %dma_start3A_101 = arith.constant 0 : i32
        %dma_start3A_102 = tpu.memref_slice %arg7[%add3A_51, %dma_start3A_101] : memref<125x80xi32, #tpu.memory_space<vmem>> -> memref<1x80xi32, #tpu.memory_space<vmem>>
        %dma_start3A_103 = tpu.memref_squeeze %dma_start3A_102 : memref<1x80xi32, #tpu.memory_space<vmem>> -> memref<80xi32, #tpu.memory_space<vmem>>
        %dma_start3A_104 = arith.constant 0 : i32
        %dma_start3A_105 = arith.constant 0 : i32
        %dma_start3A_106 = tpu.memref_slice %arg10[%dma_start3A_104, %dma_start3A_105] : memref<10240x128xf32, #tpu.memory_space<vmem_shared>> -> memref<10240x128xf32, #tpu.memory_space<vmem_shared>>
        tpu.enqueue_indirect_dma source(%arg8 : memref<80x128xf32, #tpu.memory_space<vmem>>) target(%dma_start3A_106 : memref<10240x128xf32, #tpu.memory_space<vmem_shared>>) offsets(%dma_start3A_103 : memref<80xi32, #tpu.memory_space<vmem>>) semaphore(%run_scoped3A_100 : memref<!tpu.dma_semaphore, #tpu.memory_space<semaphore_mem>>) {add = true}
        %dma_wait3A_107 = arith.constant 0 : i32
        %dma_wait3A_108 = tpu.memref_slice %arg7[%add3A_51, %dma_wait3A_107] : memref<125x80xi32, #tpu.memory_space<vmem>> -> memref<1x80xi32, #tpu.memory_space<vmem>>
        %dma_wait3A_109 = tpu.memref_squeeze %dma_wait3A_108 : memref<1x80xi32, #tpu.memory_space<vmem>> -> memref<80xi32, #tpu.memory_space<vmem>>
        %dma_wait3A_110 = arith.constant 0 : i32
        %dma_wait3A_111 = arith.constant 0 : i32
        %dma_wait3A_112 = tpu.memref_slice %arg10[%dma_wait3A_110, %dma_wait3A_111] : memref<10240x128xf32, #tpu.memory_space<vmem_shared>> -> memref<10240x128xf32, #tpu.memory_space<vmem_shared>>
        tpu.wait_indirect_dma semaphore(%run_scoped3A_100 : memref<!tpu.dma_semaphore, #tpu.memory_space<semaphore_mem>>) src(%arg8 : memref<80x128xf32, #tpu.memory_space<vmem>>) dst(%dma_wait3A_112 : memref<10240x128xf32, #tpu.memory_space<vmem_shared>>)
        tpu.yield
      }) : () -> ()
      %add3A_74 = arith.constant 2 : i32
      %add3A_75 = arith.addi %add3A_51, %add3A_74 : i32
      %dma_start3A_76 = arith.constant 0 : i32
      %dma_start3A_77 = tpu.memref_slice %arg6[%add3A_75, %dma_start3A_76] : memref<125x80xi32, #tpu.memory_space<vmem>> -> memref<1x80xi32, #tpu.memory_space<vmem>>
      %dma_start3A_78 = tpu.memref_squeeze %dma_start3A_77 : memref<1x80xi32, #tpu.memory_space<vmem>> -> memref<80xi32, #tpu.memory_space<vmem>>
      %dma_start3A_79 = arith.constant 0 : i32
      %dma_start3A_80 = arith.constant 0 : i32
      %dma_start3A_81 = tpu.memref_slice %arg2[%arg0, %dma_start3A_79, %dma_start3A_80] : memref<2x10000x128xf32, #tpu.memory_space<hbm>> -> memref<1x10000x128xf32, #tpu.memory_space<hbm>>
      %dma_start3A_82 = tpu.memref_squeeze %dma_start3A_81 : memref<1x10000x128xf32, #tpu.memory_space<hbm>> -> memref<10000x128xf32, #tpu.memory_space<hbm>>
      %dma_start3A_83 = arith.constant 0 : i32
      %dma_start3A_84 = arith.constant 0 : i32
      %dma_start3A_85 = tpu.memref_slice %dma_start3A_82[%dma_start3A_83, %dma_start3A_84] : memref<10000x128xf32, #tpu.memory_space<hbm>> -> memref<10000x128xf32, #tpu.memory_space<hbm>>
      tpu.enqueue_indirect_dma source(%dma_start3A_85 : memref<10000x128xf32, #tpu.memory_space<hbm>>) target(%arg8 : memref<80x128xf32, #tpu.memory_space<vmem>>) offsets(%dma_start3A_78 : memref<80xi32, #tpu.memory_space<vmem>>) semaphore(%arg11 : memref<!tpu.dma_semaphore, #tpu.memory_space<semaphore_mem>>)
      %add3A_86 = arith.constant 1 : i32
      %add3A_87 = arith.addi %add3A_51, %add3A_86 : i32
      %dma_wait3A_88 = arith.constant 0 : i32
      %dma_wait3A_89 = tpu.memref_slice %arg6[%add3A_87, %dma_wait3A_88] : memref<125x80xi32, #tpu.memory_space<vmem>> -> memref<1x80xi32, #tpu.memory_space<vmem>>
      %dma_wait3A_90 = tpu.memref_squeeze %dma_wait3A_89 : memref<1x80xi32, #tpu.memory_space<vmem>> -> memref<80xi32, #tpu.memory_space<vmem>>
      %dma_wait3A_91 = arith.constant 0 : i32
      %dma_wait3A_92 = arith.constant 0 : i32
      %dma_wait3A_93 = tpu.memref_slice %arg2[%arg0, %dma_wait3A_91, %dma_wait3A_92] : memref<2x10000x128xf32, #tpu.memory_space<hbm>> -> memref<1x10000x128xf32, #tpu.memory_space<hbm>>
      %dma_wait3A_94 = tpu.memref_squeeze %dma_wait3A_93 : memref<1x10000x128xf32, #tpu.memory_space<hbm>> -> memref<10000x128xf32, #tpu.memory_space<hbm>>
      %dma_wait3A_95 = arith.constant 0 : i32
      %dma_wait3A_96 = arith.constant 0 : i32
      %dma_wait3A_97 = tpu.memref_slice %dma_wait3A_94[%dma_wait3A_95, %dma_wait3A_96] : memref<10000x128xf32, #tpu.memory_space<hbm>> -> memref<10000x128xf32, #tpu.memory_space<hbm>>
      tpu.wait_indirect_dma semaphore(%arg12 : memref<!tpu.dma_semaphore, #tpu.memory_space<semaphore_mem>>) src(%dma_wait3A_97 : memref<10000x128xf32, #tpu.memory_space<hbm>>) dst(%arg9 : memref<80x128xf32, #tpu.memory_space<vmem>>)
      %add3A_98 = arith.constant 1 : i32
      %add3A_99 = arith.addi %add3A_51, %add3A_98 : i32
      "tpu.region"() ({
        %run_scoped3A_100 = tpu.sem_alloc : memref<!tpu.dma_semaphore, #tpu.memory_space<semaphore_mem>>
        %dma_start3A_101 = arith.constant 0 : i32
        %dma_start3A_102 = tpu.memref_slice %arg7[%add3A_99, %dma_start3A_101] : memref<125x80xi32, #tpu.memory_space<vmem>> -> memref<1x80xi32, #tpu.memory_space<vmem>>
        %dma_start3A_103 = tpu.memref_squeeze %dma_start3A_102 : memref<1x80xi32, #tpu.memory_space<vmem>> -> memref<80xi32, #tpu.memory_space<vmem>>
        %dma_start3A_104 = arith.constant 0 : i32
        %dma_start3A_105 = arith.constant 0 : i32
        %dma_start3A_106 = tpu.memref_slice %arg10[%dma_start3A_104, %dma_start3A_105] : memref<10240x128xf32, #tpu.memory_space<vmem_shared>> -> memref<10240x128xf32, #tpu.memory_space<vmem_shared>>
        tpu.enqueue_indirect_dma source(%arg9 : memref<80x128xf32, #tpu.memory_space<vmem>>) target(%dma_start3A_106 : memref<10240x128xf32, #tpu.memory_space<vmem_shared>>) offsets(%dma_start3A_103 : memref<80xi32, #tpu.memory_space<vmem>>) semaphore(%run_scoped3A_100 : memref<!tpu.dma_semaphore, #tpu.memory_space<semaphore_mem>>) {add = true}
        %dma_wait3A_107 = arith.constant 0 : i32
        %dma_wait3A_108 = tpu.memref_slice %arg7[%add3A_99, %dma_wait3A_107] : memref<125x80xi32, #tpu.memory_space<vmem>> -> memref<1x80xi32, #tpu.memory_space<vmem>>
        %dma_wait3A_109 = tpu.memref_squeeze %dma_wait3A_108 : memref<1x80xi32, #tpu.memory_space<vmem>> -> memref<80xi32, #tpu.memory_space<vmem>>
        %dma_wait3A_110 = arith.constant 0 : i32
        %dma_wait3A_111 = arith.constant 0 : i32
        %dma_wait3A_112 = tpu.memref_slice %arg10[%dma_wait3A_110, %dma_wait3A_111] : memref<10240x128xf32, #tpu.memory_space<vmem_shared>> -> memref<10240x128xf32, #tpu.memory_space<vmem_shared>>
        tpu.wait_indirect_dma semaphore(%run_scoped3A_100 : memref<!tpu.dma_semaphore, #tpu.memory_space<semaphore_mem>>) src(%arg9 : memref<80x128xf32, #tpu.memory_space<vmem>>) dst(%dma_wait3A_112 : memref<10240x128xf32, #tpu.memory_space<vmem_shared>>)
        tpu.yield
      }) : () -> ()
    }
    %scan3A_35 = arith.constant 62 : i32
    %dma_wait3A = arith.constant 124 : i32
    %dma_wait3A_36 = arith.constant 0 : i32
    %dma_wait3A_37 = tpu.memref_slice %arg6[%dma_wait3A, %dma_wait3A_36] : memref<125x80xi32, #tpu.memory_space<vmem>> -> memref<1x80xi32, #tpu.memory_space<vmem>>
    %dma_wait3A_38 = tpu.memref_squeeze %dma_wait3A_37 : memref<1x80xi32, #tpu.memory_space<vmem>> -> memref<80xi32, #tpu.memory_space<vmem>>
    %dma_wait3A_39 = arith.constant 0 : i32
    %dma_wait3A_40 = arith.constant 0 : i32
    %dma_wait3A_41 = tpu.memref_slice %arg2[%arg0, %dma_wait3A_39, %dma_wait3A_40] : memref<2x10000x128xf32, #tpu.memory_space<hbm>> -> memref<1x10000x128xf32, #tpu.memory_space<hbm>>
    %dma_wait3A_42 = tpu.memref_squeeze %dma_wait3A_41 : memref<1x10000x128xf32, #tpu.memory_space<hbm>> -> memref<10000x128xf32, #tpu.memory_space<hbm>>
    %dma_wait3A_43 = arith.constant 0 : i32
    %dma_wait3A_44 = arith.constant 0 : i32
    %dma_wait3A_45 = tpu.memref_slice %dma_wait3A_42[%dma_wait3A_43, %dma_wait3A_44] : memref<10000x128xf32, #tpu.memory_space<hbm>> -> memref<10000x128xf32, #tpu.memory_space<hbm>>
    tpu.wait_indirect_dma semaphore(%arg11 : memref<!tpu.dma_semaphore, #tpu.memory_space<semaphore_mem>>) src(%dma_wait3A_45 : memref<10000x128xf32, #tpu.memory_space<hbm>>) dst(%arg8 : memref<80x128xf32, #tpu.memory_space<vmem>>)
    %run_scoped3A = arith.constant 124 : i32
    "tpu.region"() ({
      %run_scoped3A_47 = tpu.sem_alloc : memref<!tpu.dma_semaphore, #tpu.memory_space<semaphore_mem>>
      %dma_start3A_48 = arith.constant 0 : i32
      %dma_start3A_49 = tpu.memref_slice %arg7[%run_scoped3A, %dma_start3A_48] : memref<125x80xi32, #tpu.memory_space<vmem>> -> memref<1x80xi32, #tpu.memory_space<vmem>>
      %dma_start3A_50 = tpu.memref_squeeze %dma_start3A_49 : memref<1x80xi32, #tpu.memory_space<vmem>> -> memref<80xi32, #tpu.memory_space<vmem>>
      %dma_start3A_51 = arith.constant 0 : i32
      %dma_start3A_52 = arith.constant 0 : i32
      %dma_start3A_53 = tpu.memref_slice %arg10[%dma_start3A_51, %dma_start3A_52] : memref<10240x128xf32, #tpu.memory_space<vmem_shared>> -> memref<10240x128xf32, #tpu.memory_space<vmem_shared>>
      tpu.enqueue_indirect_dma source(%arg8 : memref<80x128xf32, #tpu.memory_space<vmem>>) target(%dma_start3A_53 : memref<10240x128xf32, #tpu.memory_space<vmem_shared>>) offsets(%dma_start3A_50 : memref<80xi32, #tpu.memory_space<vmem>>) semaphore(%run_scoped3A_47 : memref<!tpu.dma_semaphore, #tpu.memory_space<semaphore_mem>>) {add = true}
      %dma_wait3A_54 = arith.constant 0 : i32
      %dma_wait3A_55 = tpu.memref_slice %arg7[%run_scoped3A, %dma_wait3A_54] : memref<125x80xi32, #tpu.memory_space<vmem>> -> memref<1x80xi32, #tpu.memory_space<vmem>>
      %dma_wait3A_56 = tpu.memref_squeeze %dma_wait3A_55 : memref<1x80xi32, #tpu.memory_space<vmem>> -> memref<80xi32, #tpu.memory_space<vmem>>
      %dma_wait3A_57 = arith.constant 0 : i32
      %dma_wait3A_58 = arith.constant 0 : i32
      %dma_wait3A_59 = tpu.memref_slice %arg10[%dma_wait3A_57, %dma_wait3A_58] : memref<10240x128xf32, #tpu.memory_space<vmem_shared>> -> memref<10240x128xf32, #tpu.memory_space<vmem_shared>>
      tpu.wait_indirect_dma semaphore(%run_scoped3A_47 : memref<!tpu.dma_semaphore, #tpu.memory_space<semaphore_mem>>) src(%arg8 : memref<80x128xf32, #tpu.memory_space<vmem>>) dst(%dma_wait3A_59 : memref<10240x128xf32, #tpu.memory_space<vmem_shared>>)
      tpu.yield
    }) : () -> ()
    %barrier3A_46 = arith.constant 0 : index
    tpu.barrier barrier_id(%barrier3A_46)
    "tpu.region"() ({
      %run_scoped3A_47 = tpu.sem_alloc : memref<!tpu.dma_semaphore, #tpu.memory_space<semaphore_mem>>
      %dma_start3A_48 = arith.constant 0 : i32
      %dma_start3A_49 = tpu.memref_slice %arg5[%arg0, %mul3A_0, %dma_start3A_48] : memref<2x10240x128xf32, #tpu.memory_space<hbm>> -> memref<1x640x128xf32, #tpu.memory_space<hbm>>
      %dma_start3A_50 = tpu.memref_squeeze %dma_start3A_49 : memref<1x640x128xf32, #tpu.memory_space<hbm>> -> memref<640x128xf32, #tpu.memory_space<hbm>>
      %dma_start3A_51 = arith.constant 0 : i32
      %dma_start3A_52 = tpu.memref_slice %arg10[%mul3A_0, %dma_start3A_51] : memref<10240x128xf32, #tpu.memory_space<vmem_shared>> -> memref<640x128xf32, #tpu.memory_space<vmem_shared>>
      tpu.enqueue_dma source(%dma_start3A_52 : memref<640x128xf32, #tpu.memory_space<vmem_shared>>) target(%dma_start3A_50 : memref<640x128xf32, #tpu.memory_space<hbm>>) target_semaphore(%run_scoped3A_47 : memref<!tpu.dma_semaphore, #tpu.memory_space<semaphore_mem>>)
      %dma_wait3A_53 = arith.constant 0 : i32
      %dma_wait3A_54 = tpu.memref_slice %arg5[%arg0, %mul3A_0, %dma_wait3A_53] : memref<2x10240x128xf32, #tpu.memory_space<hbm>> -> memref<1x640x128xf32, #tpu.memory_space<hbm>>
      %dma_wait3A_55 = tpu.memref_squeeze %dma_wait3A_54 : memref<1x640x128xf32, #tpu.memory_space<hbm>> -> memref<640x128xf32, #tpu.memory_space<hbm>>
      %dma_wait3A_56 = arith.constant 0 : i32
      %dma_wait3A_57 = tpu.memref_slice %arg10[%mul3A_0, %dma_wait3A_56] : memref<10240x128xf32, #tpu.memory_space<vmem_shared>> -> memref<640x128xf32, #tpu.memory_space<vmem_shared>>
      tpu.wait_dma2 semaphore(%run_scoped3A_47 : memref<!tpu.dma_semaphore, #tpu.memory_space<semaphore_mem>>) src(%dma_wait3A_57 : memref<640x128xf32, #tpu.memory_space<vmem_shared>>) dst(%dma_wait3A_55 : memref<640x128xf32, #tpu.memory_space<hbm>>)
      tpu.yield
    }) : () -> ()
    return
  }
}

module attributes {stable_mosaic.version = 14 : i64} {
  func.func @_tc_body(%arg0: i32, %arg1: memref<2x1000x128xf32, #tpu.memory_space<vmem>>, %arg2: memref<2x1000x128xf32, #tpu.memory_space<vmem>>, %arg3: memref<2x1000x16xf32, #tpu.memory_space<vmem>>, %arg4: memref<256x256xf32, #tpu.memory_space<vmem>>, %arg5: memref<1x256xf32, #tpu.memory_space<vmem>>, %arg6: memref<256x256xf32, #tpu.memory_space<vmem>>, %arg7: memref<1x256xf32, #tpu.memory_space<vmem>>, %arg8: memref<1x256xf32, #tpu.memory_space<vmem>>, %arg9: memref<2x1000x128xf32, #tpu.memory_space<vmem>>) attributes {dimension_semantics = [#tpu.dimension_semantics<arbitrary>], iteration_bounds = array<i64: 10>, scalar_prefetch = 0 : i64, scratch_operands = 0 : i64, tpu.core_type = #tpu.core_type<tc>, window_params = [{transform_indices = @transform_0, window_bounds = array<i64: 2, 1000, 128>}, {transform_indices = @transform_1, window_bounds = array<i64: 2, 1000, 128>}, {transform_indices = @transform_2, window_bounds = array<i64: 2, 1000, 16>}, {pipeline_mode = #tpu.pipeline_mode<synchronous>, transform_indices = @transform_3, window_bounds = array<i64: 256, 256>}, {pipeline_mode = #tpu.pipeline_mode<synchronous>, transform_indices = @transform_4, window_bounds = array<i64: 1, 256>}, {pipeline_mode = #tpu.pipeline_mode<synchronous>, transform_indices = @transform_5, window_bounds = array<i64: 256, 256>}, {pipeline_mode = #tpu.pipeline_mode<synchronous>, transform_indices = @transform_6, window_bounds = array<i64: 1, 256>}, {pipeline_mode = #tpu.pipeline_mode<synchronous>, transform_indices = @transform_7, window_bounds = array<i64: 1, 256>}, {transform_indices = @transform_8, window_bounds = array<i64: 2, 1000, 128>}]} {
    %get3A = arith.constant 0 : index
    %get3A_0 = arith.constant 0 : index
    %get3A_1 = arith.constant 0 : index
    %get3A_2 = vector.load %arg3[%get3A, %get3A_0, %get3A_1] : memref<2x1000x16xf32, #tpu.memory_space<vmem>>, vector<1x1000x1xf32>
    %get3A_3 = vector.shape_cast %get3A_2 : vector<1x1000x1xf32> to vector<1000x1xf32>
    %get3A_4 = arith.constant 1 : index
    %get3A_5 = arith.constant 0 : index
    %get3A_6 = arith.constant 0 : index
    %get3A_7 = vector.load %arg3[%get3A_4, %get3A_5, %get3A_6] : memref<2x1000x16xf32, #tpu.memory_space<vmem>>, vector<1x1000x1xf32>
    %get3A_8 = vector.shape_cast %get3A_7 : vector<1x1000x1xf32> to vector<1000x1xf32>
    %add3A = arith.addf %get3A_3, %get3A_8 : vector<1000x1xf32>
    %max3A = arith.constant 1.000000e+00 : f32
    %max3A_9 = vector.broadcast %max3A : f32 to vector<1000x1xf32>
    %max3A_10 = arith.maximumf %add3A, %max3A_9 : vector<1000x1xf32>
    %div3A = arith.constant 1.000000e+00 : f32
    %div3A_11 = vector.broadcast %div3A : f32 to vector<1000x1xf32>
    %div3A_12 = arith.divf %div3A_11, %max3A_10 : vector<1000x1xf32>
    %get3A_13 = arith.constant 0 : index
    %get3A_14 = arith.constant 0 : index
    %get3A_15 = arith.constant 0 : index
    %get3A_16 = vector.load %arg2[%get3A_13, %get3A_14, %get3A_15] : memref<2x1000x128xf32, #tpu.memory_space<vmem>>, vector<1x1000x128xf32>
    %get3A_17 = vector.shape_cast %get3A_16 : vector<1x1000x128xf32> to vector<1000x128xf32>
    %mul3A = vector.broadcast %div3A_12 : vector<1000x1xf32> to vector<1000x128xf32>
    %mul3A_18 = arith.mulf %get3A_17, %mul3A : vector<1000x128xf32>
    %get3A_19 = arith.constant 1 : index
    %get3A_20 = arith.constant 0 : index
    %get3A_21 = arith.constant 0 : index
    %get3A_22 = vector.load %arg2[%get3A_19, %get3A_20, %get3A_21] : memref<2x1000x128xf32, #tpu.memory_space<vmem>>, vector<1x1000x128xf32>
    %get3A_23 = vector.shape_cast %get3A_22 : vector<1x1000x128xf32> to vector<1000x128xf32>
    %mul3A_24 = vector.broadcast %div3A_12 : vector<1000x1xf32> to vector<1000x128xf32>
    %mul3A_25 = arith.mulf %get3A_23, %mul3A_24 : vector<1000x128xf32>
    %get3A_26 = arith.constant 0 : index
    %get3A_27 = arith.constant 0 : index
    %get3A_28 = vector.load %arg4[%get3A_26, %get3A_27] : memref<256x256xf32, #tpu.memory_space<vmem>>, vector<128x256xf32>
    %dot_general3A = arith.constant dense<0.000000e+00> : vector<1000x256xf32>
    %dot_general3A_29 = tpu.matmul %mul3A_18, %get3A_28, %dot_general3A {dimension_numbers = #tpu.dot_dimension_numbers<[1], [0], [0], [1], [0, 0, 1, 1], [], []>, transpose_lhs_hint = false} : vector<1000x128xf32>, vector<128x256xf32>, vector<1000x256xf32> -> vector<1000x256xf32>
    %get3A_30 = arith.constant 128 : index
    %get3A_31 = arith.constant 0 : index
    %get3A_32 = vector.load %arg4[%get3A_30, %get3A_31] : memref<256x256xf32, #tpu.memory_space<vmem>>, vector<128x256xf32>
    %dot_general3A_33 = arith.constant dense<0.000000e+00> : vector<1000x256xf32>
    %dot_general3A_34 = tpu.matmul %mul3A_25, %get3A_32, %dot_general3A_33 {dimension_numbers = #tpu.dot_dimension_numbers<[1], [0], [0], [1], [0, 0, 1, 1], [], []>, transpose_lhs_hint = false} : vector<1000x128xf32>, vector<128x256xf32>, vector<1000x256xf32> -> vector<1000x256xf32>
    %add3A_35 = arith.addf %dot_general3A_29, %dot_general3A_34 : vector<1000x256xf32>
    %get3A_36 = arith.constant 0 : index
    %get3A_37 = arith.constant 0 : index
    %get3A_38 = arith.constant 0 : index
    %get3A_39 = vector.load %arg1[%get3A_36, %get3A_37, %get3A_38] : memref<2x1000x128xf32, #tpu.memory_space<vmem>>, vector<1x1000x128xf32>
    %get3A_40 = vector.shape_cast %get3A_39 : vector<1x1000x128xf32> to vector<1000x128xf32>
    %get3A_41 = arith.constant 0 : index
    %get3A_42 = arith.constant 0 : index
    %get3A_43 = vector.load %arg6[%get3A_41, %get3A_42] : memref<256x256xf32, #tpu.memory_space<vmem>>, vector<128x256xf32>
    %dot_general3A_44 = arith.constant dense<0.000000e+00> : vector<1000x256xf32>
    %dot_general3A_45 = tpu.matmul %get3A_40, %get3A_43, %dot_general3A_44 {dimension_numbers = #tpu.dot_dimension_numbers<[1], [0], [0], [1], [0, 0, 1, 1], [], []>, transpose_lhs_hint = false} : vector<1000x128xf32>, vector<128x256xf32>, vector<1000x256xf32> -> vector<1000x256xf32>
    %add3A_46 = arith.addf %add3A_35, %dot_general3A_45 : vector<1000x256xf32>
    %get3A_47 = arith.constant 1 : index
    %get3A_48 = arith.constant 0 : index
    %get3A_49 = arith.constant 0 : index
    %get3A_50 = vector.load %arg1[%get3A_47, %get3A_48, %get3A_49] : memref<2x1000x128xf32, #tpu.memory_space<vmem>>, vector<1x1000x128xf32>
    %get3A_51 = vector.shape_cast %get3A_50 : vector<1x1000x128xf32> to vector<1000x128xf32>
    %get3A_52 = arith.constant 128 : index
    %get3A_53 = arith.constant 0 : index
    %get3A_54 = vector.load %arg6[%get3A_52, %get3A_53] : memref<256x256xf32, #tpu.memory_space<vmem>>, vector<128x256xf32>
    %dot_general3A_55 = arith.constant dense<0.000000e+00> : vector<1000x256xf32>
    %dot_general3A_56 = tpu.matmul %get3A_51, %get3A_54, %dot_general3A_55 {dimension_numbers = #tpu.dot_dimension_numbers<[1], [0], [0], [1], [0, 0, 1, 1], [], []>, transpose_lhs_hint = false} : vector<1000x128xf32>, vector<128x256xf32>, vector<1000x256xf32> -> vector<1000x256xf32>
    %add3A_57 = arith.addf %add3A_46, %dot_general3A_56 : vector<1000x256xf32>
    %get3A_58 = arith.constant 0 : index
    %get3A_59 = arith.constant 0 : index
    %get3A_60 = vector.load %arg5[%get3A_58, %get3A_59] : memref<1x256xf32, #tpu.memory_space<vmem>>, vector<1x256xf32>
    %add3A_61 = vector.broadcast %get3A_60 : vector<1x256xf32> to vector<1000x256xf32>
    %add3A_62 = arith.addf %add3A_57, %add3A_61 : vector<1000x256xf32>
    %reduce_sum3A = arith.constant dense<0.000000e+00> : vector<1000xf32>
    %reduce_sum3A_63 = vector.multi_reduction <add>, %add3A_62, %reduce_sum3A [1] : vector<1000x256xf32> to vector<1000xf32>
    %broadcast_in_dim3A = vector.shape_cast %reduce_sum3A_63 : vector<1000xf32> to vector<1000x1xf32>
    %div3A_64 = arith.constant 2.560000e+02 : f32
    %div3A_65 = vector.broadcast %div3A_64 : f32 to vector<1000x1xf32>
    %div3A_66 = arith.divf %broadcast_in_dim3A, %div3A_65 : vector<1000x1xf32>
    %sub3A = vector.broadcast %div3A_66 : vector<1000x1xf32> to vector<1000x256xf32>
    %sub3A_67 = arith.subf %add3A_62, %sub3A : vector<1000x256xf32>
    %mul3A_68 = arith.mulf %sub3A_67, %sub3A_67 : vector<1000x256xf32>
    %reduce_sum3A_69 = arith.constant dense<0.000000e+00> : vector<1000xf32>
    %reduce_sum3A_70 = vector.multi_reduction <add>, %mul3A_68, %reduce_sum3A_69 [1] : vector<1000x256xf32> to vector<1000xf32>
    %broadcast_in_dim3A_71 = vector.shape_cast %reduce_sum3A_70 : vector<1000xf32> to vector<1000x1xf32>
    %div3A_72 = arith.constant 2.560000e+02 : f32
    %div3A_73 = vector.broadcast %div3A_72 : f32 to vector<1000x1xf32>
    %div3A_74 = arith.divf %broadcast_in_dim3A_71, %div3A_73 : vector<1000x1xf32>
    %add3A_75 = arith.constant 9.99999974E-6 : f32
    %add3A_76 = vector.broadcast %add3A_75 : f32 to vector<1000x1xf32>
    %add3A_77 = arith.addf %div3A_74, %add3A_76 : vector<1000x1xf32>
    %rsqrt3A = math.rsqrt %add3A_77 : vector<1000x1xf32>
    %mul3A_78 = vector.broadcast %rsqrt3A : vector<1000x1xf32> to vector<1000x256xf32>
    %mul3A_79 = arith.mulf %sub3A_67, %mul3A_78 : vector<1000x256xf32>
    %get3A_80 = arith.constant 0 : index
    %get3A_81 = arith.constant 0 : index
    %get3A_82 = vector.load %arg7[%get3A_80, %get3A_81] : memref<1x256xf32, #tpu.memory_space<vmem>>, vector<1x256xf32>
    %mul3A_83 = vector.broadcast %get3A_82 : vector<1x256xf32> to vector<1000x256xf32>
    %mul3A_84 = arith.mulf %mul3A_79, %mul3A_83 : vector<1000x256xf32>
    %get3A_85 = arith.constant 0 : index
    %get3A_86 = arith.constant 0 : index
    %get3A_87 = vector.load %arg8[%get3A_85, %get3A_86] : memref<1x256xf32, #tpu.memory_space<vmem>>, vector<1x256xf32>
    %add3A_88 = vector.broadcast %get3A_87 : vector<1x256xf32> to vector<1000x256xf32>
    %add3A_89 = arith.addf %mul3A_84, %add3A_88 : vector<1000x256xf32>
    %max3A_90 = arith.constant 0.000000e+00 : f32
    %max3A_91 = vector.broadcast %max3A_90 : f32 to vector<1000x256xf32>
    %max3A_92 = arith.maximumf %add3A_89, %max3A_91 : vector<1000x256xf32>
    %slice3A = vector.extract_strided_slice %max3A_92 {offsets = [0, 0], sizes = [1000, 128], strides = [1, 1]} : vector<1000x256xf32> to vector<1000x128xf32>
    %swap3A = arith.constant 0 : index
    %swap3A_93 = arith.constant 0 : index
    %swap3A_94 = arith.constant 0 : index
    %swap3A_95 = vector.load %arg9[%swap3A, %swap3A_93, %swap3A_94] : memref<2x1000x128xf32, #tpu.memory_space<vmem>>, vector<1x1000x128xf32>
    %swap3A_96 = vector.shape_cast %swap3A_95 : vector<1x1000x128xf32> to vector<1000x128xf32>
    %swap3A_97 = vector.shape_cast %slice3A : vector<1000x128xf32> to vector<1x1000x128xf32>
    tpu.vector_store %arg9[%swap3A, %swap3A_93, %swap3A_94], %swap3A_97 {strides = array<i32>} : memref<2x1000x128xf32, #tpu.memory_space<vmem>>, vector<1x1000x128xf32>,
    %slice3A_98 = vector.extract_strided_slice %max3A_92 {offsets = [0, 128], sizes = [1000, 128], strides = [1, 1]} : vector<1000x256xf32> to vector<1000x128xf32>
    %swap3A_99 = arith.constant 1 : index
    %swap3A_100 = arith.constant 0 : index
    %swap3A_101 = arith.constant 0 : index
    %swap3A_102 = vector.load %arg9[%swap3A_99, %swap3A_100, %swap3A_101] : memref<2x1000x128xf32, #tpu.memory_space<vmem>>, vector<1x1000x128xf32>
    %swap3A_103 = vector.shape_cast %swap3A_102 : vector<1x1000x128xf32> to vector<1000x128xf32>
    %swap3A_104 = vector.shape_cast %slice3A_98 : vector<1000x128xf32> to vector<1x1000x128xf32>
    tpu.vector_store %arg9[%swap3A_99, %swap3A_100, %swap3A_101], %swap3A_104 {strides = array<i32>} : memref<2x1000x128xf32, #tpu.memory_space<vmem>>, vector<1x1000x128xf32>,
    return
  }
  func.func @transform_0(%arg0: i32) -> (i32, i32, i32) {
    %c0_i32 = arith.constant 0 : i32
    %c0_i32_0 = arith.constant 0 : i32
    %c0_i32_1 = arith.constant 0 : i32
    return %c0_i32, %arg0, %c0_i32_0 : i32, i32, i32
  }
  func.func @transform_1(%arg0: i32) -> (i32, i32, i32) {
    %c0_i32 = arith.constant 0 : i32
    %c0_i32_0 = arith.constant 0 : i32
    %c0_i32_1 = arith.constant 0 : i32
    return %c0_i32, %arg0, %c0_i32_0 : i32, i32, i32
  }
  func.func @transform_2(%arg0: i32) -> (i32, i32, i32) {
    %c0_i32 = arith.constant 0 : i32
    %c0_i32_0 = arith.constant 0 : i32
    %c0_i32_1 = arith.constant 0 : i32
    return %c0_i32, %arg0, %c0_i32_0 : i32, i32, i32
  }
  func.func @transform_3(%arg0: i32) -> (i32, i32) {
    %c0_i32 = arith.constant 0 : i32
    %c0_i32_0 = arith.constant 0 : i32
    %c0_i32_1 = arith.constant 0 : i32
    return %c0_i32, %c0_i32_0 : i32, i32
  }
  func.func @transform_4(%arg0: i32) -> (i32, i32) {
    %c0_i32 = arith.constant 0 : i32
    %c0_i32_0 = arith.constant 0 : i32
    %c0_i32_1 = arith.constant 0 : i32
    return %c0_i32, %c0_i32_0 : i32, i32
  }
  func.func @transform_5(%arg0: i32) -> (i32, i32) {
    %c0_i32 = arith.constant 0 : i32
    %c0_i32_0 = arith.constant 0 : i32
    %c0_i32_1 = arith.constant 0 : i32
    return %c0_i32, %c0_i32_0 : i32, i32
  }
  func.func @transform_6(%arg0: i32) -> (i32, i32) {
    %c0_i32 = arith.constant 0 : i32
    %c0_i32_0 = arith.constant 0 : i32
    %c0_i32_1 = arith.constant 0 : i32
    return %c0_i32, %c0_i32_0 : i32, i32
  }
  func.func @transform_7(%arg0: i32) -> (i32, i32) {
    %c0_i32 = arith.constant 0 : i32
    %c0_i32_0 = arith.constant 0 : i32
    %c0_i32_1 = arith.constant 0 : i32
    return %c0_i32, %c0_i32_0 : i32, i32
  }
  func.func @transform_8(%arg0: i32) -> (i32, i32, i32) {
    %c0_i32 = arith.constant 0 : i32
    %c0_i32_0 = arith.constant 0 : i32
    %c0_i32_1 = arith.constant 0 : i32
    return %c0_i32, %arg0, %c0_i32_0 : i32, i32, i32
  }
}

module attributes {stable_mosaic.version = 14 : i64} {
  func.func @_tc_body(%arg0: i32, %arg1: memref<2x1000x128xf32, #tpu.memory_space<vmem>>, %arg2: memref<2x1000x128xf32, #tpu.memory_space<vmem>>, %arg3: memref<2x1000x16xf32, #tpu.memory_space<vmem>>, %arg4: memref<256x256xf32, #tpu.memory_space<vmem>>, %arg5: memref<1x256xf32, #tpu.memory_space<vmem>>, %arg6: memref<256x256xf32, #tpu.memory_space<vmem>>, %arg7: memref<1x256xf32, #tpu.memory_space<vmem>>, %arg8: memref<1x256xf32, #tpu.memory_space<vmem>>, %arg9: memref<1000x256xf32, #tpu.memory_space<vmem>>) attributes {dimension_semantics = [#tpu.dimension_semantics<arbitrary>], iteration_bounds = array<i64: 10>, scalar_prefetch = 0 : i64, scratch_operands = 0 : i64, tpu.core_type = #tpu.core_type<tc>, window_params = [{transform_indices = @transform_0, window_bounds = array<i64: 2, 1000, 128>}, {transform_indices = @transform_1, window_bounds = array<i64: 2, 1000, 128>}, {transform_indices = @transform_2, window_bounds = array<i64: 2, 1000, 16>}, {pipeline_mode = #tpu.pipeline_mode<synchronous>, transform_indices = @transform_3, window_bounds = array<i64: 256, 256>}, {pipeline_mode = #tpu.pipeline_mode<synchronous>, transform_indices = @transform_4, window_bounds = array<i64: 1, 256>}, {pipeline_mode = #tpu.pipeline_mode<synchronous>, transform_indices = @transform_5, window_bounds = array<i64: 256, 256>}, {pipeline_mode = #tpu.pipeline_mode<synchronous>, transform_indices = @transform_6, window_bounds = array<i64: 1, 256>}, {pipeline_mode = #tpu.pipeline_mode<synchronous>, transform_indices = @transform_7, window_bounds = array<i64: 1, 256>}, {transform_indices = @transform_8, window_bounds = array<i64: 1000, 256>}]} {
    %get3A = arith.constant 0 : index
    %get3A_0 = arith.constant 0 : index
    %get3A_1 = arith.constant 0 : index
    %get3A_2 = vector.load %arg3[%get3A, %get3A_0, %get3A_1] : memref<2x1000x16xf32, #tpu.memory_space<vmem>>, vector<1x1000x1xf32>
    %get3A_3 = vector.shape_cast %get3A_2 : vector<1x1000x1xf32> to vector<1000x1xf32>
    %get3A_4 = arith.constant 1 : index
    %get3A_5 = arith.constant 0 : index
    %get3A_6 = arith.constant 0 : index
    %get3A_7 = vector.load %arg3[%get3A_4, %get3A_5, %get3A_6] : memref<2x1000x16xf32, #tpu.memory_space<vmem>>, vector<1x1000x1xf32>
    %get3A_8 = vector.shape_cast %get3A_7 : vector<1x1000x1xf32> to vector<1000x1xf32>
    %add3A = arith.addf %get3A_3, %get3A_8 : vector<1000x1xf32>
    %max3A = arith.constant 1.000000e+00 : f32
    %max3A_9 = vector.broadcast %max3A : f32 to vector<1000x1xf32>
    %max3A_10 = arith.maximumf %add3A, %max3A_9 : vector<1000x1xf32>
    %div3A = arith.constant 1.000000e+00 : f32
    %div3A_11 = vector.broadcast %div3A : f32 to vector<1000x1xf32>
    %div3A_12 = arith.divf %div3A_11, %max3A_10 : vector<1000x1xf32>
    %get3A_13 = arith.constant 0 : index
    %get3A_14 = arith.constant 0 : index
    %get3A_15 = arith.constant 0 : index
    %get3A_16 = vector.load %arg2[%get3A_13, %get3A_14, %get3A_15] : memref<2x1000x128xf32, #tpu.memory_space<vmem>>, vector<1x1000x128xf32>
    %get3A_17 = vector.shape_cast %get3A_16 : vector<1x1000x128xf32> to vector<1000x128xf32>
    %mul3A = vector.broadcast %div3A_12 : vector<1000x1xf32> to vector<1000x128xf32>
    %mul3A_18 = arith.mulf %get3A_17, %mul3A : vector<1000x128xf32>
    %get3A_19 = arith.constant 1 : index
    %get3A_20 = arith.constant 0 : index
    %get3A_21 = arith.constant 0 : index
    %get3A_22 = vector.load %arg2[%get3A_19, %get3A_20, %get3A_21] : memref<2x1000x128xf32, #tpu.memory_space<vmem>>, vector<1x1000x128xf32>
    %get3A_23 = vector.shape_cast %get3A_22 : vector<1x1000x128xf32> to vector<1000x128xf32>
    %mul3A_24 = vector.broadcast %div3A_12 : vector<1000x1xf32> to vector<1000x128xf32>
    %mul3A_25 = arith.mulf %get3A_23, %mul3A_24 : vector<1000x128xf32>
    %get3A_26 = arith.constant 0 : index
    %get3A_27 = arith.constant 0 : index
    %get3A_28 = vector.load %arg4[%get3A_26, %get3A_27] : memref<256x256xf32, #tpu.memory_space<vmem>>, vector<128x256xf32>
    %dot_general3A = arith.constant dense<0.000000e+00> : vector<1000x256xf32>
    %dot_general3A_29 = tpu.matmul %mul3A_18, %get3A_28, %dot_general3A {dimension_numbers = #tpu.dot_dimension_numbers<[1], [0], [0], [1], [0, 0, 1, 1], [], []>, transpose_lhs_hint = false} : vector<1000x128xf32>, vector<128x256xf32>, vector<1000x256xf32> -> vector<1000x256xf32>
    %get3A_30 = arith.constant 128 : index
    %get3A_31 = arith.constant 0 : index
    %get3A_32 = vector.load %arg4[%get3A_30, %get3A_31] : memref<256x256xf32, #tpu.memory_space<vmem>>, vector<128x256xf32>
    %dot_general3A_33 = arith.constant dense<0.000000e+00> : vector<1000x256xf32>
    %dot_general3A_34 = tpu.matmul %mul3A_25, %get3A_32, %dot_general3A_33 {dimension_numbers = #tpu.dot_dimension_numbers<[1], [0], [0], [1], [0, 0, 1, 1], [], []>, transpose_lhs_hint = false} : vector<1000x128xf32>, vector<128x256xf32>, vector<1000x256xf32> -> vector<1000x256xf32>
    %add3A_35 = arith.addf %dot_general3A_29, %dot_general3A_34 : vector<1000x256xf32>
    %get3A_36 = arith.constant 0 : index
    %get3A_37 = arith.constant 0 : index
    %get3A_38 = arith.constant 0 : index
    %get3A_39 = vector.load %arg1[%get3A_36, %get3A_37, %get3A_38] : memref<2x1000x128xf32, #tpu.memory_space<vmem>>, vector<1x1000x128xf32>
    %get3A_40 = vector.shape_cast %get3A_39 : vector<1x1000x128xf32> to vector<1000x128xf32>
    %get3A_41 = arith.constant 0 : index
    %get3A_42 = arith.constant 0 : index
    %get3A_43 = vector.load %arg6[%get3A_41, %get3A_42] : memref<256x256xf32, #tpu.memory_space<vmem>>, vector<128x256xf32>
    %dot_general3A_44 = arith.constant dense<0.000000e+00> : vector<1000x256xf32>
    %dot_general3A_45 = tpu.matmul %get3A_40, %get3A_43, %dot_general3A_44 {dimension_numbers = #tpu.dot_dimension_numbers<[1], [0], [0], [1], [0, 0, 1, 1], [], []>, transpose_lhs_hint = false} : vector<1000x128xf32>, vector<128x256xf32>, vector<1000x256xf32> -> vector<1000x256xf32>
    %add3A_46 = arith.addf %add3A_35, %dot_general3A_45 : vector<1000x256xf32>
    %get3A_47 = arith.constant 1 : index
    %get3A_48 = arith.constant 0 : index
    %get3A_49 = arith.constant 0 : index
    %get3A_50 = vector.load %arg1[%get3A_47, %get3A_48, %get3A_49] : memref<2x1000x128xf32, #tpu.memory_space<vmem>>, vector<1x1000x128xf32>
    %get3A_51 = vector.shape_cast %get3A_50 : vector<1x1000x128xf32> to vector<1000x128xf32>
    %get3A_52 = arith.constant 128 : index
    %get3A_53 = arith.constant 0 : index
    %get3A_54 = vector.load %arg6[%get3A_52, %get3A_53] : memref<256x256xf32, #tpu.memory_space<vmem>>, vector<128x256xf32>
    %dot_general3A_55 = arith.constant dense<0.000000e+00> : vector<1000x256xf32>
    %dot_general3A_56 = tpu.matmul %get3A_51, %get3A_54, %dot_general3A_55 {dimension_numbers = #tpu.dot_dimension_numbers<[1], [0], [0], [1], [0, 0, 1, 1], [], []>, transpose_lhs_hint = false} : vector<1000x128xf32>, vector<128x256xf32>, vector<1000x256xf32> -> vector<1000x256xf32>
    %add3A_57 = arith.addf %add3A_46, %dot_general3A_56 : vector<1000x256xf32>
    %get3A_58 = arith.constant 0 : index
    %get3A_59 = arith.constant 0 : index
    %get3A_60 = vector.load %arg5[%get3A_58, %get3A_59] : memref<1x256xf32, #tpu.memory_space<vmem>>, vector<1x256xf32>
    %add3A_61 = vector.broadcast %get3A_60 : vector<1x256xf32> to vector<1000x256xf32>
    %add3A_62 = arith.addf %add3A_57, %add3A_61 : vector<1000x256xf32>
    %swap3A = arith.constant 0 : index
    %swap3A_63 = arith.constant 0 : index
    %swap3A_64 = vector.load %arg9[%swap3A, %swap3A_63] : memref<1000x256xf32, #tpu.memory_space<vmem>>, vector<1000x256xf32>
    tpu.vector_store %arg9[%swap3A, %swap3A_63], %add3A_62 {strides = array<i32>} : memref<1000x256xf32, #tpu.memory_space<vmem>>, vector<1000x256xf32>,
    return
  }
  func.func @transform_0(%arg0: i32) -> (i32, i32, i32) {
    %c0_i32 = arith.constant 0 : i32
    %c0_i32_0 = arith.constant 0 : i32
    %c0_i32_1 = arith.constant 0 : i32
    return %c0_i32, %arg0, %c0_i32_0 : i32, i32, i32
  }
  func.func @transform_1(%arg0: i32) -> (i32, i32, i32) {
    %c0_i32 = arith.constant 0 : i32
    %c0_i32_0 = arith.constant 0 : i32
    %c0_i32_1 = arith.constant 0 : i32
    return %c0_i32, %arg0, %c0_i32_0 : i32, i32, i32
  }
  func.func @transform_2(%arg0: i32) -> (i32, i32, i32) {
    %c0_i32 = arith.constant 0 : i32
    %c0_i32_0 = arith.constant 0 : i32
    %c0_i32_1 = arith.constant 0 : i32
    return %c0_i32, %arg0, %c0_i32_0 : i32, i32, i32
  }
  func.func @transform_3(%arg0: i32) -> (i32, i32) {
    %c0_i32 = arith.constant 0 : i32
    %c0_i32_0 = arith.constant 0 : i32
    %c0_i32_1 = arith.constant 0 : i32
    return %c0_i32, %c0_i32_0 : i32, i32
  }
  func.func @transform_4(%arg0: i32) -> (i32, i32) {
    %c0_i32 = arith.constant 0 : i32
    %c0_i32_0 = arith.constant 0 : i32
    %c0_i32_1 = arith.constant 0 : i32
    return %c0_i32, %c0_i32_0 : i32, i32
  }
  func.func @transform_5(%arg0: i32) -> (i32, i32) {
    %c0_i32 = arith.constant 0 : i32
    %c0_i32_0 = arith.constant 0 : i32
    %c0_i32_1 = arith.constant 0 : i32
    return %c0_i32, %c0_i32_0 : i32, i32
  }
  func.func @transform_6(%arg0: i32) -> (i32, i32) {
    %c0_i32 = arith.constant 0 : i32
    %c0_i32_0 = arith.constant 0 : i32
    %c0_i32_1 = arith.constant 0 : i32
    return %c0_i32, %c0_i32_0 : i32, i32
  }
  func.func @transform_7(%arg0: i32) -> (i32, i32) {
    %c0_i32 = arith.constant 0 : i32
    %c0_i32_0 = arith.constant 0 : i32
    %c0_i32_1 = arith.constant 0 : i32
    return %c0_i32, %c0_i32_0 : i32, i32
  }
  func.func @transform_8(%arg0: i32) -> (i32, i32) {
    %c0_i32 = arith.constant 0 : i32
    %c0_i32_0 = arith.constant 0 : i32
    return %arg0, %c0_i32 : i32, i32
  }
}

</mosaic_0001>

<sc_bundles>
// kernel: kernel.12.cloned.1.call-start
scs
__scs_entry_jumppad:
0x0: {  	(pc) =	sbr.rel $0x88, $3  }
0x1: {  	(tag) =	ssettag $0x0;
	lr =	simm.s32 $0x1  }
0x2: {  	[smem:$0x3F92] =	sst lr;
	_ =	strace $0xD0000000  }
0x3: {  	_ = 	snop  }
0x4: {  	_ = 	snop  }
0x5: {  	_ = 	snop  }
0x6: {  	_ = 	snop  }
0x7: {  	_ = 	snop  }
__scs_overlays_trampoline_lowered:
0x8: {  	[smem:$0x3FA1] =	sst s0  }
0x9: {  	[smem:$0x3FA2] =	sst s1  }
0xa: {  	[smem:$0x3FA3] =	sst s2  }
0xb: {  	[smem:$0x3FA4] =	sst s3  }
0xc: {  	[smem:$0x3FA5] =	sst s4  }
0xd: {  	[smem:$0x3FA6] =	sst s5  }
0xe: {  	[smem:$0x3FA7] =	sst s6  }
0xf: {  	[smem:$0x3FA8] =	sst s7  }
0x10: {  	[smem:$0x3FA9] =	sst s8  }
0x11: {  	[smem:$0x3FAA] =	sst s9;
	s0 =	simm.s32 @!p0 $0x0  }
0x12: {  	s1 =	sld [smem:$0x3F90];
	s0 =	simm.s32 @p0 $0x1  }
0x13: {  	[smem:$0x3FAB] =	sst s0;
	s0 =	simm.s32 @!p1 $0x0  }
0x14: {  	s2 =	sld [smem:$0x3F8F];
	s0 =	simm.s32 @p1 $0x1  }
0x15: {  	[smem:$0x3FAC] =	sst s0;
	s0 =	simm.s32 @!p2 $0x0  }
0x16: {  	s3 =	sld [smem:$0x3FDB];
	s0 =	simm.s32 @p2 $0x1  }
0x17: {  	s4 =	simm.s32 $0x1BF5;
	[smem:$0x3FAE] =	sst s0  }
0x18: {  	s0 =	sld [smem:$0x3F91];
	_ =	swait.ge [sflag:s4], $0x0  }
0x19: {  	s7 =	sld [smem:$0x3F92]  }
0x1a: {  	s8 =	sadd.s32 $0xFFFFE003, lr  }
0x1b: {  	s9 =	sadd.s32 $0xFFFFFEF7, lr;
	s5 =	simm.s32 $0xFFFFFFFF;
	p2 =	slt.u32 s8, $0xFFFFF086  }
0x1c: {  	p1 =	slt.u32 s9, $0xF7A;
	s5 =	simm.s32 @!p2 $0x0  }
0x1d: {  	s5 =	simm.s32 @p1 $0x1;
	p0 =	seq.s32 s7, s2  }
0x1e: {  	s7 =	smul.u32 @!p0 $0xF7A, s2;
	p2 =	seq.s32 @!p0 s5, $0x0  }
0x1f: {  	s9 =	smul.u32 $0xF7A, s1;
	s8 =	simm.s32 @!p0 $0x1BF5;
	p2 =	por !p2, p0  }
0x20: {  	[sflag:s8] =	ssyncset.s32 @!p0 $0xFFFFF086;
	s6 =	sadd.s32 @!p0 s3, s7;
	s7 =	simm.s32 @!p0 $0x108  }
0x21: {  	s3 =	sadd.s32 s3, s9;
	s6 =	sadd.s32 @!p0 $0x88, s6;
	s7 =	simm.s32 @p2 $0x1082  }
0x22: {  	[simem:s7], [sflag:s8] =	dma.local @!p0 [hbm:s6], $0xF7A  }
0x23: {  	s9 =	sor.u32 $0xD0000000, s2;
	s6 =	simm.s32 $0x108;
	_ =	swait.ge @!p0 [sflag:s8], $0x0  }
0x24: {  	s3 =	sadd.s32 $0x88, s3;
	s6 =	simm.s32 @!p1 $0x1082;
	[sflag:s4] =	ssyncset.s32 $0xFFFFF086  }
0x25: {  	[simem:s6], [sflag:s4] =	dma.local [hbm:s3], $0xF7A  }
0x26: {  	[smem:$0x3F92] =	sst s1;
	(tag) =	ssettag s2;
	_ =	strace s9  }
0x27: {  	s1 =	sld [smem:$0x3FA2]  }
0x28: {  	s2 =	sld [smem:$0x3FA3]  }
0x29: {  	s4 =	sld [smem:$0x3FA5]  }
0x2a: {  	p0 =	seq.s32 s5, $0x0;
	s5 =	sld [smem:$0x3FA6]  }
0x2b: {  	s6 =	sld [smem:$0x3FA7]  }
0x2c: {  	s7 =	sld [smem:$0x3FA8]  }
0x2d: {  	s3 =	simm.s32 $0x108;
	s8 =	sld [smem:$0x3FA9]  }
0x2e: {  	s3 =	simm.s32 @!p0 $0x1082;
	s9 =	sld [smem:$0x3FAA]  }
0x2f: {  	lr =	sadd.s32 s0, s3;
	s0 =	sld [smem:$0x3FA1]  }
0x30: {  	s3 =	sld [smem:$0x3FA4]  }
0x31: {  	[smem:$0x3FAD] =	sst s10  }
0x32: {  	s10 =	sld [smem:$0x3FAB];
	_ =	sdelay $0x3  }
0x33: {  	p0 =	seq.s32 s10, $0x1;
	s10 =	sld [smem:$0x3FAD];
	_ =	sdelay $0x3  }
0x34: {  	[smem:$0x3FAD] =	sst s10  }
0x35: {  	s10 =	sld [smem:$0x3FAC];
	_ =	sdelay $0x3  }
0x36: {  	p1 =	seq.s32 s10, $0x1;
	s10 =	sld [smem:$0x3FAD];
	_ =	sdelay $0x3  }
0x37: {  	[smem:$0x3FAD] =	sst s10  }
0x38: {  	s10 =	sld [smem:$0x3FAE]  }
0x39: {  	_ = 	snop;
	(pc) =	sbr.ind lr, $3  }
0x3a: {  	_ = 	snop  }
0x3b: {  	_ = 	snop  }
0x3c: {  	p2 =	seq.s32 s10, $0x1;
	s10 =	sld [smem:$0x3FAD]  }
0x3d: {  	_ =	shalt  }
0x3e: {  	_ =	shalt  }
0x3f: {  	_ =	shalt  }
0x40: {  	_ =	shalt  }
0x41: {  	_ =	shalt  }
0x42: {  	_ =	shalt  }
0x43: {  	_ =	shalt  }
0x44: {  	_ =	shalt  }
0x45: {  	_ =	shalt  }
0x46: {  	_ =	shalt  }
0x47: {  	_ =	shalt  }
0x48: {  	_ =	shalt  }
0x49: {  	_ =	shalt  }
0x4a: {  	_ =	shalt  }
0x4b: {  	_ =	shalt  }
0x4c: {  	_ =	shalt  }
0x4d: {  	_ =	shalt  }
0x4e: {  	_ =	shalt  }
0x4f: {  	_ =	shalt  }
0x50: {  	_ =	shalt  }
0x51: {  	_ =	shalt  }
0x52: {  	_ =	shalt  }
0x53: {  	_ =	shalt  }
0x54: {  	_ =	shalt  }
0x55: {  	_ =	shalt  }
0x56: {  	_ =	shalt  }
0x57: {  	_ =	shalt  }
0x58: {  	_ =	shalt  }
0x59: {  	_ =	shalt  }
0x5a: {  	_ =	shalt  }
0x5b: {  	_ =	shalt  }
0x5c: {  	_ =	shalt  }
0x5d: {  	_ =	shalt  }
0x5e: {  	_ =	shalt  }
0x5f: {  	_ =	shalt  }
0x60: {  	_ =	shalt  }
0x61: {  	_ =	shalt  }
0x62: {  	_ =	shalt  }
0x63: {  	_ =	shalt  }
0x64: {  	_ =	shalt  }
0x65: {  	_ =	shalt  }
0x66: {  	_ =	shalt  }
0x67: {  	_ =	shalt  }
0x68: {  	_ =	shalt  }
0x69: {  	_ =	shalt  }
0x6a: {  	_ =	shalt  }
0x6b: {  	_ =	shalt  }
0x6c: {  	_ =	shalt  }
0x6d: {  	_ =	shalt  }
0x6e: {  	_ =	shalt  }
0x6f: {  	_ =	shalt  }
0x70: {  	_ =	shalt  }
0x71: {  	_ =	shalt  }
0x72: {  	_ =	shalt  }
0x73: {  	_ =	shalt  }
0x74: {  	_ =	shalt  }
0x75: {  	_ =	shalt  }
0x76: {  	_ =	shalt  }
0x77: {  	_ =	shalt  }
0x78: {  	_ =	shalt  }
0x79: {  	_ =	shalt  }
0x7a: {  	_ =	shalt  }
0x7b: {  	_ =	shalt  }
0x7c: {  	_ =	shalt  }
0x7d: {  	_ =	shalt  }
0x7e: {  	_ =	shalt  }
0x7f: {  	_ =	shalt  }
0x80: {  	_ =	shalt  }
0x81: {  	_ =	shalt  }
0x82: {  	_ =	shalt  }
0x83: {  	_ =	shalt  }
0x84: {  	_ =	shalt  }
0x85: {  	_ =	shalt  }
0x86: {  	_ =	shalt  }
0x87: {  	_ =	shalt  }
.Lfunc_end0:
.L_simem_size_0:
called_computation.1_lowered:
.L_overlay_start_0:
0x88: {  	s2 =	sld [smem:$0x3FD9]  }
0x89: {  	s3 =	sld [smem:$0x3FFE];
	_ =	sdelay $0x1  }
0x8a: {  	s1 =	srdreg.scid  }
0x8b: {  	s0 =	sand.u32 $0x1, s1  }
0x8c: {  	s17 =	sshll.u32 s0, $0xA;
	s2 =	sadd.s32 s3, s2  }
0x8d: {  	s2 =	sadd.s32 s2, s17  }
0x8e: {  	[smem:$0x3FB9] =	sst s2  }
0x8f: {  	_ = 	snop  }
0x90: {  	s18 =	sld [smem:$0x3FD0];
	(tm) =	ssettm $0x1  }
0x91: {  	s19 =	sld [smem:$0x3FFB];
	_ =	sdelay $0x3  }
0x92: {  	_ =	strace s19  }
0x93: {  	s2 =	sld [smem:$0x3FFC];
	_ =	sdelay $0x3  }
0x94: {  	_ =	strace s2  }
0x95: {  	s2 =	sld [smem:$0x3FFD];
	_ =	sdelay $0x3  }
0x96: {  	_ =	strace s2  }
0x97: {  	_ =	strace $0x8FFFFFFF  }
0x98: {  	s20 =	sld [smem:$0x3FDB];
	_ =	sdelay $0x1  }
0x99: {  	s4 =	simm.s32 $_scs_section_size  }
0x9a: {  	s5 =	simm.s32 $_size__tile_overlayer_lowered;
	s6 =	simm.s32 $_tile_overlayer_lowered  }
0x9b: {  	s7 =	simm.s32 $0x1BFF;
	s21 =	sshll.u32 s6, $0x1;
	s4 =	sadd.s32 s4, s20  }
0x9c: {  	s22 =	simm.s32 $0x0;
	s5 =	sshll.u32 s5, $0x1;
	s6 =	sadd.s32 s21, s4  }
0x9d: {  	[timem:s22], [sflag:s7] =	dma.local [hbm:s6], s5  }
0x9e: {  	_ =	swait.ge [sflag:s7], s5  }
0x9f: {  	s5 =	ssub.s32 $0x0, s5;
	[sflag:s7] =	ssyncset.done $0x0  }
0xa0: {  	[sflag:s7] =	ssyncadd.s32 s5;
	_ =	sdelay $0x1  }
0xa1: {  	s23 =	simm.s32 $0x1B8B  }
0xa2: {  	_ =	swait.ge [sflag:s23], $0x1  }
0xa3: {  	[sflag:s23] =	ssyncset.done $0x0  }
0xa4: {  	[sflag:s23] =	ssyncadd.s32 $0xFFFFFFFF  }
0xa5: {  	s5 =	sld [smem:$0x0]  }
0xa6: {  	s6 =	sand.u32 $0xFFFFFFFE, s1  }
0xa7: {  	p0 =	sne.s32 s1, s6  }
0xa8: {  	s6 =	sshll.u32 @p0 s6, $0xE  }
0xa9: {  	s6 =	sadd.s32 @p0 $0x11B8D, s6;
	s7 =	sshll.u32 @p0 s5, $0x11  }
0xaa: {  	s6 =	sor.u32 @p0 s7, s6  }
0xab: {  	[sflag:s6] =	ssyncadd.remote.s32 @p0 $0x1;
	_ =	sdelay $0x1  }
0xac: {  	s6 =	simm.s32 @p0 $0x1B8D  }
0xad: {  	_ =	swait.eq @p0 [sflag:s6], $0x1  }
0xae: {  	[sflag:s6] =	ssyncadd.s32 @p0 $0xFFFFFFFF  }
0xaf: {  	s7 =	sshll.u32 @!p0 s1, $0xE  }
0xb0: {  	s7 =	sor.u32 @!p0 $0x4000, s7;
	s6 =	simm.s32 @!p0 $0x1B8D  }
0xb1: {  	s5 =	sshll.u32 @!p0 s5, $0x11;
	s7 =	sadd.s32 @!p0 $0x11B8D, s7;
	_ =	swait.eq @!p0 [sflag:s6], $0x1  }
0xb2: {  	s5 =	sor.u32 @!p0 s5, s7;
	[sflag:s6] =	ssyncadd.s32 @!p0 $0xFFFFFFFF  }
0xb3: {  	s25 =	simm.s32 $0x1B8E;
	s24 =	sld [smem:$0x3FFE];
	[sflag:s5] =	ssyncadd.remote.s32 @!p0 $0x1  }
0xb4: {  	s26 =	simm.s32 $execute0_lowered;
	[smem:$0x3FD2] =	sst s25  }
0xb5: {  	s6 =	sshll.u32 s26, $0x1;
	_ =	strace $0x80000049;
	[dreg:$0x1] =	wrdreg $0xFFFFFFFF  }
0xb6: {  	s28 =	simm.s32 $_size_execute0_lowered;
	s4 =	sadd.s32 s4, s6;
	[dreg:$0x0] =	wrdreg $0x0  }
0xb7: {  	s6 =	sshll.u32 s28, $0x1;
	[dreg:$0x2] =	wrdreg s4  }
0xb8: {  	[dreg:$0x3] =	wrdreg s6  }
0xb9: {  	[dreg:$0x4] =	wrdreg $0xC0  }
0xba: {  	_ =	task [dreg:s22], $0x5FFFF  }
0xbb: {  	[dreg:$0x1] =	wrdreg $0xFFFFFFFF  }
0xbc: {  	[dreg:$0x0] =	wrdreg $0x60  }
0xbd: {  	[dreg:$0x2] =	wrdreg s18  }
0xbe: {  	[dreg:$0x3] =	wrdreg s24  }
0xbf: {  	[dreg:$0x4] =	wrdreg $0x9E200  }
0xc0: {  	[dreg:$0x5] =	wrdreg $0xA  }
0xc1: {  	_ =	task.clear_ibuf [dreg:s22], $0x6FFFF;
	_ =	strace $0x90000049  }
0xc2: {  	s29 =	simm.s32 $0xA;
	_ =	strace $0x8000004B  }
0xc3: {  	_ =	swait.ge [sflag:s29], $0x1  }
0xc4: {  	[sflag:s29] =	ssyncadd.s32 $0xFFFFFFFF  }
0xc5: {  	_ =	strace $0x9000004B  }
0xc6: {  	_ =	sfence  }
0xc7: {  	s30 =	sld [smem:$0x0];
	_ =	sdelay $0x2  }
0xc8: {  	s31 =	sshll.u32 s1, $0xD;
	s1 =	sshrl.u32 s1, $0x2  }
0xc9: {  	s4 =	sand.u32 $0x4000, s31;
	s1 =	sadd.s32 s1, s30  }
0xca: {  	s0 =	sor.u32 s4, s0;
	s1 =	sshll.u32 s1, $0x11  }
0xcb: {  	s0 =	sor.u32 s1, s0  }
0xcc: {  	s0 =	sadd.s32 $0x8F2B, s0  }
0xcd: {  	[sflag:s0] =	ssyncadd.remote.s32 $0x1  }
0xce: {  	_ =	sfence.sel $0xFFFF  }
0xcf: {  	[dreg:$0x0] =	wrdreg $0xFFFFFFFF;
	(pc) =	sbr.abs _section_cstart, $3  }
0xd0: {  	[dreg:$0x1] =	wrdreg $0xFFFFFFFF  }
0xd1: {  	_ =	task.clear_ibuf [dreg:s22], $0x2FFFF;
	_ =	strace $0x9FFFFFFF  }
0xd2: {  	(tm) =	ssettm $0x7FFFFFFF  }
0xd3: {  	_ =	shalt  }
tec
execute0_lowered:
.L_overlay_start_1:
0x0: {  	(tag) =	ssettag $0x1  }
0x1: {  	s6 =	rddreg [dreg:$0x0]  }
0x2: {  	s4 =	rddreg [dreg:$0x1]  }
0x3: {  	s2 =	rddreg [dreg:$0x2]  }
0x4: {  	s0 =	rddreg [dreg:$0x3]  }
0x5: {  	s1 =	stileid.u32;
	s7 =	srdreg.scid;
	s3 =	simm.s32 $0x0  }
0x6: {  	s17 =	simm.s32 $0x3;
	s18 =	simm.s32 $0x2710;
	s19 =	simm.s32 $0x50  }
0x7: {  	s20 =	simm.s32 $0x4E20;
	s21 =	simm.s32 $0x7620;
	s5 =	smul.u32 $0x4E2, s1  }
0x8: {  	s22 =	simm.s32 $0x1;
	s23 =	simm.s32 $0x2;
	s8 =	smul.u32 $0x14000, s1  }
0x9: {  	s24 =	simm.s32 $0x4DD0;
	s7 =	sand.u32 $0x1, s7;
	s12 =	smul.u32 $0x50000, s1  }
0xa: {  	s25 =	simm.s32 $0x0;
	[smem:$0x7FF] =	sst s3;
	s9 =	smul.u32 $0x140000, s7  }
0xb: {  	_ =	strace $0x8000004A;
	s10 =	ssub.s32 $0x2, s7;
	s7 =	smul.u32 $0x27100, s7  }
0xc: {  	s5 =	sadd.s32 s5, s4;
	s11 =	sshrl.u32 s10, $0x1;
	s31 =	sshrl.u32 s12, $0x2  }
0xd: {  	s9 =	sadd.s32 s8, s9;
	s16 =	ssub.s32 s10, s11;
	s6 =	sadd.s32 s6, s7  }
0xe: {  	s7 =	sadd.s32 s8, s2;
	s14 =	sadd.s32 s31, s2;
	s9 =	sshrl.u32 s9, $0x3  }
0xf: {  	s8 =	sadd.s32 $0x2800, s14;
	s10 =	sadd.s32 $0x7800, s14;
	s11 =	sadd.s32 $0xA000, s14  }
0x10: {  	s12 =	sadd.s32 $0xC800, s14;
	s13 =	sadd.s32 $0xF000, s14;
	s16 =	smax.u32 s16, $0x1  }
0x11: {  	s15 =	sadd.s32 s9, s4;
	s4 =	sadd.s32 $0x3E00, s5;
	s5 =	sadd.s32 $0x8E00, s5  }
0x12: {  	v0 =	vimm.f32 $0.0e+00;
	s9 =	sadd.s32 $0x5000, s14;
	s14 =	sadd.s32 $0x11800, s14;
	s15 =	sadd.s32 $0x1D000, s15  }
.LBB2_1:
0x13: {  	[tilespmem:s3], [sflag:$0x3] =	stream.linear.gather [hbm4b:s4+s3], $0x2710, $0x38;
	[tilespmem:$0x1DE20] =	vst v63  }
0x14: {  	_ =	swait.ge [sflag:s17], $0x2710  }
0x15: {  	[sflag:s17] =	ssyncset.done $0x0  }
0x16: {  	[sflag:s17] =	ssyncadd.s32 $0xFFFFD8F0  }
0x17: {  	[tilespmem:s18], [sflag:$0x3] =	stream.linear.gather [hbm4b:s5+s3], $0x2710, $0x38;
	[tilespmem:$0x1DE20] =	vst v63  }
0x18: {  	_ =	swait.ge [sflag:s17], $0x2710  }
0x19: {  	[sflag:s17] =	ssyncset.done $0x0  }
0x1a: {  	s26 =	simm.s32 $0x0;
	s28 =	simm.s32 $0x200;
	[sflag:s17] =	ssyncadd.s32 $0xFFFFD8F0  }
0x1b: {  	[tilespmem:s20], [sflag:$0x1] =	stream.indirect.gather [hbm4b:s6+s19], $0x80, s3, s19, $0xb8;
	[tilespmem:$0x1DE20] =	vst v63  }
.LBB2_2:
0x1c: {  	p0 =	sne.s32 s28, $0x9E00;
	[tilespmem:s26+$0x7690] =	vst v0  }
0x1d: {  	[tilespmem:s26+$0x7620] =	vst v0  }
0x1e: {  	[tilespmem:s26+$0x7630] =	vst v0  }
.Ltmp0:
0x1f: {  	[tilespmem:s26+$0x7640] =	vst v0;
	(pc) =	sbr.rel @p0 .LBB2_2-.Ltmp0, $4  }
0x20: {  	[tilespmem:s26+$0x7650] =	vst v0  }
0x21: {  	[tilespmem:s26+$0x7660] =	vst v0  }
0x22: {  	[tilespmem:s26+$0x7670] =	vst v0  }
0x23: {  	[tilespmem:s26+$0x7680] =	vst v0;
	s26 =	sshra.s32 s28, $0x2;
	s28 =	sadd.s32 $0x200, s28  }
0x24: {  	[tilespmem:s26+$0x7690] =	vst v0  }
0x25: {  	[tilespmem:s26+$0x7620] =	vst v0  }
0x26: {  	[tilespmem:s26+$0x7630] =	vst v0  }
0x27: {  	[tilespmem:s26+$0x7640] =	vst v0  }
0x28: {  	[tilespmem:s26+$0x7650] =	vst v0  }
0x29: {  	[tilespmem:s26+$0x7660] =	vst v0  }
0x2a: {  	[tilespmem:s26+$0x7670] =	vst v0  }
0x2b: {  	[tilespmem:s26+$0x7680] =	vst v0  }
0x2c: {  	[spmem:s7] =	stream.linear.scatter [tilespmem:s21], [sflag:$0x3], $0x2800, $0x38;
	[tilespmem:$0x1DE20] =	vst v63  }
0x2d: {  	_ =	swait.ge [sflag:s17], $0x2800  }
0x2e: {  	[sflag:s17] =	ssyncset.done $0x0  }
0x2f: {  	[sflag:s17] =	ssyncadd.s32 $0xFFFFD800  }
0x30: {  	[spmem:s8] =	stream.linear.scatter [tilespmem:s21], [sflag:$0x3], $0x2800, $0x38;
	[tilespmem:$0x1DE20] =	vst v63  }
0x31: {  	_ =	swait.ge [sflag:s17], $0x2800  }
0x32: {  	[sflag:s17] =	ssyncset.done $0x0  }
0x33: {  	[sflag:s17] =	ssyncadd.s32 $0xFFFFD800  }
0x34: {  	[spmem:s9] =	stream.linear.scatter [tilespmem:s21], [sflag:$0x3], $0x2800, $0x38;
	[tilespmem:$0x1DE20] =	vst v63  }
0x35: {  	_ =	swait.ge [sflag:s17], $0x2800  }
0x36: {  	[sflag:s17] =	ssyncset.done $0x0  }
0x37: {  	[sflag:s17] =	ssyncadd.s32 $0xFFFFD800  }
0x38: {  	[spmem:s10] =	stream.linear.scatter [tilespmem:s21], [sflag:$0x3], $0x2800, $0x38;
	[tilespmem:$0x1DE20] =	vst v63  }
0x39: {  	_ =	swait.ge [sflag:s17], $0x2800  }
0x3a: {  	[sflag:s17] =	ssyncset.done $0x0  }
0x3b: {  	[sflag:s17] =	ssyncadd.s32 $0xFFFFD800  }
0x3c: {  	[spmem:s11] =	stream.linear.scatter [tilespmem:s21], [sflag:$0x3], $0x2800, $0x38;
	[tilespmem:$0x1DE20] =	vst v63  }
0x3d: {  	_ =	swait.ge [sflag:s17], $0x2800  }
0x3e: {  	[sflag:s17] =	ssyncset.done $0x0  }
0x3f: {  	[sflag:s17] =	ssyncadd.s32 $0xFFFFD800  }
0x40: {  	[spmem:s12] =	stream.linear.scatter [tilespmem:s21], [sflag:$0x3], $0x2800, $0x38;
	[tilespmem:$0x1DE20] =	vst v63  }
0x41: {  	_ =	swait.ge [sflag:s17], $0x2800  }
0x42: {  	[sflag:s17] =	ssyncset.done $0x0  }
0x43: {  	[sflag:s17] =	ssyncadd.s32 $0xFFFFD800  }
0x44: {  	[spmem:s13] =	stream.linear.scatter [tilespmem:s21], [sflag:$0x3], $0x2800, $0x38;
	[tilespmem:$0x1DE20] =	vst v63  }
0x45: {  	_ =	swait.ge [sflag:s17], $0x2800  }
0x46: {  	[sflag:s17] =	ssyncset.done $0x0  }
0x47: {  	[sflag:s17] =	ssyncadd.s32 $0xFFFFD800  }
0x48: {  	[spmem:s14] =	stream.linear.scatter [tilespmem:s21], [sflag:$0x3], $0x2800, $0x38;
	[tilespmem:$0x1DE20] =	vst v63  }
0x49: {  	_ =	swait.ge [sflag:s17], $0x2800  }
0x4a: {  	[sflag:s17] =	ssyncset.done $0x0  }
0x4b: {  	[sflag:s17] =	ssyncadd.s32 $0xFFFFD800  }
0x4c: {  	s31 =	simm.s32 $0x50;
	[bflag:$0x0] =	sbarrier.arrive $0xFFFF  }
0x4d: {  	[tilespmem:s21], [sflag:$0x2] =	stream.indirect.gather [hbm4b:s6+s19], $0x80, s31, s19, $0xb8;
	[tilespmem:$0x1DE20] =	vst v63  }
0x4e: {  	_ =	swait.ge [sflag:s22], $0x2800  }
0x4f: {  	[sflag:s22] =	ssyncset.done $0x0  }
0x50: {  	s29 =	simm.s32 $0x2710;
	[sflag:s22] =	ssyncadd.s32 $0xFFFFD800  }
0x51: {  	[spmem:s2] =	stream.indirect.scatter.add.f32 [tilespmem:s20], [sflag:$0x3], $0x80, s29, s19, $0xb8;
	[tilespmem:$0x1DE20] =	vst v63  }
0x52: {  	_ =	swait.ge [sflag:s17], $0x2800  }
0x53: {  	[sflag:s17] =	ssyncset.done $0x0  }
0x54: {  	s30 =	simm.s32 $0xA0;
	[sflag:s17] =	ssyncadd.s32 $0xFFFFD800  }
0x55: {  	[tilespmem:s20], [sflag:$0x1] =	stream.indirect.gather [hbm4b:s6+s19], $0x80, s30, s19, $0xb8;
	[tilespmem:$0x1DE20] =	vst v63  }
0x56: {  	_ =	swait.ge [sflag:s23], $0x2800  }
0x57: {  	[sflag:s23] =	ssyncset.done $0x0  }
0x58: {  	s31 =	simm.s32 $0x2760;
	[sflag:s23] =	ssyncadd.s32 $0xFFFFD800  }
0x59: {  	[spmem:s2] =	stream.indirect.scatter.add.f32 [tilespmem:s21], [sflag:$0x3], $0x80, s31, s19, $0xb8;
	[tilespmem:$0x1DE20] =	vst v63  }
0x5a: {  	_ =	swait.ge [sflag:s17], $0x2800  }
0x5b: {  	s28 =	simm.s32 $0x500;
	s26 =	simm.s32 $0xA0;
	[sflag:s17] =	ssyncset.done $0x0  }
.LBB2_4:
0x5c: {  	s29 =	sadd.s32 $0x50, s26  }
0x5d: {  	[sflag:s17] =	ssyncadd.s32 $0xFFFFD800;
	s30 =	smov.u32 s28;
	s31 =	sadd.s32 $0x280, s28  }
0x5e: {  	[tilespmem:s21], [sflag:$0x2] =	stream.indirect.gather [hbm4b:s6+s19], $0x80, s29, s19, $0xb8;
	[tilespmem:$0x1DE20] =	vst v63  }
0x5f: {  	p0 =	sne.s32 s28, $0x9880;
	_ =	swait.ge [sflag:s22], $0x2800  }
0x60: {  	[sflag:s22] =	ssyncset.done $0x0  }
0x61: {  	s28 =	sadd.s32 $0x2710, s26;
	[sflag:s22] =	ssyncadd.s32 $0xFFFFD800  }
0x62: {  	[spmem:s2] =	stream.indirect.scatter.add.f32 [tilespmem:s20], [sflag:$0x3], $0x80, s28, s19, $0xb8;
	[tilespmem:$0x1DE20] =	vst v63  }
0x63: {  	_ =	swait.ge [sflag:s17], $0x2800  }
0x64: {  	[sflag:s17] =	ssyncset.done $0x0  }
0x65: {  	s28 =	sadd.s32 $0xA0, s26;
	[sflag:s17] =	ssyncadd.s32 $0xFFFFD800  }
0x66: {  	[tilespmem:s20], [sflag:$0x1] =	stream.indirect.gather [hbm4b:s6+s19], $0x80, s28, s19, $0xb8;
	[tilespmem:$0x1DE20] =	vst v63  }
0x67: {  	_ =	swait.ge [sflag:s23], $0x2800  }
.Ltmp1:
0x68: {  	[sflag:s23] =	ssyncset.done $0x0;
	(pc) =	sbr.rel @p0 .LBB2_4-.Ltmp1, $4  }
0x69: {  	s26 =	sadd.s32 $0x2760, s26;
	[sflag:s23] =	ssyncadd.s32 $0xFFFFD800  }
0x6a: {  	[spmem:s2] =	stream.indirect.scatter.add.f32 [tilespmem:s21], [sflag:$0x3], $0x80, s26, s19, $0xb8;
	[tilespmem:$0x1DE20] =	vst v63  }
0x6b: {  	_ =	swait.ge [sflag:s17], $0x2800  }
0x6c: {  	s28 =	smov.u32 s31;
	s26 =	sshra.s32 s30, $0x2;
	[sflag:s17] =	ssyncset.done $0x0  }
0x6d: {  	s28 =	sadd.s32 $0x50, s26;
	[sflag:s17] =	ssyncadd.s32 $0xFFFFD800  }
0x6e: {  	[tilespmem:s21], [sflag:$0x2] =	stream.indirect.gather [hbm4b:s6+s19], $0x80, s28, s19, $0xb8;
	[tilespmem:$0x1DE20] =	vst v63  }
0x6f: {  	_ =	swait.ge [sflag:s22], $0x2800  }
0x70: {  	[sflag:s22] =	ssyncset.done $0x0  }
0x71: {  	s30 =	sadd.s32 $0x2710, s26;
	[sflag:s22] =	ssyncadd.s32 $0xFFFFD800  }
0x72: {  	[spmem:s2] =	stream.indirect.scatter.add.f32 [tilespmem:s20], [sflag:$0x3], $0x80, s30, s19, $0xb8;
	[tilespmem:$0x1DE20] =	vst v63  }
0x73: {  	_ =	swait.ge [sflag:s17], $0x2800  }
0x74: {  	[sflag:s17] =	ssyncset.done $0x0  }
0x75: {  	s31 =	sadd.s32 $0xA0, s26;
	[sflag:s17] =	ssyncadd.s32 $0xFFFFD800  }
0x76: {  	[tilespmem:s20], [sflag:$0x1] =	stream.indirect.gather [hbm4b:s6+s19], $0x80, s31, s19, $0xb8;
	[tilespmem:$0x1DE20] =	vst v63  }
0x77: {  	_ =	swait.ge [sflag:s23], $0x2800  }
0x78: {  	[sflag:s23] =	ssyncset.done $0x0  }
0x79: {  	s29 =	sadd.s32 $0x2760, s26;
	[sflag:s23] =	ssyncadd.s32 $0xFFFFD800  }
0x7a: {  	[spmem:s2] =	stream.indirect.scatter.add.f32 [tilespmem:s21], [sflag:$0x3], $0x80, s29, s19, $0xb8;
	[tilespmem:$0x1DE20] =	vst v63  }
0x7b: {  	_ =	swait.ge [sflag:s17], $0x2800  }
0x7c: {  	[sflag:s17] =	ssyncset.done $0x0  }
0x7d: {  	[sflag:s17] =	ssyncadd.s32 $0xFFFFD800  }
0x7e: {  	_ =	swait.ge [sflag:s22], $0x2800  }
0x7f: {  	[sflag:s22] =	ssyncset.done $0x0  }
0x80: {  	[sflag:s22] =	ssyncadd.s32 $0xFFFFD800  }
0x81: {  	[spmem:s2] =	stream.indirect.scatter.add.f32 [tilespmem:s20], [sflag:$0x3], $0x80, s24, s19, $0xb8;
	[tilespmem:$0x1DE20] =	vst v63  }
0x82: {  	_ =	swait.ge [sflag:s17], $0x2800  }
0x83: {  	s25 =	sadd.s32 $0x1, s25;
	s30 =	sshll.u32 s1, $0x6;
	[sflag:s17] =	ssyncset.done $0x0  }
0x84: {  	p0 =	sne.s32 s25, s16;
	s26 =	sor.u32 $0x1C03, s30;
	[sflag:s17] =	ssyncadd.s32 $0xFFFFD800  }
.Ltmp2:
0x85: {  	s31 =	sshrl.u32 s7, $0x3;
	[bflag:$0x0] =	sbarrier.arrive $0xFFFF;
	(pc) =	sbr.rel @p0 .LBB2_1-.Ltmp2, $4  }
0x86: {  	[hbm:s15], [sflag:s26] =	dma.local [spmem:s31], $0x2800  }
0x87: {  	_ =	swait.ge [sflag:s17], $0x2800  }
0x88: {  	[sflag:s17] =	ssyncset.done $0x0  }
0x89: {  	[sflag:s17] =	ssyncadd.s32 $0xFFFFD800  }
0x8a: {  	_ =	sfence.sel $0x180000  }
0x8b: {  	[bflag:$0x0] =	sbarrier.arrive $0xFFFF  }
0x8c: {  	p0 =	sne.s32 s1, $0x0;
	_ =	strace $0x9000004A  }
0x8d: {  	s0 =	sadd.s32 @!p0 $0x100000, s0;
	[bflag:$0x2] =	sbarrier.arrive $0xFFFF  }
0x8e: {  	[sflag:s0] =	ssyncadd.tile.s32 @!p0 $0x1;
	_ =	shalt  }
.Lfunc_end2:
_tile_overlayer_lowered:
.L_overlay_start_2:
0x8f: {  	(tag) =	ssettag $0x2  }
0x90: {  	s0 =	rddreg [dreg:$0x0];
	s2 =	stileid.u32  }
0x91: {  	s1 =	rddreg [dreg:$0x1];
	p0 =	sne.s32 s2, $0x0  }
0x92: {  	s3 =	rddreg [dreg:$0x2];
	[bflag:$0x3] =	sbarrier.arrive $0xFFFF;
	s2 =	simm.s32 @!p0 $0x1C03  }
0x93: {  	[timem:s3], [sflag:s2] =	dma.local @!p0 [hbm:s0], s1  }
0x94: {  	s0 =	simm.s32 @!p0 $0x3  }
0x95: {  	_ =	swait.ge @!p0 [sflag:s0], s1  }
0x96: {  	s1 =	ssub.s32 @!p0 $0x0, s1;
	[sflag:s0] =	ssyncset.done @!p0 $0x0  }
0x97: {  	[sflag:s0] =	ssyncadd.s32 @!p0 s1  }
0x98: {  	[bflag:$0x3] =	sbarrier.arrive $0xFFFF  }
0x99: {  	_ =	shalt  }

// kernel: kernel.15.cloned.1.call-start
scs
__scs_entry_jumppad:
0x0: {  	(pc) =	sbr.rel $0x88, $3  }
0x1: {  	(tag) =	ssettag $0x0;
	lr =	simm.s32 $0x1  }
0x2: {  	[smem:$0x3F92] =	sst lr;
	_ =	strace $0xD0000000  }
0x3: {  	_ = 	snop  }
0x4: {  	_ = 	snop  }
0x5: {  	_ = 	snop  }
0x6: {  	_ = 	snop  }
0x7: {  	_ = 	snop  }
__scs_overlays_trampoline_lowered:
0x8: {  	[smem:$0x3FA1] =	sst s0  }
0x9: {  	[smem:$0x3FA2] =	sst s1  }
0xa: {  	[smem:$0x3FA3] =	sst s2  }
0xb: {  	[smem:$0x3FA4] =	sst s3  }
0xc: {  	[smem:$0x3FA5] =	sst s4  }
0xd: {  	[smem:$0x3FA6] =	sst s5  }
0xe: {  	[smem:$0x3FA7] =	sst s6  }
0xf: {  	[smem:$0x3FA8] =	sst s7  }
0x10: {  	[smem:$0x3FA9] =	sst s8  }
0x11: {  	[smem:$0x3FAA] =	sst s9;
	s0 =	simm.s32 @!p0 $0x0  }
0x12: {  	s1 =	sld [smem:$0x3F90];
	s0 =	simm.s32 @p0 $0x1  }
0x13: {  	[smem:$0x3FAB] =	sst s0;
	s0 =	simm.s32 @!p1 $0x0  }
0x14: {  	s2 =	sld [smem:$0x3F8F];
	s0 =	simm.s32 @p1 $0x1  }
0x15: {  	[smem:$0x3FAC] =	sst s0;
	s0 =	simm.s32 @!p2 $0x0  }
0x16: {  	s3 =	sld [smem:$0x3FDB];
	s0 =	simm.s32 @p2 $0x1  }
0x17: {  	s4 =	simm.s32 $0x1BF5;
	[smem:$0x3FAE] =	sst s0  }
0x18: {  	s0 =	sld [smem:$0x3F91];
	_ =	swait.ge [sflag:s4], $0x0  }
0x19: {  	s7 =	sld [smem:$0x3F92]  }
0x1a: {  	s8 =	sadd.s32 $0xFFFFE003, lr  }
0x1b: {  	s9 =	sadd.s32 $0xFFFFFEF7, lr;
	s5 =	simm.s32 $0xFFFFFFFF;
	p2 =	slt.u32 s8, $0xFFFFF086  }
0x1c: {  	p1 =	slt.u32 s9, $0xF7A;
	s5 =	simm.s32 @!p2 $0x0  }
0x1d: {  	s5 =	simm.s32 @p1 $0x1;
	p0 =	seq.s32 s7, s2  }
0x1e: {  	s7 =	smul.u32 @!p0 $0xF7A, s2;
	p2 =	seq.s32 @!p0 s5, $0x0  }
0x1f: {  	s9 =	smul.u32 $0xF7A, s1;
	s8 =	simm.s32 @!p0 $0x1BF5;
	p2 =	por !p2, p0  }
0x20: {  	[sflag:s8] =	ssyncset.s32 @!p0 $0xFFFFF086;
	s6 =	sadd.s32 @!p0 s3, s7;
	s7 =	simm.s32 @!p0 $0x108  }
0x21: {  	s3 =	sadd.s32 s3, s9;
	s6 =	sadd.s32 @!p0 $0x88, s6;
	s7 =	simm.s32 @p2 $0x1082  }
0x22: {  	[simem:s7], [sflag:s8] =	dma.local @!p0 [hbm:s6], $0xF7A  }
0x23: {  	s9 =	sor.u32 $0xD0000000, s2;
	s6 =	simm.s32 $0x108;
	_ =	swait.ge @!p0 [sflag:s8], $0x0  }
0x24: {  	s3 =	sadd.s32 $0x88, s3;
	s6 =	simm.s32 @!p1 $0x1082;
	[sflag:s4] =	ssyncset.s32 $0xFFFFF086  }
0x25: {  	[simem:s6], [sflag:s4] =	dma.local [hbm:s3], $0xF7A  }
0x26: {  	[smem:$0x3F92] =	sst s1;
	(tag) =	ssettag s2;
	_ =	strace s9  }
0x27: {  	s1 =	sld [smem:$0x3FA2]  }
0x28: {  	s2 =	sld [smem:$0x3FA3]  }
0x29: {  	s4 =	sld [smem:$0x3FA5]  }
0x2a: {  	p0 =	seq.s32 s5, $0x0;
	s5 =	sld [smem:$0x3FA6]  }
0x2b: {  	s6 =	sld [smem:$0x3FA7]  }
0x2c: {  	s7 =	sld [smem:$0x3FA8]  }
0x2d: {  	s3 =	simm.s32 $0x108;
	s8 =	sld [smem:$0x3FA9]  }
0x2e: {  	s3 =	simm.s32 @!p0 $0x1082;
	s9 =	sld [smem:$0x3FAA]  }
0x2f: {  	lr =	sadd.s32 s0, s3;
	s0 =	sld [smem:$0x3FA1]  }
0x30: {  	s3 =	sld [smem:$0x3FA4]  }
0x31: {  	[smem:$0x3FAD] =	sst s10  }
0x32: {  	s10 =	sld [smem:$0x3FAB];
	_ =	sdelay $0x3  }
0x33: {  	p0 =	seq.s32 s10, $0x1;
	s10 =	sld [smem:$0x3FAD];
	_ =	sdelay $0x3  }
0x34: {  	[smem:$0x3FAD] =	sst s10  }
0x35: {  	s10 =	sld [smem:$0x3FAC];
	_ =	sdelay $0x3  }
0x36: {  	p1 =	seq.s32 s10, $0x1;
	s10 =	sld [smem:$0x3FAD];
	_ =	sdelay $0x3  }
0x37: {  	[smem:$0x3FAD] =	sst s10  }
0x38: {  	s10 =	sld [smem:$0x3FAE]  }
0x39: {  	_ = 	snop;
	(pc) =	sbr.ind lr, $3  }
0x3a: {  	_ = 	snop  }
0x3b: {  	_ = 	snop  }
0x3c: {  	p2 =	seq.s32 s10, $0x1;
	s10 =	sld [smem:$0x3FAD]  }
0x3d: {  	_ =	shalt  }
0x3e: {  	_ =	shalt  }
0x3f: {  	_ =	shalt  }
0x40: {  	_ =	shalt  }
0x41: {  	_ =	shalt  }
0x42: {  	_ =	shalt  }
0x43: {  	_ =	shalt  }
0x44: {  	_ =	shalt  }
0x45: {  	_ =	shalt  }
0x46: {  	_ =	shalt  }
0x47: {  	_ =	shalt  }
0x48: {  	_ =	shalt  }
0x49: {  	_ =	shalt  }
0x4a: {  	_ =	shalt  }
0x4b: {  	_ =	shalt  }
0x4c: {  	_ =	shalt  }
0x4d: {  	_ =	shalt  }
0x4e: {  	_ =	shalt  }
0x4f: {  	_ =	shalt  }
0x50: {  	_ =	shalt  }
0x51: {  	_ =	shalt  }
0x52: {  	_ =	shalt  }
0x53: {  	_ =	shalt  }
0x54: {  	_ =	shalt  }
0x55: {  	_ =	shalt  }
0x56: {  	_ =	shalt  }
0x57: {  	_ =	shalt  }
0x58: {  	_ =	shalt  }
0x59: {  	_ =	shalt  }
0x5a: {  	_ =	shalt  }
0x5b: {  	_ =	shalt  }
0x5c: {  	_ =	shalt  }
0x5d: {  	_ =	shalt  }
0x5e: {  	_ =	shalt  }
0x5f: {  	_ =	shalt  }
0x60: {  	_ =	shalt  }
0x61: {  	_ =	shalt  }
0x62: {  	_ =	shalt  }
0x63: {  	_ =	shalt  }
0x64: {  	_ =	shalt  }
0x65: {  	_ =	shalt  }
0x66: {  	_ =	shalt  }
0x67: {  	_ =	shalt  }
0x68: {  	_ =	shalt  }
0x69: {  	_ =	shalt  }
0x6a: {  	_ =	shalt  }
0x6b: {  	_ =	shalt  }
0x6c: {  	_ =	shalt  }
0x6d: {  	_ =	shalt  }
0x6e: {  	_ =	shalt  }
0x6f: {  	_ =	shalt  }
0x70: {  	_ =	shalt  }
0x71: {  	_ =	shalt  }
0x72: {  	_ =	shalt  }
0x73: {  	_ =	shalt  }
0x74: {  	_ =	shalt  }
0x75: {  	_ =	shalt  }
0x76: {  	_ =	shalt  }
0x77: {  	_ =	shalt  }
0x78: {  	_ =	shalt  }
0x79: {  	_ =	shalt  }
0x7a: {  	_ =	shalt  }
0x7b: {  	_ =	shalt  }
0x7c: {  	_ =	shalt  }
0x7d: {  	_ =	shalt  }
0x7e: {  	_ =	shalt  }
0x7f: {  	_ =	shalt  }
0x80: {  	_ =	shalt  }
0x81: {  	_ =	shalt  }
0x82: {  	_ =	shalt  }
0x83: {  	_ =	shalt  }
0x84: {  	_ =	shalt  }
0x85: {  	_ =	shalt  }
0x86: {  	_ =	shalt  }
0x87: {  	_ =	shalt  }
.Lfunc_end0:
.L_simem_size_0:
called_computation.2_lowered:
.L_overlay_start_0:
0x88: {  	s2 =	sld [smem:$0x3FD9]  }
0x89: {  	s3 =	sld [smem:$0x3FFE];
	_ =	sdelay $0x1  }
0x8a: {  	s1 =	srdreg.scid  }
0x8b: {  	s0 =	sand.u32 $0x1, s1  }
0x8c: {  	s17 =	sshll.u32 s0, $0xA;
	s2 =	sadd.s32 s3, s2  }
0x8d: {  	s2 =	sadd.s32 s2, s17  }
0x8e: {  	[smem:$0x3FB9] =	sst s2  }
0x8f: {  	_ = 	snop  }
0x90: {  	s2 =	sld [smem:$0x3FD0];
	(tm) =	ssettm $0x1  }
0x91: {  	s18 =	sld [smem:$0x3FFB];
	_ =	sdelay $0x3  }
0x92: {  	_ =	strace s18  }
0x93: {  	s3 =	sld [smem:$0x3FFC];
	_ =	sdelay $0x3  }
0x94: {  	_ =	strace s3  }
0x95: {  	s3 =	sld [smem:$0x3FFD];
	_ =	sdelay $0x3  }
0x96: {  	_ =	strace s3  }
0x97: {  	_ =	strace $0x8FFFFFFF  }
0x98: {  	s19 =	sld [smem:$0x3FDB];
	_ =	sdelay $0x1  }
0x99: {  	s4 =	simm.s32 $_scs_section_size  }
0x9a: {  	s5 =	simm.s32 $_size__tile_overlayer_lowered;
	s6 =	simm.s32 $_tile_overlayer_lowered  }
0x9b: {  	s22 =	simm.s32 $0x1BFF;
	s21 =	sshll.u32 s6, $0x1;
	s3 =	sadd.s32 s4, s19  }
0x9c: {  	s7 =	simm.s32 $0x0;
	s20 =	sshll.u32 s5, $0x1;
	s5 =	sadd.s32 s21, s3  }
0x9d: {  	[timem:s7], [sflag:s22] =	dma.local [hbm:s5], s20  }
0x9e: {  	_ =	swait.ge [sflag:s22], s20  }
0x9f: {  	s4 =	ssub.s32 $0x0, s20;
	[sflag:s22] =	ssyncset.done $0x0  }
0xa0: {  	[sflag:s22] =	ssyncadd.s32 s4;
	_ =	sdelay $0x1  }
0xa1: {  	s23 =	simm.s32 $0x1B8B  }
0xa2: {  	_ =	swait.ge [sflag:s23], $0x1  }
0xa3: {  	[sflag:s23] =	ssyncset.done $0x0  }
0xa4: {  	s25 =	simm.s32 $0x1B8E;
	s24 =	sld [smem:$0x3FFE];
	[sflag:s23] =	ssyncadd.s32 $0xFFFFFFFF  }
0xa5: {  	s26 =	simm.s32 $execute0_lowered;
	[smem:$0x3FD2] =	sst s25  }
0xa6: {  	s5 =	sshll.u32 s26, $0x1;
	_ =	strace $0x8000004C;
	[dreg:$0x1] =	wrdreg $0xFFFFFFFF  }
0xa7: {  	s28 =	simm.s32 $_size_execute0_lowered;
	s3 =	sadd.s32 s3, s5;
	[dreg:$0x0] =	wrdreg $0x0  }
0xa8: {  	s5 =	sshll.u32 s28, $0x1;
	[dreg:$0x2] =	wrdreg s3  }
0xa9: {  	[dreg:$0x3] =	wrdreg s5  }
0xaa: {  	[dreg:$0x4] =	wrdreg $0xC0  }
0xab: {  	_ =	task [dreg:s7], $0x5FFFF  }
0xac: {  	[dreg:$0x1] =	wrdreg $0xFFFFFFFF  }
0xad: {  	[dreg:$0x0] =	wrdreg $0x60  }
0xae: {  	[dreg:$0x2] =	wrdreg s2  }
0xaf: {  	[dreg:$0x3] =	wrdreg s24  }
0xb0: {  	[dreg:$0x4] =	wrdreg $0x9E200  }
0xb1: {  	[dreg:$0x5] =	wrdreg $0x9  }
0xb2: {  	_ =	task.clear_ibuf [dreg:s7], $0x6FFFF;
	_ =	strace $0x9000004C  }
0xb3: {  	s29 =	simm.s32 $0x9;
	_ =	strace $0x8000004E  }
0xb4: {  	_ =	swait.ge [sflag:s29], $0x1  }
0xb5: {  	[sflag:s29] =	ssyncadd.s32 $0xFFFFFFFF  }
0xb6: {  	_ =	strace $0x9000004E  }
0xb7: {  	_ =	sfence  }
0xb8: {  	s30 =	sld [smem:$0x0];
	_ =	sdelay $0x2  }
0xb9: {  	s31 =	sshll.u32 s1, $0xD;
	s1 =	sshrl.u32 s1, $0x2  }
0xba: {  	s3 =	sand.u32 $0x4000, s31;
	s1 =	sadd.s32 s1, s30  }
0xbb: {  	s0 =	sor.u32 s3, s0;
	s1 =	sshll.u32 s1, $0x11  }
0xbc: {  	s0 =	sor.u32 s1, s0  }
0xbd: {  	s0 =	sadd.s32 $0x8F2B, s0  }
0xbe: {  	[sflag:s0] =	ssyncadd.remote.s32 $0x1  }
0xbf: {  	_ =	sfence.sel $0xFFFF  }
0xc0: {  	[dreg:$0x0] =	wrdreg $0xFFFFFFFF;
	(pc) =	sbr.abs _section_cstart, $3  }
0xc1: {  	[dreg:$0x1] =	wrdreg $0xFFFFFFFF  }
0xc2: {  	_ =	task.clear_ibuf [dreg:s7], $0x2FFFF;
	_ =	strace $0x9FFFFFFF  }
0xc3: {  	(tm) =	ssettm $0x7FFFFFFF  }
tec
execute0_lowered:
.L_overlay_start_1:
0x0: {  	(tag) =	ssettag $0x1  }
0x1: {  	s6 =	rddreg [dreg:$0x0]  }
0x2: {  	s4 =	rddreg [dreg:$0x1]  }
0x3: {  	s2 =	rddreg [dreg:$0x2]  }
0x4: {  	s0 =	rddreg [dreg:$0x3]  }
0x5: {  	s1 =	stileid.u32;
	s7 =	srdreg.scid;
	s3 =	simm.s32 $0x0  }
0x6: {  	s17 =	simm.s32 $0x3;
	s18 =	simm.s32 $0x2710;
	s19 =	simm.s32 $0x50  }
0x7: {  	s20 =	simm.s32 $0x4E20;
	s21 =	simm.s32 $0x7620;
	s5 =	smul.u32 $0x4E2, s1  }
0x8: {  	s22 =	simm.s32 $0x1;
	s23 =	simm.s32 $0x2;
	s8 =	smul.u32 $0x14000, s1  }
0x9: {  	s24 =	simm.s32 $0x4DD0;
	s7 =	sand.u32 $0x1, s7;
	s12 =	smul.u32 $0x50000, s1  }
0xa: {  	s25 =	simm.s32 $0x0;
	[smem:$0x7FF] =	sst s3;
	s9 =	smul.u32 $0x140000, s7  }
0xb: {  	_ =	strace $0x8000004D;
	s10 =	ssub.s32 $0x2, s7;
	s7 =	smul.u32 $0x27100, s7  }
0xc: {  	s5 =	sadd.s32 s5, s4;
	s11 =	sshrl.u32 s10, $0x1;
	s31 =	sshrl.u32 s12, $0x2  }
0xd: {  	s9 =	sadd.s32 s8, s9;
	s16 =	ssub.s32 s10, s11;
	s6 =	sadd.s32 s6, s7  }
0xe: {  	s7 =	sadd.s32 s8, s2;
	s14 =	sadd.s32 s31, s2;
	s9 =	sshrl.u32 s9, $0x3  }
0xf: {  	s8 =	sadd.s32 $0x2800, s14;
	s10 =	sadd.s32 $0x7800, s14;
	s11 =	sadd.s32 $0xA000, s14  }
0x10: {  	s12 =	sadd.s32 $0xC800, s14;
	s13 =	sadd.s32 $0xF000, s14;
	s16 =	smax.u32 s16, $0x1  }
0x11: {  	s15 =	sadd.s32 s9, s4;
	s4 =	sadd.s32 $0x3E00, s5;
	s5 =	sadd.s32 $0x8E00, s5  }
0x12: {  	v0 =	vimm.f32 $0.0e+00;
	s9 =	sadd.s32 $0x5000, s14;
	s14 =	sadd.s32 $0x11800, s14;
	s15 =	sadd.s32 $0xDE00, s15  }
.LBB2_1:
0x13: {  	[tilespmem:s3], [sflag:$0x3] =	stream.linear.gather [hbm4b:s4+s3], $0x2710, $0x38;
	[tilespmem:$0x1DE20] =	vst v63  }
0x14: {  	_ =	swait.ge [sflag:s17], $0x2710  }
0x15: {  	[sflag:s17] =	ssyncset.done $0x0  }
0x16: {  	[sflag:s17] =	ssyncadd.s32 $0xFFFFD8F0  }
0x17: {  	[tilespmem:s18], [sflag:$0x3] =	stream.linear.gather [hbm4b:s5+s3], $0x2710, $0x38;
	[tilespmem:$0x1DE20] =	vst v63  }
0x18: {  	_ =	swait.ge [sflag:s17], $0x2710  }
0x19: {  	[sflag:s17] =	ssyncset.done $0x0  }
0x1a: {  	s26 =	simm.s32 $0x0;
	s28 =	simm.s32 $0x200;
	[sflag:s17] =	ssyncadd.s32 $0xFFFFD8F0  }
0x1b: {  	[tilespmem:s20], [sflag:$0x1] =	stream.indirect.gather [hbm4b:s6+s19], $0x80, s3, s19, $0xb8;
	[tilespmem:$0x1DE20] =	vst v63  }
.LBB2_2:
0x1c: {  	p0 =	sne.s32 s28, $0x9E00;
	[tilespmem:s26+$0x7690] =	vst v0  }
0x1d: {  	[tilespmem:s26+$0x7620] =	vst v0  }
0x1e: {  	[tilespmem:s26+$0x7630] =	vst v0  }
.Ltmp0:
0x1f: {  	[tilespmem:s26+$0x7640] =	vst v0;
	(pc) =	sbr.rel @p0 .LBB2_2-.Ltmp0, $4  }
0x20: {  	[tilespmem:s26+$0x7650] =	vst v0  }
0x21: {  	[tilespmem:s26+$0x7660] =	vst v0  }
0x22: {  	[tilespmem:s26+$0x7670] =	vst v0  }
0x23: {  	[tilespmem:s26+$0x7680] =	vst v0;
	s26 =	sshra.s32 s28, $0x2;
	s28 =	sadd.s32 $0x200, s28  }
0x24: {  	[tilespmem:s26+$0x7690] =	vst v0  }
0x25: {  	[tilespmem:s26+$0x7620] =	vst v0  }
0x26: {  	[tilespmem:s26+$0x7630] =	vst v0  }
0x27: {  	[tilespmem:s26+$0x7640] =	vst v0  }
0x28: {  	[tilespmem:s26+$0x7650] =	vst v0  }
0x29: {  	[tilespmem:s26+$0x7660] =	vst v0  }
0x2a: {  	[tilespmem:s26+$0x7670] =	vst v0  }
0x2b: {  	[tilespmem:s26+$0x7680] =	vst v0  }
0x2c: {  	[spmem:s7] =	stream.linear.scatter [tilespmem:s21], [sflag:$0x3], $0x2800, $0x38;
	[tilespmem:$0x1DE20] =	vst v63  }
0x2d: {  	_ =	swait.ge [sflag:s17], $0x2800  }
0x2e: {  	[sflag:s17] =	ssyncset.done $0x0  }
0x2f: {  	[sflag:s17] =	ssyncadd.s32 $0xFFFFD800  }
0x30: {  	[spmem:s8] =	stream.linear.scatter [tilespmem:s21], [sflag:$0x3], $0x2800, $0x38;
	[tilespmem:$0x1DE20] =	vst v63  }
0x31: {  	_ =	swait.ge [sflag:s17], $0x2800  }
0x32: {  	[sflag:s17] =	ssyncset.done $0x0  }
0x33: {  	[sflag:s17] =	ssyncadd.s32 $0xFFFFD800  }
0x34: {  	[spmem:s9] =	stream.linear.scatter [tilespmem:s21], [sflag:$0x3], $0x2800, $0x38;
	[tilespmem:$0x1DE20] =	vst v63  }
0x35: {  	_ =	swait.ge [sflag:s17], $0x2800  }
0x36: {  	[sflag:s17] =	ssyncset.done $0x0  }
0x37: {  	[sflag:s17] =	ssyncadd.s32 $0xFFFFD800  }
0x38: {  	[spmem:s10] =	stream.linear.scatter [tilespmem:s21], [sflag:$0x3], $0x2800, $0x38;
	[tilespmem:$0x1DE20] =	vst v63  }
0x39: {  	_ =	swait.ge [sflag:s17], $0x2800  }
0x3a: {  	[sflag:s17] =	ssyncset.done $0x0  }
0x3b: {  	[sflag:s17] =	ssyncadd.s32 $0xFFFFD800  }
0x3c: {  	[spmem:s11] =	stream.linear.scatter [tilespmem:s21], [sflag:$0x3], $0x2800, $0x38;
	[tilespmem:$0x1DE20] =	vst v63  }
0x3d: {  	_ =	swait.ge [sflag:s17], $0x2800  }
0x3e: {  	[sflag:s17] =	ssyncset.done $0x0  }
0x3f: {  	[sflag:s17] =	ssyncadd.s32 $0xFFFFD800  }
0x40: {  	[spmem:s12] =	stream.linear.scatter [tilespmem:s21], [sflag:$0x3], $0x2800, $0x38;
	[tilespmem:$0x1DE20] =	vst v63  }
0x41: {  	_ =	swait.ge [sflag:s17], $0x2800  }
0x42: {  	[sflag:s17] =	ssyncset.done $0x0  }
0x43: {  	[sflag:s17] =	ssyncadd.s32 $0xFFFFD800  }
0x44: {  	[spmem:s13] =	stream.linear.scatter [tilespmem:s21], [sflag:$0x3], $0x2800, $0x38;
	[tilespmem:$0x1DE20] =	vst v63  }
0x45: {  	_ =	swait.ge [sflag:s17], $0x2800  }
0x46: {  	[sflag:s17] =	ssyncset.done $0x0  }
0x47: {  	[sflag:s17] =	ssyncadd.s32 $0xFFFFD800  }
0x48: {  	[spmem:s14] =	stream.linear.scatter [tilespmem:s21], [sflag:$0x3], $0x2800, $0x38;
	[tilespmem:$0x1DE20] =	vst v63  }
0x49: {  	_ =	swait.ge [sflag:s17], $0x2800  }
0x4a: {  	[sflag:s17] =	ssyncset.done $0x0  }
0x4b: {  	[sflag:s17] =	ssyncadd.s32 $0xFFFFD800  }
0x4c: {  	s31 =	simm.s32 $0x50;
	[bflag:$0x0] =	sbarrier.arrive $0xFFFF  }
0x4d: {  	[tilespmem:s21], [sflag:$0x2] =	stream.indirect.gather [hbm4b:s6+s19], $0x80, s31, s19, $0xb8;
	[tilespmem:$0x1DE20] =	vst v63  }
0x4e: {  	_ =	swait.ge [sflag:s22], $0x2800  }
0x4f: {  	[sflag:s22] =	ssyncset.done $0x0  }
0x50: {  	s29 =	simm.s32 $0x2710;
	[sflag:s22] =	ssyncadd.s32 $0xFFFFD800  }
0x51: {  	[spmem:s2] =	stream.indirect.scatter.add.f32 [tilespmem:s20], [sflag:$0x3], $0x80, s29, s19, $0xb8;
	[tilespmem:$0x1DE20] =	vst v63  }
0x52: {  	_ =	swait.ge [sflag:s17], $0x2800  }
0x53: {  	[sflag:s17] =	ssyncset.done $0x0  }
0x54: {  	s30 =	simm.s32 $0xA0;
	[sflag:s17] =	ssyncadd.s32 $0xFFFFD800  }
0x55: {  	[tilespmem:s20], [sflag:$0x1] =	stream.indirect.gather [hbm4b:s6+s19], $0x80, s30, s19, $0xb8;
	[tilespmem:$0x1DE20] =	vst v63  }
0x56: {  	_ =	swait.ge [sflag:s23], $0x2800  }
0x57: {  	[sflag:s23] =	ssyncset.done $0x0  }
0x58: {  	s31 =	simm.s32 $0x2760;
	[sflag:s23] =	ssyncadd.s32 $0xFFFFD800  }
0x59: {  	[spmem:s2] =	stream.indirect.scatter.add.f32 [tilespmem:s21], [sflag:$0x3], $0x80, s31, s19, $0xb8;
	[tilespmem:$0x1DE20] =	vst v63  }
0x5a: {  	_ =	swait.ge [sflag:s17], $0x2800  }
0x5b: {  	s28 =	simm.s32 $0x500;
	s26 =	simm.s32 $0xA0;
	[sflag:s17] =	ssyncset.done $0x0  }
.LBB2_4:
0x5c: {  	s29 =	sadd.s32 $0x50, s26  }
0x5d: {  	[sflag:s17] =	ssyncadd.s32 $0xFFFFD800;
	s30 =	smov.u32 s28;
	s31 =	sadd.s32 $0x280, s28  }
0x5e: {  	[tilespmem:s21], [sflag:$0x2] =	stream.indirect.gather [hbm4b:s6+s19], $0x80, s29, s19, $0xb8;
	[tilespmem:$0x1DE20] =	vst v63  }
0x5f: {  	p0 =	sne.s32 s28, $0x9880;
	_ =	swait.ge [sflag:s22], $0x2800  }
0x60: {  	[sflag:s22] =	ssyncset.done $0x0  }
0x61: {  	s28 =	sadd.s32 $0x2710, s26;
	[sflag:s22] =	ssyncadd.s32 $0xFFFFD800  }
0x62: {  	[spmem:s2] =	stream.indirect.scatter.add.f32 [tilespmem:s20], [sflag:$0x3], $0x80, s28, s19, $0xb8;
	[tilespmem:$0x1DE20] =	vst v63  }
0x63: {  	_ =	swait.ge [sflag:s17], $0x2800  }
0x64: {  	[sflag:s17] =	ssyncset.done $0x0  }
0x65: {  	s28 =	sadd.s32 $0xA0, s26;
	[sflag:s17] =	ssyncadd.s32 $0xFFFFD800  }
0x66: {  	[tilespmem:s20], [sflag:$0x1] =	stream.indirect.gather [hbm4b:s6+s19], $0x80, s28, s19, $0xb8;
	[tilespmem:$0x1DE20] =	vst v63  }
0x67: {  	_ =	swait.ge [sflag:s23], $0x2800  }
.Ltmp1:
0x68: {  	[sflag:s23] =	ssyncset.done $0x0;
	(pc) =	sbr.rel @p0 .LBB2_4-.Ltmp1, $4  }
0x69: {  	s26 =	sadd.s32 $0x2760, s26;
	[sflag:s23] =	ssyncadd.s32 $0xFFFFD800  }
0x6a: {  	[spmem:s2] =	stream.indirect.scatter.add.f32 [tilespmem:s21], [sflag:$0x3], $0x80, s26, s19, $0xb8;
	[tilespmem:$0x1DE20] =	vst v63  }
0x6b: {  	_ =	swait.ge [sflag:s17], $0x2800  }
0x6c: {  	s28 =	smov.u32 s31;
	s26 =	sshra.s32 s30, $0x2;
	[sflag:s17] =	ssyncset.done $0x0  }
0x6d: {  	s28 =	sadd.s32 $0x50, s26;
	[sflag:s17] =	ssyncadd.s32 $0xFFFFD800  }
0x6e: {  	[tilespmem:s21], [sflag:$0x2] =	stream.indirect.gather [hbm4b:s6+s19], $0x80, s28, s19, $0xb8;
	[tilespmem:$0x1DE20] =	vst v63  }
0x6f: {  	_ =	swait.ge [sflag:s22], $0x2800  }
0x70: {  	[sflag:s22] =	ssyncset.done $0x0  }
0x71: {  	s30 =	sadd.s32 $0x2710, s26;
	[sflag:s22] =	ssyncadd.s32 $0xFFFFD800  }
0x72: {  	[spmem:s2] =	stream.indirect.scatter.add.f32 [tilespmem:s20], [sflag:$0x3], $0x80, s30, s19, $0xb8;
	[tilespmem:$0x1DE20] =	vst v63  }
0x73: {  	_ =	swait.ge [sflag:s17], $0x2800  }
0x74: {  	[sflag:s17] =	ssyncset.done $0x0  }
0x75: {  	s31 =	sadd.s32 $0xA0, s26;
	[sflag:s17] =	ssyncadd.s32 $0xFFFFD800  }
0x76: {  	[tilespmem:s20], [sflag:$0x1] =	stream.indirect.gather [hbm4b:s6+s19], $0x80, s31, s19, $0xb8;
	[tilespmem:$0x1DE20] =	vst v63  }
0x77: {  	_ =	swait.ge [sflag:s23], $0x2800  }
0x78: {  	[sflag:s23] =	ssyncset.done $0x0  }
0x79: {  	s29 =	sadd.s32 $0x2760, s26;
	[sflag:s23] =	ssyncadd.s32 $0xFFFFD800  }
0x7a: {  	[spmem:s2] =	stream.indirect.scatter.add.f32 [tilespmem:s21], [sflag:$0x3], $0x80, s29, s19, $0xb8;
	[tilespmem:$0x1DE20] =	vst v63  }
0x7b: {  	_ =	swait.ge [sflag:s17], $0x2800  }
0x7c: {  	[sflag:s17] =	ssyncset.done $0x0  }
0x7d: {  	[sflag:s17] =	ssyncadd.s32 $0xFFFFD800  }
0x7e: {  	_ =	swait.ge [sflag:s22], $0x2800  }
0x7f: {  	[sflag:s22] =	ssyncset.done $0x0  }
0x80: {  	[sflag:s22] =	ssyncadd.s32 $0xFFFFD800  }
0x81: {  	[spmem:s2] =	stream.indirect.scatter.add.f32 [tilespmem:s20], [sflag:$0x3], $0x80, s24, s19, $0xb8;
	[tilespmem:$0x1DE20] =	vst v63  }
0x82: {  	_ =	swait.ge [sflag:s17], $0x2800  }
0x83: {  	s25 =	sadd.s32 $0x1, s25;
	s30 =	sshll.u32 s1, $0x6;
	[sflag:s17] =	ssyncset.done $0x0  }
0x84: {  	p0 =	sne.s32 s25, s16;
	s26 =	sor.u32 $0x1C03, s30;
	[sflag:s17] =	ssyncadd.s32 $0xFFFFD800  }
.Ltmp2:
0x85: {  	s31 =	sshrl.u32 s7, $0x3;
	[bflag:$0x0] =	sbarrier.arrive $0xFFFF;
	(pc) =	sbr.rel @p0 .LBB2_1-.Ltmp2, $4  }
0x86: {  	[hbm:s15], [sflag:s26] =	dma.local [spmem:s31], $0x2800  }
0x87: {  	_ =	swait.ge [sflag:s17], $0x2800  }
0x88: {  	[sflag:s17] =	ssyncset.done $0x0  }
0x89: {  	[sflag:s17] =	ssyncadd.s32 $0xFFFFD800  }
0x8a: {  	_ =	sfence.sel $0x180000  }
0x8b: {  	[bflag:$0x0] =	sbarrier.arrive $0xFFFF  }
0x8c: {  	p0 =	sne.s32 s1, $0x0;
	_ =	strace $0x9000004D  }
0x8d: {  	s0 =	sadd.s32 @!p0 $0x100000, s0;
	[bflag:$0x2] =	sbarrier.arrive $0xFFFF  }
0x8e: {  	[sflag:s0] =	ssyncadd.tile.s32 @!p0 $0x1;
	_ =	shalt  }
.Lfunc_end2:
_tile_overlayer_lowered:
.L_overlay_start_2:
0x8f: {  	(tag) =	ssettag $0x2  }
0x90: {  	s0 =	rddreg [dreg:$0x0];
	s2 =	stileid.u32  }
0x91: {  	s1 =	rddreg [dreg:$0x1];
	p0 =	sne.s32 s2, $0x0  }
0x92: {  	s3 =	rddreg [dreg:$0x2];
	[bflag:$0x3] =	sbarrier.arrive $0xFFFF;
	s2 =	simm.s32 @!p0 $0x1C03  }
0x93: {  	[timem:s3], [sflag:s2] =	dma.local @!p0 [hbm:s0], s1  }
0x94: {  	s0 =	simm.s32 @!p0 $0x3  }
0x95: {  	_ =	swait.ge @!p0 [sflag:s0], s1  }
0x96: {  	s1 =	ssub.s32 @!p0 $0x0, s1;
	[sflag:s0] =	ssyncset.done @!p0 $0x0  }
0x97: {  	[sflag:s0] =	ssyncadd.s32 @!p0 s1  }
0x98: {  	[bflag:$0x3] =	sbarrier.arrive $0xFFFF  }
0x99: {  	_ =	shalt  }

// kernel: kernel.18.cloned.1.call-start
scs
__scs_entry_jumppad:
0x0: {  	(pc) =	sbr.rel $0x88, $3  }
0x1: {  	(tag) =	ssettag $0x0;
	lr =	simm.s32 $0x1  }
0x2: {  	[smem:$0x3F92] =	sst lr;
	_ =	strace $0xD0000000  }
0x3: {  	_ = 	snop  }
0x4: {  	_ = 	snop  }
0x5: {  	_ = 	snop  }
0x6: {  	_ = 	snop  }
0x7: {  	_ = 	snop  }
__scs_overlays_trampoline_lowered:
0x8: {  	[smem:$0x3FA1] =	sst s0  }
0x9: {  	[smem:$0x3FA2] =	sst s1  }
0xa: {  	[smem:$0x3FA3] =	sst s2  }
0xb: {  	[smem:$0x3FA4] =	sst s3  }
0xc: {  	[smem:$0x3FA5] =	sst s4  }
0xd: {  	[smem:$0x3FA6] =	sst s5  }
0xe: {  	[smem:$0x3FA7] =	sst s6  }
0xf: {  	[smem:$0x3FA8] =	sst s7  }
0x10: {  	[smem:$0x3FA9] =	sst s8  }
0x11: {  	[smem:$0x3FAA] =	sst s9;
	s0 =	simm.s32 @!p0 $0x0  }
0x12: {  	s1 =	sld [smem:$0x3F90];
	s0 =	simm.s32 @p0 $0x1  }
0x13: {  	[smem:$0x3FAB] =	sst s0;
	s0 =	simm.s32 @!p1 $0x0  }
0x14: {  	s2 =	sld [smem:$0x3F8F];
	s0 =	simm.s32 @p1 $0x1  }
0x15: {  	[smem:$0x3FAC] =	sst s0;
	s0 =	simm.s32 @!p2 $0x0  }
0x16: {  	s3 =	sld [smem:$0x3FDB];
	s0 =	simm.s32 @p2 $0x1  }
0x17: {  	s4 =	simm.s32 $0x1BF5;
	[smem:$0x3FAE] =	sst s0  }
0x18: {  	s0 =	sld [smem:$0x3F91];
	_ =	swait.ge [sflag:s4], $0x0  }
0x19: {  	s7 =	sld [smem:$0x3F92]  }
0x1a: {  	s8 =	sadd.s32 $0xFFFFE003, lr  }
0x1b: {  	s9 =	sadd.s32 $0xFFFFFEF7, lr;
	s5 =	simm.s32 $0xFFFFFFFF;
	p2 =	slt.u32 s8, $0xFFFFF086  }
0x1c: {  	p1 =	slt.u32 s9, $0xF7A;
	s5 =	simm.s32 @!p2 $0x0  }
0x1d: {  	s5 =	simm.s32 @p1 $0x1;
	p0 =	seq.s32 s7, s2  }
0x1e: {  	s7 =	smul.u32 @!p0 $0xF7A, s2;
	p2 =	seq.s32 @!p0 s5, $0x0  }
0x1f: {  	s9 =	smul.u32 $0xF7A, s1;
	s8 =	simm.s32 @!p0 $0x1BF5;
	p2 =	por !p2, p0  }
0x20: {  	[sflag:s8] =	ssyncset.s32 @!p0 $0xFFFFF086;
	s6 =	sadd.s32 @!p0 s3, s7;
	s7 =	simm.s32 @!p0 $0x108  }
0x21: {  	s3 =	sadd.s32 s3, s9;
	s6 =	sadd.s32 @!p0 $0x88, s6;
	s7 =	simm.s32 @p2 $0x1082  }
0x22: {  	[simem:s7], [sflag:s8] =	dma.local @!p0 [hbm:s6], $0xF7A  }
0x23: {  	s9 =	sor.u32 $0xD0000000, s2;
	s6 =	simm.s32 $0x108;
	_ =	swait.ge @!p0 [sflag:s8], $0x0  }
0x24: {  	s3 =	sadd.s32 $0x88, s3;
	s6 =	simm.s32 @!p1 $0x1082;
	[sflag:s4] =	ssyncset.s32 $0xFFFFF086  }
0x25: {  	[simem:s6], [sflag:s4] =	dma.local [hbm:s3], $0xF7A  }
0x26: {  	[smem:$0x3F92] =	sst s1;
	(tag) =	ssettag s2;
	_ =	strace s9  }
0x27: {  	s1 =	sld [smem:$0x3FA2]  }
0x28: {  	s2 =	sld [smem:$0x3FA3]  }
0x29: {  	s4 =	sld [smem:$0x3FA5]  }
0x2a: {  	p0 =	seq.s32 s5, $0x0;
	s5 =	sld [smem:$0x3FA6]  }
0x2b: {  	s6 =	sld [smem:$0x3FA7]  }
0x2c: {  	s7 =	sld [smem:$0x3FA8]  }
0x2d: {  	s3 =	simm.s32 $0x108;
	s8 =	sld [smem:$0x3FA9]  }
0x2e: {  	s3 =	simm.s32 @!p0 $0x1082;
	s9 =	sld [smem:$0x3FAA]  }
0x2f: {  	lr =	sadd.s32 s0, s3;
	s0 =	sld [smem:$0x3FA1]  }
0x30: {  	s3 =	sld [smem:$0x3FA4]  }
0x31: {  	[smem:$0x3FAD] =	sst s10  }
0x32: {  	s10 =	sld [smem:$0x3FAB];
	_ =	sdelay $0x3  }
0x33: {  	p0 =	seq.s32 s10, $0x1;
	s10 =	sld [smem:$0x3FAD];
	_ =	sdelay $0x3  }
0x34: {  	[smem:$0x3FAD] =	sst s10  }
0x35: {  	s10 =	sld [smem:$0x3FAC];
	_ =	sdelay $0x3  }
0x36: {  	p1 =	seq.s32 s10, $0x1;
	s10 =	sld [smem:$0x3FAD];
	_ =	sdelay $0x3  }
0x37: {  	[smem:$0x3FAD] =	sst s10  }
0x38: {  	s10 =	sld [smem:$0x3FAE]  }
0x39: {  	_ = 	snop;
	(pc) =	sbr.ind lr, $3  }
0x3a: {  	_ = 	snop  }
0x3b: {  	_ = 	snop  }
0x3c: {  	p2 =	seq.s32 s10, $0x1;
	s10 =	sld [smem:$0x3FAD]  }
0x3d: {  	_ =	shalt  }
0x3e: {  	_ =	shalt  }
0x3f: {  	_ =	shalt  }
0x40: {  	_ =	shalt  }
0x41: {  	_ =	shalt  }
0x42: {  	_ =	shalt  }
0x43: {  	_ =	shalt  }
0x44: {  	_ =	shalt  }
0x45: {  	_ =	shalt  }
0x46: {  	_ =	shalt  }
0x47: {  	_ =	shalt  }
0x48: {  	_ =	shalt  }
0x49: {  	_ =	shalt  }
0x4a: {  	_ =	shalt  }
0x4b: {  	_ =	shalt  }
0x4c: {  	_ =	shalt  }
0x4d: {  	_ =	shalt  }
0x4e: {  	_ =	shalt  }
0x4f: {  	_ =	shalt  }
0x50: {  	_ =	shalt  }
0x51: {  	_ =	shalt  }
0x52: {  	_ =	shalt  }
0x53: {  	_ =	shalt  }
0x54: {  	_ =	shalt  }
0x55: {  	_ =	shalt  }
0x56: {  	_ =	shalt  }
0x57: {  	_ =	shalt  }
0x58: {  	_ =	shalt  }
0x59: {  	_ =	shalt  }
0x5a: {  	_ =	shalt  }
0x5b: {  	_ =	shalt  }
0x5c: {  	_ =	shalt  }
0x5d: {  	_ =	shalt  }
0x5e: {  	_ =	shalt  }
0x5f: {  	_ =	shalt  }
0x60: {  	_ =	shalt  }
0x61: {  	_ =	shalt  }
0x62: {  	_ =	shalt  }
0x63: {  	_ =	shalt  }
0x64: {  	_ =	shalt  }
0x65: {  	_ =	shalt  }
0x66: {  	_ =	shalt  }
0x67: {  	_ =	shalt  }
0x68: {  	_ =	shalt  }
0x69: {  	_ =	shalt  }
0x6a: {  	_ =	shalt  }
0x6b: {  	_ =	shalt  }
0x6c: {  	_ =	shalt  }
0x6d: {  	_ =	shalt  }
0x6e: {  	_ =	shalt  }
0x6f: {  	_ =	shalt  }
0x70: {  	_ =	shalt  }
0x71: {  	_ =	shalt  }
0x72: {  	_ =	shalt  }
0x73: {  	_ =	shalt  }
0x74: {  	_ =	shalt  }
0x75: {  	_ =	shalt  }
0x76: {  	_ =	shalt  }
0x77: {  	_ =	shalt  }
0x78: {  	_ =	shalt  }
0x79: {  	_ =	shalt  }
0x7a: {  	_ =	shalt  }
0x7b: {  	_ =	shalt  }
0x7c: {  	_ =	shalt  }
0x7d: {  	_ =	shalt  }
0x7e: {  	_ =	shalt  }
0x7f: {  	_ =	shalt  }
0x80: {  	_ =	shalt  }
0x81: {  	_ =	shalt  }
0x82: {  	_ =	shalt  }
0x83: {  	_ =	shalt  }
0x84: {  	_ =	shalt  }
0x85: {  	_ =	shalt  }
0x86: {  	_ =	shalt  }
0x87: {  	_ =	shalt  }
.Lfunc_end0:
.L_simem_size_0:
called_computation.3_lowered:
.L_overlay_start_0:
0x88: {  	s2 =	sld [smem:$0x3FD9]  }
0x89: {  	s3 =	sld [smem:$0x3FFE];
	_ =	sdelay $0x1  }
0x8a: {  	s1 =	srdreg.scid  }
0x8b: {  	s0 =	sand.u32 $0x1, s1  }
0x8c: {  	s17 =	sshll.u32 s0, $0xA;
	s2 =	sadd.s32 s3, s2  }
0x8d: {  	s2 =	sadd.s32 s2, s17  }
0x8e: {  	[smem:$0x3FB9] =	sst s2  }
0x8f: {  	_ = 	snop  }
0x90: {  	s2 =	sld [smem:$0x3FD0];
	(tm) =	ssettm $0x1  }
0x91: {  	s18 =	sld [smem:$0x3FFB];
	_ =	sdelay $0x3  }
0x92: {  	_ =	strace s18  }
0x93: {  	s3 =	sld [smem:$0x3FFC];
	_ =	sdelay $0x3  }
0x94: {  	_ =	strace s3  }
0x95: {  	s3 =	sld [smem:$0x3FFD];
	_ =	sdelay $0x3  }
0x96: {  	_ =	strace s3  }
0x97: {  	_ =	strace $0x8FFFFFFF  }
0x98: {  	s19 =	sld [smem:$0x3FDB];
	_ =	sdelay $0x1  }
0x99: {  	s4 =	simm.s32 $_scs_section_size  }
0x9a: {  	s5 =	simm.s32 $_size__tile_overlayer_lowered;
	s6 =	simm.s32 $_tile_overlayer_lowered  }
0x9b: {  	s22 =	simm.s32 $0x1BFF;
	s21 =	sshll.u32 s6, $0x1;
	s3 =	sadd.s32 s4, s19  }
0x9c: {  	s7 =	simm.s32 $0x0;
	s20 =	sshll.u32 s5, $0x1;
	s5 =	sadd.s32 s21, s3  }
0x9d: {  	[timem:s7], [sflag:s22] =	dma.local [hbm:s5], s20  }
0x9e: {  	_ =	swait.ge [sflag:s22], s20  }
0x9f: {  	s4 =	ssub.s32 $0x0, s20;
	[sflag:s22] =	ssyncset.done $0x0  }
0xa0: {  	[sflag:s22] =	ssyncadd.s32 s4;
	_ =	sdelay $0x1  }
0xa1: {  	s23 =	simm.s32 $0x1B8B  }
0xa2: {  	_ =	swait.ge [sflag:s23], $0x1  }
0xa3: {  	[sflag:s23] =	ssyncset.done $0x0  }
0xa4: {  	s25 =	simm.s32 $0x1B8E;
	s24 =	sld [smem:$0x3FFE];
	[sflag:s23] =	ssyncadd.s32 $0xFFFFFFFF  }
0xa5: {  	s26 =	simm.s32 $execute0_lowered;
	[smem:$0x3FD2] =	sst s25  }
0xa6: {  	s5 =	sshll.u32 s26, $0x1;
	_ =	strace $0x8000004F;
	[dreg:$0x1] =	wrdreg $0xFFFFFFFF  }
0xa7: {  	s28 =	simm.s32 $_size_execute0_lowered;
	s3 =	sadd.s32 s3, s5;
	[dreg:$0x0] =	wrdreg $0x0  }
0xa8: {  	s5 =	sshll.u32 s28, $0x1;
	[dreg:$0x2] =	wrdreg s3  }
0xa9: {  	[dreg:$0x3] =	wrdreg s5  }
0xaa: {  	[dreg:$0x4] =	wrdreg $0xC0  }
0xab: {  	_ =	task [dreg:s7], $0x5FFFF  }
0xac: {  	[dreg:$0x1] =	wrdreg $0xFFFFFFFF  }
0xad: {  	[dreg:$0x0] =	wrdreg $0x60  }
0xae: {  	[dreg:$0x2] =	wrdreg s2  }
0xaf: {  	[dreg:$0x3] =	wrdreg s24  }
0xb0: {  	[dreg:$0x4] =	wrdreg $0x9E200  }
0xb1: {  	[dreg:$0x5] =	wrdreg $0x9  }
0xb2: {  	_ =	task.clear_ibuf [dreg:s7], $0x6FFFF;
	_ =	strace $0x9000004F  }
0xb3: {  	s29 =	simm.s32 $0x9;
	_ =	strace $0x80000051  }
0xb4: {  	_ =	swait.ge [sflag:s29], $0x1  }
0xb5: {  	[sflag:s29] =	ssyncadd.s32 $0xFFFFFFFF  }
0xb6: {  	_ =	strace $0x90000051  }
0xb7: {  	_ =	sfence  }
0xb8: {  	s30 =	sld [smem:$0x0];
	_ =	sdelay $0x2  }
0xb9: {  	s31 =	sshll.u32 s1, $0xD;
	s1 =	sshrl.u32 s1, $0x2  }
0xba: {  	s3 =	sand.u32 $0x4000, s31;
	s1 =	sadd.s32 s1, s30  }
0xbb: {  	s0 =	sor.u32 s3, s0;
	s1 =	sshll.u32 s1, $0x11  }
0xbc: {  	s0 =	sor.u32 s1, s0  }
0xbd: {  	s0 =	sadd.s32 $0x8F2B, s0  }
0xbe: {  	[sflag:s0] =	ssyncadd.remote.s32 $0x1  }
0xbf: {  	_ =	sfence.sel $0xFFFF  }
0xc0: {  	[dreg:$0x0] =	wrdreg $0xFFFFFFFF;
	(pc) =	sbr.abs _section_cstart, $3  }
0xc1: {  	[dreg:$0x1] =	wrdreg $0xFFFFFFFF  }
0xc2: {  	_ =	task.clear_ibuf [dreg:s7], $0x2FFFF;
	_ =	strace $0x9FFFFFFF  }
0xc3: {  	(tm) =	ssettm $0x7FFFFFFF  }
tec
execute0_lowered:
.L_overlay_start_1:
0x0: {  	(tag) =	ssettag $0x1  }
0x1: {  	s6 =	rddreg [dreg:$0x0]  }
0x2: {  	s4 =	rddreg [dreg:$0x1]  }
0x3: {  	s2 =	rddreg [dreg:$0x2]  }
0x4: {  	s0 =	rddreg [dreg:$0x3]  }
0x5: {  	s1 =	stileid.u32;
	s7 =	srdreg.scid;
	s3 =	simm.s32 $0x0  }
0x6: {  	s17 =	simm.s32 $0x3;
	s18 =	simm.s32 $0x2710;
	s19 =	simm.s32 $0x50  }
0x7: {  	s20 =	simm.s32 $0x4E20;
	s21 =	simm.s32 $0x7620;
	s5 =	smul.u32 $0x4E2, s1  }
0x8: {  	s22 =	simm.s32 $0x1;
	s23 =	simm.s32 $0x2;
	s8 =	smul.u32 $0x14000, s1  }
0x9: {  	s24 =	simm.s32 $0x4DD0;
	s7 =	sand.u32 $0x1, s7;
	s12 =	smul.u32 $0x50000, s1  }
0xa: {  	s25 =	simm.s32 $0x0;
	[smem:$0x7FF] =	sst s3;
	s9 =	smul.u32 $0x140000, s7  }
0xb: {  	_ =	strace $0x80000050;
	s10 =	ssub.s32 $0x2, s7;
	s7 =	smul.u32 $0x27100, s7  }
0xc: {  	s5 =	sadd.s32 s5, s4;
	s11 =	sshrl.u32 s10, $0x1;
	s31 =	sshrl.u32 s12, $0x2  }
0xd: {  	s9 =	sadd.s32 s8, s9;
	s16 =	ssub.s32 s10, s11;
	s6 =	sadd.s32 s6, s7  }
0xe: {  	s7 =	sadd.s32 s8, s2;
	s14 =	sadd.s32 s31, s2;
	s9 =	sshrl.u32 s9, $0x3  }
0xf: {  	s8 =	sadd.s32 $0x2800, s14;
	s10 =	sadd.s32 $0x7800, s14;
	s11 =	sadd.s32 $0xA000, s14  }
0x10: {  	s12 =	sadd.s32 $0xC800, s14;
	s13 =	sadd.s32 $0xF000, s14;
	s16 =	smax.u32 s16, $0x1  }
0x11: {  	s15 =	sadd.s32 s9, s4;
	s4 =	sadd.s32 $0x3E00, s5;
	s5 =	sadd.s32 $0x8E00, s5  }
0x12: {  	v0 =	vimm.f32 $0.0e+00;
	s9 =	sadd.s32 $0x5000, s14;
	s14 =	sadd.s32 $0x11800, s14;
	s15 =	sadd.s32 $0xDE00, s15  }
.LBB2_1:
0x13: {  	[tilespmem:s3], [sflag:$0x3] =	stream.linear.gather [hbm4b:s4+s3], $0x2710, $0x38;
	[tilespmem:$0x1DE20] =	vst v63  }
0x14: {  	_ =	swait.ge [sflag:s17], $0x2710  }
0x15: {  	[sflag:s17] =	ssyncset.done $0x0  }
0x16: {  	[sflag:s17] =	ssyncadd.s32 $0xFFFFD8F0  }
0x17: {  	[tilespmem:s18], [sflag:$0x3] =	stream.linear.gather [hbm4b:s5+s3], $0x2710, $0x38;
	[tilespmem:$0x1DE20] =	vst v63  }
0x18: {  	_ =	swait.ge [sflag:s17], $0x2710  }
0x19: {  	[sflag:s17] =	ssyncset.done $0x0  }
0x1a: {  	s26 =	simm.s32 $0x0;
	s28 =	simm.s32 $0x200;
	[sflag:s17] =	ssyncadd.s32 $0xFFFFD8F0  }
0x1b: {  	[tilespmem:s20], [sflag:$0x1] =	stream.indirect.gather [hbm4b:s6+s19], $0x80, s3, s19, $0xb8;
	[tilespmem:$0x1DE20] =	vst v63  }
.LBB2_2:
0x1c: {  	p0 =	sne.s32 s28, $0x9E00;
	[tilespmem:s26+$0x7690] =	vst v0  }
0x1d: {  	[tilespmem:s26+$0x7620] =	vst v0  }
0x1e: {  	[tilespmem:s26+$0x7630] =	vst v0  }
.Ltmp0:
0x1f: {  	[tilespmem:s26+$0x7640] =	vst v0;
	(pc) =	sbr.rel @p0 .LBB2_2-.Ltmp0, $4  }
0x20: {  	[tilespmem:s26+$0x7650] =	vst v0  }
0x21: {  	[tilespmem:s26+$0x7660] =	vst v0  }
0x22: {  	[tilespmem:s26+$0x7670] =	vst v0  }
0x23: {  	[tilespmem:s26+$0x7680] =	vst v0;
	s26 =	sshra.s32 s28, $0x2;
	s28 =	sadd.s32 $0x200, s28  }
0x24: {  	[tilespmem:s26+$0x7690] =	vst v0  }
0x25: {  	[tilespmem:s26+$0x7620] =	vst v0  }
0x26: {  	[tilespmem:s26+$0x7630] =	vst v0  }
0x27: {  	[tilespmem:s26+$0x7640] =	vst v0  }
0x28: {  	[tilespmem:s26+$0x7650] =	vst v0  }
0x29: {  	[tilespmem:s26+$0x7660] =	vst v0  }
0x2a: {  	[tilespmem:s26+$0x7670] =	vst v0  }
0x2b: {  	[tilespmem:s26+$0x7680] =	vst v0  }
0x2c: {  	[spmem:s7] =	stream.linear.scatter [tilespmem:s21], [sflag:$0x3], $0x2800, $0x38;
	[tilespmem:$0x1DE20] =	vst v63  }
0x2d: {  	_ =	swait.ge [sflag:s17], $0x2800  }
0x2e: {  	[sflag:s17] =	ssyncset.done $0x0  }
0x2f: {  	[sflag:s17] =	ssyncadd.s32 $0xFFFFD800  }
0x30: {  	[spmem:s8] =	stream.linear.scatter [tilespmem:s21], [sflag:$0x3], $0x2800, $0x38;
	[tilespmem:$0x1DE20] =	vst v63  }
0x31: {  	_ =	swait.ge [sflag:s17], $0x2800  }
0x32: {  	[sflag:s17] =	ssyncset.done $0x0  }
0x33: {  	[sflag:s17] =	ssyncadd.s32 $0xFFFFD800  }
0x34: {  	[spmem:s9] =	stream.linear.scatter [tilespmem:s21], [sflag:$0x3], $0x2800, $0x38;
	[tilespmem:$0x1DE20] =	vst v63  }
0x35: {  	_ =	swait.ge [sflag:s17], $0x2800  }
0x36: {  	[sflag:s17] =	ssyncset.done $0x0  }
0x37: {  	[sflag:s17] =	ssyncadd.s32 $0xFFFFD800  }
0x38: {  	[spmem:s10] =	stream.linear.scatter [tilespmem:s21], [sflag:$0x3], $0x2800, $0x38;
	[tilespmem:$0x1DE20] =	vst v63  }
0x39: {  	_ =	swait.ge [sflag:s17], $0x2800  }
0x3a: {  	[sflag:s17] =	ssyncset.done $0x0  }
0x3b: {  	[sflag:s17] =	ssyncadd.s32 $0xFFFFD800  }
0x3c: {  	[spmem:s11] =	stream.linear.scatter [tilespmem:s21], [sflag:$0x3], $0x2800, $0x38;
	[tilespmem:$0x1DE20] =	vst v63  }
0x3d: {  	_ =	swait.ge [sflag:s17], $0x2800  }
0x3e: {  	[sflag:s17] =	ssyncset.done $0x0  }
0x3f: {  	[sflag:s17] =	ssyncadd.s32 $0xFFFFD800  }
0x40: {  	[spmem:s12] =	stream.linear.scatter [tilespmem:s21], [sflag:$0x3], $0x2800, $0x38;
	[tilespmem:$0x1DE20] =	vst v63  }
0x41: {  	_ =	swait.ge [sflag:s17], $0x2800  }
0x42: {  	[sflag:s17] =	ssyncset.done $0x0  }
0x43: {  	[sflag:s17] =	ssyncadd.s32 $0xFFFFD800  }
0x44: {  	[spmem:s13] =	stream.linear.scatter [tilespmem:s21], [sflag:$0x3], $0x2800, $0x38;
	[tilespmem:$0x1DE20] =	vst v63  }
0x45: {  	_ =	swait.ge [sflag:s17], $0x2800  }
0x46: {  	[sflag:s17] =	ssyncset.done $0x0  }
0x47: {  	[sflag:s17] =	ssyncadd.s32 $0xFFFFD800  }
0x48: {  	[spmem:s14] =	stream.linear.scatter [tilespmem:s21], [sflag:$0x3], $0x2800, $0x38;
	[tilespmem:$0x1DE20] =	vst v63  }
0x49: {  	_ =	swait.ge [sflag:s17], $0x2800  }
0x4a: {  	[sflag:s17] =	ssyncset.done $0x0  }
0x4b: {  	[sflag:s17] =	ssyncadd.s32 $0xFFFFD800  }
0x4c: {  	s31 =	simm.s32 $0x50;
	[bflag:$0x0] =	sbarrier.arrive $0xFFFF  }
0x4d: {  	[tilespmem:s21], [sflag:$0x2] =	stream.indirect.gather [hbm4b:s6+s19], $0x80, s31, s19, $0xb8;
	[tilespmem:$0x1DE20] =	vst v63  }
0x4e: {  	_ =	swait.ge [sflag:s22], $0x2800  }
0x4f: {  	[sflag:s22] =	ssyncset.done $0x0  }
0x50: {  	s29 =	simm.s32 $0x2710;
	[sflag:s22] =	ssyncadd.s32 $0xFFFFD800  }
0x51: {  	[spmem:s2] =	stream.indirect.scatter.add.f32 [tilespmem:s20], [sflag:$0x3], $0x80, s29, s19, $0xb8;
	[tilespmem:$0x1DE20] =	vst v63  }
0x52: {  	_ =	swait.ge [sflag:s17], $0x2800  }
0x53: {  	[sflag:s17] =	ssyncset.done $0x0  }
0x54: {  	s30 =	simm.s32 $0xA0;
	[sflag:s17] =	ssyncadd.s32 $0xFFFFD800  }
0x55: {  	[tilespmem:s20], [sflag:$0x1] =	stream.indirect.gather [hbm4b:s6+s19], $0x80, s30, s19, $0xb8;
	[tilespmem:$0x1DE20] =	vst v63  }
0x56: {  	_ =	swait.ge [sflag:s23], $0x2800  }
0x57: {  	[sflag:s23] =	ssyncset.done $0x0  }
0x58: {  	s31 =	simm.s32 $0x2760;
	[sflag:s23] =	ssyncadd.s32 $0xFFFFD800  }
0x59: {  	[spmem:s2] =	stream.indirect.scatter.add.f32 [tilespmem:s21], [sflag:$0x3], $0x80, s31, s19, $0xb8;
	[tilespmem:$0x1DE20] =	vst v63  }
0x5a: {  	_ =	swait.ge [sflag:s17], $0x2800  }
0x5b: {  	s28 =	simm.s32 $0x500;
	s26 =	simm.s32 $0xA0;
	[sflag:s17] =	ssyncset.done $0x0  }
.LBB2_4:
0x5c: {  	s29 =	sadd.s32 $0x50, s26  }
0x5d: {  	[sflag:s17] =	ssyncadd.s32 $0xFFFFD800;
	s30 =	smov.u32 s28;
	s31 =	sadd.s32 $0x280, s28  }
0x5e: {  	[tilespmem:s21], [sflag:$0x2] =	stream.indirect.gather [hbm4b:s6+s19], $0x80, s29, s19, $0xb8;
	[tilespmem:$0x1DE20] =	vst v63  }
0x5f: {  	p0 =	sne.s32 s28, $0x9880;
	_ =	swait.ge [sflag:s22], $0x2800  }
0x60: {  	[sflag:s22] =	ssyncset.done $0x0  }
0x61: {  	s28 =	sadd.s32 $0x2710, s26;
	[sflag:s22] =	ssyncadd.s32 $0xFFFFD800  }
0x62: {  	[spmem:s2] =	stream.indirect.scatter.add.f32 [tilespmem:s20], [sflag:$0x3], $0x80, s28, s19, $0xb8;
	[tilespmem:$0x1DE20] =	vst v63  }
0x63: {  	_ =	swait.ge [sflag:s17], $0x2800  }
0x64: {  	[sflag:s17] =	ssyncset.done $0x0  }
0x65: {  	s28 =	sadd.s32 $0xA0, s26;
	[sflag:s17] =	ssyncadd.s32 $0xFFFFD800  }
0x66: {  	[tilespmem:s20], [sflag:$0x1] =	stream.indirect.gather [hbm4b:s6+s19], $0x80, s28, s19, $0xb8;
	[tilespmem:$0x1DE20] =	vst v63  }
0x67: {  	_ =	swait.ge [sflag:s23], $0x2800  }
.Ltmp1:
0x68: {  	[sflag:s23] =	ssyncset.done $0x0;
	(pc) =	sbr.rel @p0 .LBB2_4-.Ltmp1, $4  }
0x69: {  	s26 =	sadd.s32 $0x2760, s26;
	[sflag:s23] =	ssyncadd.s32 $0xFFFFD800  }
0x6a: {  	[spmem:s2] =	stream.indirect.scatter.add.f32 [tilespmem:s21], [sflag:$0x3], $0x80, s26, s19, $0xb8;
	[tilespmem:$0x1DE20] =	vst v63  }
0x6b: {  	_ =	swait.ge [sflag:s17], $0x2800  }
0x6c: {  	s28 =	smov.u32 s31;
	s26 =	sshra.s32 s30, $0x2;
	[sflag:s17] =	ssyncset.done $0x0  }
0x6d: {  	s28 =	sadd.s32 $0x50, s26;
	[sflag:s17] =	ssyncadd.s32 $0xFFFFD800  }
0x6e: {  	[tilespmem:s21], [sflag:$0x2] =	stream.indirect.gather [hbm4b:s6+s19], $0x80, s28, s19, $0xb8;
	[tilespmem:$0x1DE20] =	vst v63  }
0x6f: {  	_ =	swait.ge [sflag:s22], $0x2800  }
0x70: {  	[sflag:s22] =	ssyncset.done $0x0  }
0x71: {  	s30 =	sadd.s32 $0x2710, s26;
	[sflag:s22] =	ssyncadd.s32 $0xFFFFD800  }
0x72: {  	[spmem:s2] =	stream.indirect.scatter.add.f32 [tilespmem:s20], [sflag:$0x3], $0x80, s30, s19, $0xb8;
	[tilespmem:$0x1DE20] =	vst v63  }
0x73: {  	_ =	swait.ge [sflag:s17], $0x2800  }
0x74: {  	[sflag:s17] =	ssyncset.done $0x0  }
0x75: {  	s31 =	sadd.s32 $0xA0, s26;
	[sflag:s17] =	ssyncadd.s32 $0xFFFFD800  }
0x76: {  	[tilespmem:s20], [sflag:$0x1] =	stream.indirect.gather [hbm4b:s6+s19], $0x80, s31, s19, $0xb8;
	[tilespmem:$0x1DE20] =	vst v63  }
0x77: {  	_ =	swait.ge [sflag:s23], $0x2800  }
0x78: {  	[sflag:s23] =	ssyncset.done $0x0  }
0x79: {  	s29 =	sadd.s32 $0x2760, s26;
	[sflag:s23] =	ssyncadd.s32 $0xFFFFD800  }
0x7a: {  	[spmem:s2] =	stream.indirect.scatter.add.f32 [tilespmem:s21], [sflag:$0x3], $0x80, s29, s19, $0xb8;
	[tilespmem:$0x1DE20] =	vst v63  }
0x7b: {  	_ =	swait.ge [sflag:s17], $0x2800  }
0x7c: {  	[sflag:s17] =	ssyncset.done $0x0  }
0x7d: {  	[sflag:s17] =	ssyncadd.s32 $0xFFFFD800  }
0x7e: {  	_ =	swait.ge [sflag:s22], $0x2800  }
0x7f: {  	[sflag:s22] =	ssyncset.done $0x0  }
0x80: {  	[sflag:s22] =	ssyncadd.s32 $0xFFFFD800  }
0x81: {  	[spmem:s2] =	stream.indirect.scatter.add.f32 [tilespmem:s20], [sflag:$0x3], $0x80, s24, s19, $0xb8;
	[tilespmem:$0x1DE20] =	vst v63  }
0x82: {  	_ =	swait.ge [sflag:s17], $0x2800  }
0x83: {  	s25 =	sadd.s32 $0x1, s25;
	s30 =	sshll.u32 s1, $0x6;
	[sflag:s17] =	ssyncset.done $0x0  }
0x84: {  	p0 =	sne.s32 s25, s16;
	s26 =	sor.u32 $0x1C03, s30;
	[sflag:s17] =	ssyncadd.s32 $0xFFFFD800  }
.Ltmp2:
0x85: {  	s31 =	sshrl.u32 s7, $0x3;
	[bflag:$0x0] =	sbarrier.arrive $0xFFFF;
	(pc) =	sbr.rel @p0 .LBB2_1-.Ltmp2, $4  }
0x86: {  	[hbm:s15], [sflag:s26] =	dma.local [spmem:s31], $0x2800  }
0x87: {  	_ =	swait.ge [sflag:s17], $0x2800  }
0x88: {  	[sflag:s17] =	ssyncset.done $0x0  }
0x89: {  	[sflag:s17] =	ssyncadd.s32 $0xFFFFD800  }
0x8a: {  	_ =	sfence.sel $0x180000  }
0x8b: {  	[bflag:$0x0] =	sbarrier.arrive $0xFFFF  }
0x8c: {  	p0 =	sne.s32 s1, $0x0;
	_ =	strace $0x90000050  }
0x8d: {  	s0 =	sadd.s32 @!p0 $0x100000, s0;
	[bflag:$0x2] =	sbarrier.arrive $0xFFFF  }
0x8e: {  	[sflag:s0] =	ssyncadd.tile.s32 @!p0 $0x1;
	_ =	shalt  }
.Lfunc_end2:
_tile_overlayer_lowered:
.L_overlay_start_2:
0x8f: {  	(tag) =	ssettag $0x2  }
0x90: {  	s0 =	rddreg [dreg:$0x0];
	s2 =	stileid.u32  }
0x91: {  	s1 =	rddreg [dreg:$0x1];
	p0 =	sne.s32 s2, $0x0  }
0x92: {  	s3 =	rddreg [dreg:$0x2];
	[bflag:$0x3] =	sbarrier.arrive $0xFFFF;
	s2 =	simm.s32 @!p0 $0x1C03  }
0x93: {  	[timem:s3], [sflag:s2] =	dma.local @!p0 [hbm:s0], s1  }
0x94: {  	s0 =	simm.s32 @!p0 $0x3  }
0x95: {  	_ =	swait.ge @!p0 [sflag:s0], s1  }
0x96: {  	s1 =	ssub.s32 @!p0 $0x0, s1;
	[sflag:s0] =	ssyncset.done @!p0 $0x0  }
0x97: {  	[sflag:s0] =	ssyncadd.s32 @!p0 s1  }
0x98: {  	[bflag:$0x3] =	sbarrier.arrive $0xFFFF  }
0x99: {  	_ =	shalt  }

// kernel: kernel.9.cloned.1.call-start
scs
__scs_entry_jumppad:
0x0: {  	(pc) =	sbr.rel $0x88, $3  }
0x1: {  	(tag) =	ssettag $0x0;
	lr =	simm.s32 $0x1  }
0x2: {  	[smem:$0x3F92] =	sst lr;
	_ =	strace $0xD0000000  }
0x3: {  	_ = 	snop  }
0x4: {  	_ = 	snop  }
0x5: {  	_ = 	snop  }
0x6: {  	_ = 	snop  }
0x7: {  	_ = 	snop  }
__scs_overlays_trampoline_lowered:
0x8: {  	[smem:$0x3FA1] =	sst s0  }
0x9: {  	[smem:$0x3FA2] =	sst s1  }
0xa: {  	[smem:$0x3FA3] =	sst s2  }
0xb: {  	[smem:$0x3FA4] =	sst s3  }
0xc: {  	[smem:$0x3FA5] =	sst s4  }
0xd: {  	[smem:$0x3FA6] =	sst s5  }
0xe: {  	[smem:$0x3FA7] =	sst s6  }
0xf: {  	[smem:$0x3FA8] =	sst s7  }
0x10: {  	[smem:$0x3FA9] =	sst s8  }
0x11: {  	[smem:$0x3FAA] =	sst s9;
	s0 =	simm.s32 @!p0 $0x0  }
0x12: {  	s1 =	sld [smem:$0x3F90];
	s0 =	simm.s32 @p0 $0x1  }
0x13: {  	[smem:$0x3FAB] =	sst s0;
	s0 =	simm.s32 @!p1 $0x0  }
0x14: {  	s2 =	sld [smem:$0x3F8F];
	s0 =	simm.s32 @p1 $0x1  }
0x15: {  	[smem:$0x3FAC] =	sst s0;
	s0 =	simm.s32 @!p2 $0x0  }
0x16: {  	s3 =	sld [smem:$0x3FDB];
	s0 =	simm.s32 @p2 $0x1  }
0x17: {  	s4 =	simm.s32 $0x1BF5;
	[smem:$0x3FAE] =	sst s0  }
0x18: {  	s0 =	sld [smem:$0x3F91];
	_ =	swait.ge [sflag:s4], $0x0  }
0x19: {  	s7 =	sld [smem:$0x3F92]  }
0x1a: {  	s8 =	sadd.s32 $0xFFFFE003, lr  }
0x1b: {  	s9 =	sadd.s32 $0xFFFFFEF7, lr;
	s5 =	simm.s32 $0xFFFFFFFF;
	p2 =	slt.u32 s8, $0xFFFFF086  }
0x1c: {  	p1 =	slt.u32 s9, $0xF7A;
	s5 =	simm.s32 @!p2 $0x0  }
0x1d: {  	s5 =	simm.s32 @p1 $0x1;
	p0 =	seq.s32 s7, s2  }
0x1e: {  	s7 =	smul.u32 @!p0 $0xF7A, s2;
	p2 =	seq.s32 @!p0 s5, $0x0  }
0x1f: {  	s9 =	smul.u32 $0xF7A, s1;
	s8 =	simm.s32 @!p0 $0x1BF5;
	p2 =	por !p2, p0  }
0x20: {  	[sflag:s8] =	ssyncset.s32 @!p0 $0xFFFFF086;
	s6 =	sadd.s32 @!p0 s3, s7;
	s7 =	simm.s32 @!p0 $0x108  }
0x21: {  	s3 =	sadd.s32 s3, s9;
	s6 =	sadd.s32 @!p0 $0x88, s6;
	s7 =	simm.s32 @p2 $0x1082  }
0x22: {  	[simem:s7], [sflag:s8] =	dma.local @!p0 [hbm:s6], $0xF7A  }
0x23: {  	s9 =	sor.u32 $0xD0000000, s2;
	s6 =	simm.s32 $0x108;
	_ =	swait.ge @!p0 [sflag:s8], $0x0  }
0x24: {  	s3 =	sadd.s32 $0x88, s3;
	s6 =	simm.s32 @!p1 $0x1082;
	[sflag:s4] =	ssyncset.s32 $0xFFFFF086  }
0x25: {  	[simem:s6], [sflag:s4] =	dma.local [hbm:s3], $0xF7A  }
0x26: {  	[smem:$0x3F92] =	sst s1;
	(tag) =	ssettag s2;
	_ =	strace s9  }
0x27: {  	s1 =	sld [smem:$0x3FA2]  }
0x28: {  	s2 =	sld [smem:$0x3FA3]  }
0x29: {  	s4 =	sld [smem:$0x3FA5]  }
0x2a: {  	p0 =	seq.s32 s5, $0x0;
	s5 =	sld [smem:$0x3FA6]  }
0x2b: {  	s6 =	sld [smem:$0x3FA7]  }
0x2c: {  	s7 =	sld [smem:$0x3FA8]  }
0x2d: {  	s3 =	simm.s32 $0x108;
	s8 =	sld [smem:$0x3FA9]  }
0x2e: {  	s3 =	simm.s32 @!p0 $0x1082;
	s9 =	sld [smem:$0x3FAA]  }
0x2f: {  	lr =	sadd.s32 s0, s3;
	s0 =	sld [smem:$0x3FA1]  }
0x30: {  	s3 =	sld [smem:$0x3FA4]  }
0x31: {  	[smem:$0x3FAD] =	sst s10  }
0x32: {  	s10 =	sld [smem:$0x3FAB];
	_ =	sdelay $0x3  }
0x33: {  	p0 =	seq.s32 s10, $0x1;
	s10 =	sld [smem:$0x3FAD];
	_ =	sdelay $0x3  }
0x34: {  	[smem:$0x3FAD] =	sst s10  }
0x35: {  	s10 =	sld [smem:$0x3FAC];
	_ =	sdelay $0x3  }
0x36: {  	p1 =	seq.s32 s10, $0x1;
	s10 =	sld [smem:$0x3FAD];
	_ =	sdelay $0x3  }
0x37: {  	[smem:$0x3FAD] =	sst s10  }
0x38: {  	s10 =	sld [smem:$0x3FAE]  }
0x39: {  	_ = 	snop;
	(pc) =	sbr.ind lr, $3  }
0x3a: {  	_ = 	snop  }
0x3b: {  	_ = 	snop  }
0x3c: {  	p2 =	seq.s32 s10, $0x1;
	s10 =	sld [smem:$0x3FAD]  }
0x3d: {  	_ =	shalt  }
0x3e: {  	_ =	shalt  }
0x3f: {  	_ =	shalt  }
0x40: {  	_ =	shalt  }
0x41: {  	_ =	shalt  }
0x42: {  	_ =	shalt  }
0x43: {  	_ =	shalt  }
0x44: {  	_ =	shalt  }
0x45: {  	_ =	shalt  }
0x46: {  	_ =	shalt  }
0x47: {  	_ =	shalt  }
0x48: {  	_ =	shalt  }
0x49: {  	_ =	shalt  }
0x4a: {  	_ =	shalt  }
0x4b: {  	_ =	shalt  }
0x4c: {  	_ =	shalt  }
0x4d: {  	_ =	shalt  }
0x4e: {  	_ =	shalt  }
0x4f: {  	_ =	shalt  }
0x50: {  	_ =	shalt  }
0x51: {  	_ =	shalt  }
0x52: {  	_ =	shalt  }
0x53: {  	_ =	shalt  }
0x54: {  	_ =	shalt  }
0x55: {  	_ =	shalt  }
0x56: {  	_ =	shalt  }
0x57: {  	_ =	shalt  }
0x58: {  	_ =	shalt  }
0x59: {  	_ =	shalt  }
0x5a: {  	_ =	shalt  }
0x5b: {  	_ =	shalt  }
0x5c: {  	_ =	shalt  }
0x5d: {  	_ =	shalt  }
0x5e: {  	_ =	shalt  }
0x5f: {  	_ =	shalt  }
0x60: {  	_ =	shalt  }
0x61: {  	_ =	shalt  }
0x62: {  	_ =	shalt  }
0x63: {  	_ =	shalt  }
0x64: {  	_ =	shalt  }
0x65: {  	_ =	shalt  }
0x66: {  	_ =	shalt  }
0x67: {  	_ =	shalt  }
0x68: {  	_ =	shalt  }
0x69: {  	_ =	shalt  }
0x6a: {  	_ =	shalt  }
0x6b: {  	_ =	shalt  }
0x6c: {  	_ =	shalt  }
0x6d: {  	_ =	shalt  }
0x6e: {  	_ =	shalt  }
0x6f: {  	_ =	shalt  }
0x70: {  	_ =	shalt  }
0x71: {  	_ =	shalt  }
0x72: {  	_ =	shalt  }
0x73: {  	_ =	shalt  }
0x74: {  	_ =	shalt  }
0x75: {  	_ =	shalt  }
0x76: {  	_ =	shalt  }
0x77: {  	_ =	shalt  }
0x78: {  	_ =	shalt  }
0x79: {  	_ =	shalt  }
0x7a: {  	_ =	shalt  }
0x7b: {  	_ =	shalt  }
0x7c: {  	_ =	shalt  }
0x7d: {  	_ =	shalt  }
0x7e: {  	_ =	shalt  }
0x7f: {  	_ =	shalt  }
0x80: {  	_ =	shalt  }
0x81: {  	_ =	shalt  }
0x82: {  	_ =	shalt  }
0x83: {  	_ =	shalt  }
0x84: {  	_ =	shalt  }
0x85: {  	_ =	shalt  }
0x86: {  	_ =	shalt  }
0x87: {  	_ =	shalt  }
.Lfunc_end0:
.L_simem_size_0:
called_computation_lowered:
.L_overlay_start_0:
0x88: {  	s2 =	sld [smem:$0x3FD9]  }
0x89: {  	s3 =	sld [smem:$0x3FFE];
	_ =	sdelay $0x1  }
0x8a: {  	s1 =	srdreg.scid  }
0x8b: {  	s0 =	sand.u32 $0x1, s1  }
0x8c: {  	s16 =	sshll.u32 s0, $0xA;
	s2 =	sadd.s32 s3, s2  }
0x8d: {  	s2 =	sadd.s32 s2, s16  }
0x8e: {  	[smem:$0x3FB9] =	sst s2  }
0x8f: {  	_ = 	snop  }
0x90: {  	(tm) =	ssettm $0x1  }
0x91: {  	s17 =	sld [smem:$0x3FFB];
	_ =	sdelay $0x3  }
0x92: {  	_ =	strace s17  }
0x93: {  	s2 =	sld [smem:$0x3FFC];
	_ =	sdelay $0x3  }
0x94: {  	_ =	strace s2  }
0x95: {  	s2 =	sld [smem:$0x3FFD];
	_ =	sdelay $0x3  }
0x96: {  	_ =	strace s2  }
0x97: {  	_ =	strace $0x8FFFFFFF  }
0x98: {  	s18 =	sld [smem:$0x3FDB];
	_ =	sdelay $0x1  }
0x99: {  	s19 =	simm.s32 $_scs_section_size  }
0x9a: {  	s4 =	simm.s32 $_size__tile_overlayer_lowered;
	s5 =	simm.s32 $_tile_overlayer_lowered  }
0x9b: {  	s22 =	simm.s32 $0x1BFF;
	s21 =	sshll.u32 s5, $0x1;
	s2 =	sadd.s32 s19, s18  }
0x9c: {  	s6 =	simm.s32 $0x0;
	s20 =	sshll.u32 s4, $0x1;
	s4 =	sadd.s32 s21, s2  }
0x9d: {  	[timem:s6], [sflag:s22] =	dma.local [hbm:s4], s20  }
0x9e: {  	_ =	swait.ge [sflag:s22], s20  }
0x9f: {  	s3 =	ssub.s32 $0x0, s20;
	[sflag:s22] =	ssyncset.done $0x0  }
0xa0: {  	[sflag:s22] =	ssyncadd.s32 s3;
	_ =	sdelay $0x1  }
0xa1: {  	s23 =	simm.s32 $0x1B8B  }
0xa2: {  	_ =	swait.ge [sflag:s23], $0x1  }
0xa3: {  	[sflag:s23] =	ssyncset.done $0x0  }
0xa4: {  	s25 =	simm.s32 $0x1B8E;
	s24 =	sld [smem:$0x3FFE];
	[sflag:s23] =	ssyncadd.s32 $0xFFFFFFFF  }
0xa5: {  	s26 =	simm.s32 $execute0_lowered;
	[smem:$0x3FD2] =	sst s25  }
0xa6: {  	s4 =	sshll.u32 s26, $0x1;
	_ =	strace $0x80000046;
	[dreg:$0x1] =	wrdreg $0xFFFFFFFF  }
0xa7: {  	s28 =	simm.s32 $_size_execute0_lowered;
	s2 =	sadd.s32 s2, s4;
	[dreg:$0x0] =	wrdreg $0x0  }
0xa8: {  	s4 =	sshll.u32 s28, $0x1;
	[dreg:$0x2] =	wrdreg s2  }
0xa9: {  	[dreg:$0x3] =	wrdreg s4  }
0xaa: {  	[dreg:$0x4] =	wrdreg $0xC0  }
0xab: {  	_ =	task [dreg:s6], $0x5FFFF  }
0xac: {  	[dreg:$0x1] =	wrdreg $0xFFFFFFFF  }
0xad: {  	[dreg:$0x0] =	wrdreg $0x60  }
0xae: {  	[dreg:$0x2] =	wrdreg s24  }
0xaf: {  	[dreg:$0x3] =	wrdreg $0x56E00  }
0xb0: {  	[dreg:$0x4] =	wrdreg $0x9  }
0xb1: {  	_ =	task.clear_ibuf [dreg:s6], $0x5FFFF;
	_ =	strace $0x90000046  }
0xb2: {  	s29 =	simm.s32 $0x9;
	_ =	strace $0x80000048  }
0xb3: {  	_ =	swait.ge [sflag:s29], $0x1  }
0xb4: {  	[sflag:s29] =	ssyncadd.s32 $0xFFFFFFFF  }
0xb5: {  	_ =	strace $0x90000048  }
0xb6: {  	_ =	sfence  }
0xb7: {  	s30 =	sld [smem:$0x0];
	_ =	sdelay $0x2  }
0xb8: {  	s31 =	sshll.u32 s1, $0xD;
	s1 =	sshrl.u32 s1, $0x2  }
0xb9: {  	s3 =	sand.u32 $0x4000, s31;
	s1 =	sadd.s32 s1, s30  }
0xba: {  	s0 =	sor.u32 s3, s0;
	s1 =	sshll.u32 s1, $0x11  }
0xbb: {  	s0 =	sor.u32 s1, s0  }
0xbc: {  	s0 =	sadd.s32 $0x8F2B, s0  }
0xbd: {  	[sflag:s0] =	ssyncadd.remote.s32 $0x1  }
0xbe: {  	_ =	sfence.sel $0xFFFF  }
0xbf: {  	[dreg:$0x0] =	wrdreg $0xFFFFFFFF;
	(pc) =	sbr.abs _section_cstart, $3  }
0xc0: {  	[dreg:$0x1] =	wrdreg $0xFFFFFFFF  }
0xc1: {  	_ =	task.clear_ibuf [dreg:s6], $0x2FFFF;
	_ =	strace $0x9FFFFFFF  }
0xc2: {  	(tm) =	ssettm $0x7FFFFFFF  }
0xc3: {  	_ =	shalt  }
tec
execute0_lowered:
.L_overlay_start_1:
0x0: {  	(tag) =	ssettag $0x1  }
0x1: {  	s0 =	stileid.u32  }
0x2: {  	s1 =	srdreg.scid;
	s4 =	rddreg [dreg:$0x0]  }
0x3: {  	s2 =	rddreg [dreg:$0x1];
	s3 =	simm.s32 $0x0;
	s10 =	simm.s32 $0x2EE0  }
0x4: {  	s11 =	simm.s32 $0x64;
	s12 =	simm.s32 $0x28A0;
	s15 =	simm.s32 $0x0  }
0x5: {  	s5 =	sand.u32 $0x1, s1;
	s6 =	smul.u32 $0x2800, s0;
	s1 =	rddreg [dreg:$0x2]  }
0x6: {  	[smem:$0x7FF] =	sst s3;
	s8 =	smul.u32 $0x514, s0;
	s13 =	sshll.u32 s0, $0x6  }
0x7: {  	s7 =	smul.u32 $0x28000, s5;
	_ =	strace $0x80000047;
	s9 =	ssub.s32 $0x2, s5  }
0x8: {  	s31 =	smul.u32 $0x5140, s5;
	s13 =	sor.u32 $0x1C01, s13;
	s8 =	sadd.s32 s8, s4  }
0x9: {  	s30 =	sshrl.u32 s9, $0x1;
	s5 =	sadd.s32 s6, s2;
	s7 =	sadd.s32 s6, s7  }
0xa: {  	s9 =	ssub.s32 s9, s30;
	s14 =	sshrl.u32 s5, $0x3;
	s7 =	sshrl.u32 s7, $0x3  }
0xb: {  	s7 =	sadd.s32 s7, s4;
	s4 =	sadd.s32 $0xDE00, s8;
	s8 =	sshrl.u32 s31, $0x2  }
0xc: {  	v0 =	vimm.f32 $1.000000000e+00;
	v1 =	vimm.f32 $0.0e+00;
	s6 =	sadd.s32 $0x13000, s7;
	s7 =	smax.u32 s9, $0x1;
	s9 =	simm.s32 $0x1  }
.LBB2_1:
0xd: {  	[tilespmem:s3], [sflag:$0x1] =	stream.linear.gather [hbm4b:s4+s3], $0x28A0, $0x38;
	[tilespmem:$0x7EE0] =	vst v63  }
0xe: {  	_ =	swait.ge [sflag:s9], $0x28A0  }
0xf: {  	[sflag:s9] =	ssyncset.done $0x0  }
0x10: {  	s16 =	simm.s32 $0x0;
	[sflag:s9] =	ssyncadd.s32 $0xFFFFD760  }
.LBB2_2:
0x11: {  	p0 =	sne.s32 s16, $0x18C0  }
.Ltmp0:
0x12: {  	_ = 	snop;
	(pc) =	sbr.rel @p0 .LBB2_2-.Ltmp0, $3  }
0x13: {  	_ =	sdelay $0x1  }
0x14: {  	s17 =	sshra.s32 s16, $0x2  }
0x15: {  	s16 =	sadd.s32 $0x40, s16;
	[tilespmem:s17+$0x28A0] =	vst v0  }
0x16: {  	s16 =	simm.s32 $0x40;
	s17 =	simm.s32 $0x0  }
.LBB2_4:
0x17: {  	p0 =	sne.s32 s16, $0x9FC0;
	[tilespmem:s17+$0x2EE0] =	vst v1;
	s17 =	smov.u32 s16;
	s16 =	sadd.s32 $0x40, s16  }
.Ltmp1:
0x18: {  	(pc) =	sbr.rel @p0 .LBB2_4-.Ltmp1, $2  }
0x19: {  	_ =	sdelay $0x2  }
0x1a: {  	s17 =	sshra.s32 s17, $0x2  }
0x1b: {  	[tilespmem:s17+$0x2EE0] =	vst v1  }
0x1c: {  	[spmem:s5] =	stream.linear.scatter [tilespmem:s10], [sflag:$0x1], $0x2800, $0x38;
	[tilespmem:$0x7EE0] =	vst v63  }
0x1d: {  	_ =	swait.ge [sflag:s9], $0x2800  }
0x1e: {  	[sflag:s9] =	ssyncset.done $0x0  }
0x1f: {  	[sflag:s9] =	ssyncadd.s32 $0xFFFFD800  }
0x20: {  	s16 =	sadd.s32 $0x0, s8;
	[bflag:$0x0] =	sbarrier.arrive $0xFFFF  }
0x21: {  	[spmem:s2] =	stream.indirect.scatter.add.f32 [tilespmem:s12], [sflag:$0x1], $0x10, s16, s11, $0xb8;
	[tilespmem:$0x7EE0] =	vst v63  }
0x22: {  	s16 =	simm.s32 $0x1A0;
	_ =	swait.ge [sflag:s9], $0x640  }
.LBB2_6:
0x23: {  	s17 =	sshra.s32 s16, $0x2;
	[sflag:s9] =	ssyncset.done $0x0;
	p0 =	sne.s32 s16, $0x4FA0  }
.Ltmp2:
0x24: {  	s17 =	sadd.s32 s17, s8;
	[sflag:s9] =	ssyncadd.s32 $0xFFFFF9C0;
	(pc) =	sbr.rel @p0 .LBB2_6-.Ltmp2, $3  }
0x25: {  	[spmem:s2] =	stream.indirect.scatter.add.f32 [tilespmem:s12], [sflag:$0x1], $0x10, s17, s11, $0xb8;
	[tilespmem:$0x7EE0] =	vst v63  }
0x26: {  	s16 =	sadd.s32 $0x1A0, s16;
	_ =	sdelay $0x1  }
0x27: {  	_ =	swait.ge [sflag:s9], $0x640  }
0x28: {  	[sflag:s9] =	ssyncset.done $0x0;
	s15 =	sadd.s32 $0x1, s15  }
0x29: {  	[sflag:s9] =	ssyncadd.s32 $0xFFFFF9C0;
	p0 =	sne.s32 s15, s7  }
.Ltmp3:
0x2a: {  	[bflag:$0x0] =	sbarrier.arrive $0xFFFF;
	(pc) =	sbr.rel @p0 .LBB2_1-.Ltmp3, $4  }
0x2b: {  	[hbm:s6], [sflag:s13] =	dma.local [spmem:s14], $0x500  }
0x2c: {  	_ =	swait.ge [sflag:s9], $0x500  }
0x2d: {  	[sflag:s9] =	ssyncset.done $0x0  }
0x2e: {  	[sflag:s9] =	ssyncadd.s32 $0xFFFFFB00  }
0x2f: {  	_ =	sfence.sel $0x180000  }
0x30: {  	[bflag:$0x0] =	sbarrier.arrive $0xFFFF  }
0x31: {  	p0 =	sne.s32 s0, $0x0;
	_ =	strace $0x90000047  }
0x32: {  	s0 =	sadd.s32 @!p0 $0x100000, s1;
	[bflag:$0x2] =	sbarrier.arrive $0xFFFF  }
0x33: {  	[sflag:s0] =	ssyncadd.tile.s32 @!p0 $0x1;
	_ =	shalt  }
.Lfunc_end2:
_tile_overlayer_lowered:
.L_overlay_start_2:
0x34: {  	(tag) =	ssettag $0x2  }
0x35: {  	s0 =	rddreg [dreg:$0x0];
	s2 =	stileid.u32  }
0x36: {  	s1 =	rddreg [dreg:$0x1];
	p0 =	sne.s32 s2, $0x0  }
0x37: {  	s3 =	rddreg [dreg:$0x2];
	[bflag:$0x3] =	sbarrier.arrive $0xFFFF;
	s2 =	simm.s32 @!p0 $0x1C01  }
0x38: {  	[timem:s3], [sflag:s2] =	dma.local @!p0 [hbm:s0], s1  }
0x39: {  	s0 =	simm.s32 @!p0 $0x1  }
0x3a: {  	_ =	swait.ge @!p0 [sflag:s0], s1  }
0x3b: {  	s1 =	ssub.s32 @!p0 $0x0, s1;
	[sflag:s0] =	ssyncset.done @!p0 $0x0  }
0x3c: {  	[sflag:s0] =	ssyncadd.s32 @!p0 s1  }
0x3d: {  	[bflag:$0x3] =	sbarrier.arrive $0xFFFF  }
0x3e: {  	_ =	shalt  }

</sc_bundles>
